<compile_context>
chip_gen: v7x
topology: tpu7x:2x2x1
jax: 0.10.2.dev20260603
libtpu: 0.0.44.dev20260713+nightly
codegen_flags: <defaults>
</compile_context>

<pallas_src>
import functools

import jax
import jax.numpy as jnp
import numpy as np
from jax import lax
from jax.experimental import pallas as pl
from jax.experimental.pallas import tpu as pltpu
from jax.experimental.pallas import tpu_sc as plsc

_N_NODES = 10000
_N_EDGES = 320000
_D = 128
_DE = 16
_TD = 10
_B = 4096
_K = 20
_H = 2
_DH = 64
_NE = 3 * _B
_NR = _NE * _K

_NC = 2
_NS = 16
_NW = _NC * _NS
_ROWS_W = _NR // _NW
_CH = 480
_NCH = _ROWS_W // _CH
_SRC_W = _NE // _NW


_DW = _D // 2
_EW = _DE // 2


def _gather_body(nodep_hbm, edgep_hbm, node_hbm, nbidx_hbm, eidx_hbm,
                 srcidx_hbm, comb_out, src_out,
                 idx_v, eidx_v, rows_v, erows_v, sidx_v, srows_v, sem0, sem1):
    wid = lax.axis_index("s") * _NC + lax.axis_index("c")

    sbase = wid * _SRC_W
    pltpu.sync_copy(srcidx_hbm.at[pl.ds(sbase, _SRC_W)], sidx_v)
    cps = pltpu.async_copy(node_hbm.at[sidx_v], srows_v, sem1)

    for c in range(_NCH):
        base = wid * _ROWS_W + c * _CH
        pltpu.sync_copy(nbidx_hbm.at[pl.ds(base, _CH)], idx_v)
        pltpu.sync_copy(eidx_hbm.at[pl.ds(base, _CH)], eidx_v)
        cp0 = pltpu.async_copy(nodep_hbm.at[idx_v], rows_v, sem0)
        cp1 = pltpu.async_copy(edgep_hbm.at[eidx_v], erows_v, sem0)
        cp0.wait()
        cp1.wait()
        pltpu.sync_copy(rows_v, comb_out.at[pl.ds(base, _CH), pl.ds(0, _DW)])
        pltpu.sync_copy(erows_v,
                        comb_out.at[pl.ds(base, _CH), pl.ds(_DW, _EW)])

    cps.wait()
    pltpu.sync_copy(srows_v, src_out.at[pl.ds(sbase, _SRC_W)])


@functools.cache
def _make_gather():
    return pl.kernel(
        _gather_body,
        mesh=plsc.VectorSubcoreMesh(core_axis_name="c", subcore_axis_name="s"),
        compiler_params=pltpu.CompilerParams(use_tc_tiling_on_sc=False),
        out_type=[
            jax.ShapeDtypeStruct((_NR, _D), jnp.int32),
            jax.ShapeDtypeStruct((_NE, _D), jnp.float32),
        ],
        scratch_types=[
            pltpu.VMEM((_CH,), jnp.int32),
            pltpu.VMEM((_CH,), jnp.int32),
            pltpu.VMEM((_CH, _DW), jnp.int32),
            pltpu.VMEM((_CH, _EW), jnp.int32),
            pltpu.VMEM((_SRC_W,), jnp.int32),
            pltpu.VMEM((_SRC_W, _D), jnp.float32),
            pltpu.SemaphoreType.DMA,
            pltpu.SemaphoreType.DMA,
        ],
    )


_BE = 256
_NBLK = _NE // _BE

_COSC = (1.0, -19.739208, 64.93939, -85.45666, 60.24213, -26.404669,
         7.8001313, -1.4531124)
def _rnd(x):
    half = jnp.where(x >= 0, jnp.float32(0.5), jnp.float32(-0.5))
    return (x + half).astype(jnp.int32).astype(jnp.float32)


def _cospoly(r):
    t = r * r
    acc = jnp.float32(_COSC[-1])
    for c in _COSC[-2::-1]:
        acc = acc * t + jnp.float32(c)
    return acc


def _split12(x):
    return jax.lax.bitcast_convert_type(
        jax.lax.bitcast_convert_type(x, jnp.int32) & jnp.int32(-4096),
        jnp.float32)


def _dense_body(dt_ref, src_ref, comb_ref, whi_ref, wlo_ref, bred_ref,
                bredq_ref, wq_ref, wkv_ref, w1_ref, b1_ref, w2_ref, b2_ref,
                bones_ref, out_ref):
    f32 = jnp.float32
    bf16 = jnp.bfloat16
    def _unpk(w, n):
        lo = jax.lax.bitcast_convert_type(w << 16, f32)
        hi = jax.lax.bitcast_convert_type(w & jnp.int32(-65536), f32)
        return (lo.astype(bf16).reshape(_K * _BE, n),
                hi.astype(bf16).reshape(_K * _BE, n))

    comb = comb_ref[...]
    nbl, nbh = _unpk(comb[:, :, 0:_DW], _DW)
    evl, evh = _unpk(comb[:, :, _DW:_DW + _EW], _EW)

    dt = dt_ref[...]
    dthi = _split12(dt)
    dtlo = dt - dthi
    whi = whi_ref[...]
    wlo = wlo_ref[...]
    u1 = dthi * whi
    r1 = u1 - _rnd(u1)
    u2 = dthi * wlo + dtlo * (whi + wlo)
    v = r1 + (u2 - _rnd(u2)) + bred_ref[...]
    v = v - _rnd(v)
    te3 = _cospoly(v).astype(bf16)

    wkv = wkv_ref[...].astype(bf16)
    kv = jnp.dot(nbl, wkv[0:_DW], preferred_element_type=f32)
    kv += jnp.dot(nbh, wkv[_DW:_D], preferred_element_type=f32)
    kv += jnp.dot(evl, wkv[_D:_D + _EW], preferred_element_type=f32)
    kv += jnp.dot(evh, wkv[_D + _EW:_D + _DE], preferred_element_type=f32)
    wt = wkv[_D + _DE:]
    lhsT = (((0,), (0,)), ((), ()))
    kv += jnp.concatenate(
        [jax.lax.dot_general(te3[k], wt, lhsT, preferred_element_type=f32)
         for k in range(_K)], axis=0)

    src = src_ref[...]
    q = jnp.dot(src, wq_ref[0:_D], preferred_element_type=f32)
    q += jnp.dot(_cospoly(bredq_ref[...]), wq_ref[_D:],
                 preferred_element_type=f32)

    scale = 1.0 / (_DH ** 0.5)
    k3 = kv[:, :_D].reshape(_K, _BE, _D)
    v3 = kv[:, _D:].reshape(_K, _BE, _D)
    prod = k3 * q[None, :, :]
    logb = jnp.dot(prod.reshape(_K * _BE, _D), bones_ref[...],
                   preferred_element_type=f32).reshape(_K, _BE, _D) * scale
    mx = jnp.max(logb, axis=0, keepdims=True)
    p = jnp.exp(logb - mx)
    s = jnp.sum(p, axis=0)
    att = jnp.sum(p * v3, axis=0) / s

    w1 = w1_ref[...]
    hm = jnp.dot(src, w1[_H * _DH:], preferred_element_type=f32) + b1_ref[...]
    hm += jnp.dot(att, w1[:_H * _DH], preferred_element_type=f32)
    hr = jnp.maximum(hm, 0.0)
    out_ref[...] = jnp.dot(hr, w2_ref[...], preferred_element_type=f32) + b2_ref[...]


def _dense(dt, src, comb, whi, wlo, bred, bredq, wq, wkv, w1, b1, w2, b2,
           bones):
    b3 = lambda last: pl.BlockSpec((_K, _BE, last), lambda i: (0, i, 0))
    full = lambda shp: pl.BlockSpec(shp, lambda i: (0,) * len(shp))
    return pl.pallas_call(
        _dense_body,
        grid=(_NBLK,),
        in_specs=[
            pl.BlockSpec((_K, 1, _BE), lambda i: (0, 0, i)),
            pl.BlockSpec((_BE, _D), lambda i: (i, 0)),
            b3(_D),
            full((1, _TD, 1)),
            full((1, _TD, 1)),
            full((1, _TD, 1)),
            full((1, _TD)),
            full((_D + _TD, _D)),
            full((_D + _DE + _TD, 2 * _D)),
            full((_H * _DH + _D, _D)),
            full((1, _D)),
            full((_D, _D)),
            full((1, _D)),
            full((_D, _D)),
        ],
        out_specs=pl.BlockSpec((_BE, _D), lambda i: (i, 0)),
        out_shape=jax.ShapeDtypeStruct((_NE, _D), jnp.float32),
    )(dt, src, comb, whi, wlo, bred, bredq, wq, wkv, w1, b1, w2, b2, bones)


def kernel(source_nodes, destination_nodes, negative_nodes, edge_times,
           edge_idxs, n_neighbors, neighbor_idx, neighbor_eidx, neighbor_ts,
           node_feats, edge_feats, w_t, b_t, Wq, Wk, Wv, W1, b1, W2, b2):
    del edge_idxs, n_neighbors
    nodes = jnp.concatenate(
        [source_nodes, destination_nodes, negative_nodes]).astype(jnp.int32)
    nbidx = neighbor_idx.astype(jnp.int32).T.reshape(-1)
    eidx = neighbor_eidx.astype(jnp.int32).T.reshape(-1)
    ts3 = jnp.concatenate([edge_times, edge_times, edge_times])
    dt = (ts3[:, None] - neighbor_ts).T.reshape(_K, 1, _NE)

    def _pack(t, w):
        tb = t.astype(jnp.bfloat16)
        lo = jax.lax.bitcast_convert_type(tb[:, :w], jnp.uint16).astype(jnp.uint32)
        hi = jax.lax.bitcast_convert_type(tb[:, w:], jnp.uint16).astype(jnp.uint32)
        return jax.lax.bitcast_convert_type(lo | (hi << 16), jnp.int32)

    node_p = _pack(node_feats, _DW)
    edge_p = _pack(edge_feats, _EW)
    comb, src = _make_gather()(node_p, edge_p, node_feats, nbidx, eidx, nodes)

    inv2pi = 0.15915494309189535
    chi = float(np.float32(inv2pi))
    clo = float(np.float32(inv2pi - chi))
    chi_bits = np.float32(chi).view(np.int32)
    chh = float((chi_bits & np.int32(-4096)).view(np.float32))
    chl = chi - chh
    w = w_t.astype(jnp.float32)
    wh = _split12(w)
    wl = w - wh
    whi = _split12(w * chi)
    wlo = (wh * chh - whi) + (wh * chl + wl * chi) + w * clo
    bphase = b_t * chi + b_t * clo
    bred = bphase - jnp.round(bphase)

    wkv = jnp.concatenate([Wk, Wv], axis=1)
    lane = jnp.arange(_D, dtype=jnp.int32)
    bones = (lane[:, None] // _DH == lane[None, :] // _DH).astype(jnp.float32)
    return _dense(dt, src, comb.reshape(_K, _NE, _D),
                  whi.reshape(1, _TD, 1), wlo.reshape(1, _TD, 1),
                  bred.reshape(1, _TD, 1), bred.reshape(1, _TD),
                  Wq, wkv, W1, b1.reshape(1, _D), W2, b2.reshape(1, _D), bones)

# --- scband reference (transcript-rebuilt; emitter-appended) ---
"""Pipeline reference for scband-tgn-34273839022895 (READ-ONLY COPY).

The authoritative reference and input builder live on the scoring server;
editing this copy changes nothing except your own understanding.
"""

import jax, jax.numpy as jnp
import numpy as np

N_NODES = 10000
N_EDGES = 320000
D = 128
DE = 16
TD = 10
B = 4096
K = 20
H = 2
DH = 64


def time_encode(t, w_t, b_t):
    # TimeEncode: cos(t * w + b), harmonic frequencies
    return jnp.cos(t[..., None] * w_t + b_t)


def setup_inputs(seed: int = 0):
    key = jax.random.key(seed)
    ks = jax.random.split(key, 16)
    inp = {}
    inp["source_nodes"] = jax.random.randint(ks[0], (B,), 0, N_NODES)
    inp["destination_nodes"] = jax.random.randint(ks[1], (B,), 0, N_NODES)
    inp["negative_nodes"] = jax.random.randint(ks[2], (B,), 0, N_NODES)
    inp["edge_times"] = jax.random.uniform(ks[3], (B,), jnp.float32, 0.0, 1e6)
    inp["edge_idxs"] = jax.random.randint(ks[4], (B,), 0, N_EDGES)
    inp["n_neighbors"] = 20
    # temporal neighbor sampler output (stands in for neighbor_finder)
    inp["neighbor_idx"] = jax.random.randint(ks[5], (3 * B, K), 0, N_NODES)
    inp["neighbor_eidx"] = jax.random.randint(ks[6], (3 * B, K), 0, N_EDGES)
    inp["neighbor_ts"] = jax.random.uniform(ks[7], (3 * B, K), jnp.float32, 0.0, 1e6)
    # raw feature tables (constructor args node_features / edge_features)
    inp["node_feats"] = jax.random.normal(ks[8], (N_NODES, D), jnp.float32)
    inp["edge_feats"] = jax.random.normal(ks[9], (N_EDGES, DE), jnp.float32)
    # learned parameters
    inp["w_t"] = jnp.asarray(1.0 / 10.0 ** np.linspace(0, 9, TD), jnp.float32)
    inp["b_t"] = jnp.zeros((TD,), jnp.float32)
    inp["Wq"] = jax.random.normal(ks[10], (D + TD, H * DH), jnp.float32) * 0.05
    inp["Wk"] = jax.random.normal(ks[11], (D + DE + TD, H * DH), jnp.float32) * 0.05
    inp["Wv"] = jax.random.normal(ks[12], (D + DE + TD, H * DH), jnp.float32) * 0.05
    inp["W1"] = jax.random.normal(ks[13], (H * DH + D, D), jnp.float32) * 0.05
    inp["b1"] = jnp.zeros((D,), jnp.float32)
    inp["W2"] = jax.random.normal(ks[14], (D, D), jnp.float32) * 0.05
    inp["b2"] = jnp.zeros((D,), jnp.float32)
    return inp


def _embed(source_nodes, destination_nodes, negative_nodes, edge_times,
           neighbor_idx, neighbor_eidx, neighbor_ts,
           node_feats, edge_feats, w_t, b_t, Wq, Wk, Wv, W1, b1, W2, b2):
    # compute_temporal_embeddings: concat src/dst/neg event nodes
    nodes = jnp.concatenate([source_nodes, destination_nodes, negative_nodes])
    ts = jnp.concatenate([edge_times, edge_times, edge_times])
    # gather root node features (memory-bound gather)
    src_feat = jnp.take(node_feats, nodes, axis=0)
    src_te = time_encode(jnp.zeros_like(ts), w_t, b_t)
    # gather temporal neighbor node features and edge features
    nb_feat = jnp.take(node_feats, neighbor_idx, axis=0)
    e_feat = jnp.take(edge_feats, neighbor_eidx, axis=0)
    dt = ts[:, None] - neighbor_ts
    te = time_encode(dt, w_t, b_t)
    # temporal graph attention (TGAT layer)
    q = (jnp.concatenate([src_feat, src_te], axis=-1) @ Wq).reshape(-1, H, DH)
    kin = jnp.concatenate([nb_feat, e_feat, te], axis=-1)
    k = (kin @ Wk).reshape(-1, K, H, DH)
    v = (kin @ Wv).reshape(-1, K, H, DH)
    logits = jnp.einsum('nhd,nkhd->nhk', q, k) / jnp.sqrt(DH * 1.0)
    attn = jax.nn.softmax(logits, axis=-1)
    out = jnp.einsum('nhk,nkhd->nhd', attn, v).reshape(-1, H * DH)
    # MergeLayer: combine attention output with root features
    h = jax.nn.relu(jnp.concatenate([out, src_feat], axis=-1) @ W1 + b1)
    emb = h @ W2 + b2
    return emb


def reference(source_nodes, destination_nodes, negative_nodes, edge_times, edge_idxs,
              n_neighbors, neighbor_idx, neighbor_eidx, neighbor_ts,
              node_feats, edge_feats, w_t, b_t, Wq, Wk, Wv, W1, b1, W2, b2):
    # returns node_embedding for [src; dst; neg] events: float32[3*B, D]
    return _embed(source_nodes, destination_nodes, negative_nodes, edge_times,
                  neighbor_idx, neighbor_eidx, neighbor_ts,
                  node_feats, edge_feats, w_t, b_t, Wq, Wk, Wv, W1, b1, W2, b2)

if __name__ == "__main__":
    import jax
    _d = setup_inputs()
    print(jax.jit(kernel)(*tuple(_d.values())))

</pallas_src>

<mosaic_0001>
#map = affine_map<(d0, d1) -> (0, 0)>
#map1 = affine_map<(d0, d1) -> (0)>
module attributes {stable_mosaic.version = 14 : i64} {
  func.func @_gather_body(%arg0: i32, %arg1: i32, %arg2: memref<10000x64xi32, #tpu.memory_space<hbm>>, %arg3: memref<320000x8xi32, #tpu.memory_space<hbm>>, %arg4: memref<10000x128xf32, #tpu.memory_space<hbm>>, %arg5: memref<245760xi32, #tpu.memory_space<hbm>>, %arg6: memref<245760xi32, #tpu.memory_space<hbm>>, %arg7: memref<12288xi32, #tpu.memory_space<hbm>>, %arg8: memref<245760x128xi32, #tpu.memory_space<hbm>>, %arg9: memref<12288x128xf32, #tpu.memory_space<hbm>>, %arg10: memref<480xi32, #tpu.memory_space<vmem>>, %arg11: memref<480xi32, #tpu.memory_space<vmem>>, %arg12: memref<480x64xi32, #tpu.memory_space<vmem>>, %arg13: memref<480x8xi32, #tpu.memory_space<vmem>>, %arg14: memref<384xi32, #tpu.memory_space<vmem>>, %arg15: memref<384x128xf32, #tpu.memory_space<vmem>>, %arg16: memref<!tpu.dma_semaphore, #tpu.memory_space<semaphore_mem>>, %arg17: memref<!tpu.dma_semaphore, #tpu.memory_space<semaphore_mem>>) attributes {dimension_semantics = [#tpu.dimension_semantics<core_parallel>, #tpu.dimension_semantics<subcore_parallel>], iteration_bounds = array<i64: 2, 16>, scalar_prefetch = 0 : i64, scratch_operands = 8 : i64, tpu.core_type = #tpu.core_type<sc_vector_subcore>, window_params = [{transform_indices = #map}, {transform_indices = #map}, {transform_indices = #map}, {transform_indices = #map1}, {transform_indices = #map1}, {transform_indices = #map1}, {transform_indices = #map}, {transform_indices = #map}]} {
    %mul3A = arith.constant 2 : i32
    %mul3A_0 = arith.muli %arg1, %mul3A : i32
    %add3A = arith.addi %mul3A_0, %arg0 : i32
    %mul3A_1 = arith.constant 384 : i32
    %mul3A_2 = arith.muli %add3A, %mul3A_1 : i32
    "tpu.region"() ({
      %run_scoped3A = tpu.sem_alloc : memref<!tpu.dma_semaphore, #tpu.memory_space<semaphore_mem>>
      %dma_start3A_263 = tpu.memref_slice %arg7[%mul3A_2] : memref<12288xi32, #tpu.memory_space<hbm>> -> memref<384xi32, #tpu.memory_space<hbm>>
      %dma_start3A_264 = tpu.memref_slice %arg7[%mul3A_2] : memref<12288xi32, #tpu.memory_space<hbm>> -> memref<384xi32, #tpu.memory_space<hbm>>
      tpu.enqueue_dma source(%dma_start3A_264 : memref<384xi32, #tpu.memory_space<hbm>>) target(%arg14 : memref<384xi32, #tpu.memory_space<vmem>>) target_semaphore(%run_scoped3A : memref<!tpu.dma_semaphore, #tpu.memory_space<semaphore_mem>>)
      %dma_wait3A_265 = tpu.memref_slice %arg7[%mul3A_2] : memref<12288xi32, #tpu.memory_space<hbm>> -> memref<384xi32, #tpu.memory_space<hbm>>
      %dma_wait3A_266 = tpu.memref_slice %arg7[%mul3A_2] : memref<12288xi32, #tpu.memory_space<hbm>> -> memref<384xi32, #tpu.memory_space<hbm>>
      tpu.wait_dma2 semaphore(%run_scoped3A : memref<!tpu.dma_semaphore, #tpu.memory_space<semaphore_mem>>) src(%dma_wait3A_266 : memref<384xi32, #tpu.memory_space<hbm>>) dst(%arg14 : memref<384xi32, #tpu.memory_space<vmem>>)
      tpu.yield
    }) : () -> ()
    %dma_start3A = arith.constant 0 : i32
    %dma_start3A_3 = arith.constant 0 : i32
    %dma_start3A_4 = tpu.memref_slice %arg4[%dma_start3A, %dma_start3A_3] : memref<10000x128xf32, #tpu.memory_space<hbm>> -> memref<10000x128xf32, #tpu.memory_space<hbm>>
    tpu.enqueue_indirect_dma source(%dma_start3A_4 : memref<10000x128xf32, #tpu.memory_space<hbm>>) target(%arg15 : memref<384x128xf32, #tpu.memory_space<vmem>>) offsets(%arg14 : memref<384xi32, #tpu.memory_space<vmem>>) semaphore(%arg17 : memref<!tpu.dma_semaphore, #tpu.memory_space<semaphore_mem>>)
    %mul3A_5 = arith.constant 7680 : i32
    %mul3A_6 = arith.muli %add3A, %mul3A_5 : i32
    %add3A_7 = arith.constant 0 : i32
    %add3A_8 = arith.addi %mul3A_6, %add3A_7 : i32
    "tpu.region"() ({
      %run_scoped3A = tpu.sem_alloc : memref<!tpu.dma_semaphore, #tpu.memory_space<semaphore_mem>>
      %dma_start3A_263 = tpu.memref_slice %arg5[%add3A_8] : memref<245760xi32, #tpu.memory_space<hbm>> -> memref<480xi32, #tpu.memory_space<hbm>>
      %dma_start3A_264 = tpu.memref_slice %arg5[%add3A_8] : memref<245760xi32, #tpu.memory_space<hbm>> -> memref<480xi32, #tpu.memory_space<hbm>>
      tpu.enqueue_dma source(%dma_start3A_264 : memref<480xi32, #tpu.memory_space<hbm>>) target(%arg10 : memref<480xi32, #tpu.memory_space<vmem>>) target_semaphore(%run_scoped3A : memref<!tpu.dma_semaphore, #tpu.memory_space<semaphore_mem>>)
      %dma_wait3A_265 = tpu.memref_slice %arg5[%add3A_8] : memref<245760xi32, #tpu.memory_space<hbm>> -> memref<480xi32, #tpu.memory_space<hbm>>
      %dma_wait3A_266 = tpu.memref_slice %arg5[%add3A_8] : memref<245760xi32, #tpu.memory_space<hbm>> -> memref<480xi32, #tpu.memory_space<hbm>>
      tpu.wait_dma2 semaphore(%run_scoped3A : memref<!tpu.dma_semaphore, #tpu.memory_space<semaphore_mem>>) src(%dma_wait3A_266 : memref<480xi32, #tpu.memory_space<hbm>>) dst(%arg10 : memref<480xi32, #tpu.memory_space<vmem>>)
      tpu.yield
    }) : () -> ()
    "tpu.region"() ({
      %run_scoped3A = tpu.sem_alloc : memref<!tpu.dma_semaphore, #tpu.memory_space<semaphore_mem>>
      %dma_start3A_263 = tpu.memref_slice %arg6[%add3A_8] : memref<245760xi32, #tpu.memory_space<hbm>> -> memref<480xi32, #tpu.memory_space<hbm>>
      %dma_start3A_264 = tpu.memref_slice %arg6[%add3A_8] : memref<245760xi32, #tpu.memory_space<hbm>> -> memref<480xi32, #tpu.memory_space<hbm>>
      tpu.enqueue_dma source(%dma_start3A_264 : memref<480xi32, #tpu.memory_space<hbm>>) target(%arg11 : memref<480xi32, #tpu.memory_space<vmem>>) target_semaphore(%run_scoped3A : memref<!tpu.dma_semaphore, #tpu.memory_space<semaphore_mem>>)
      %dma_wait3A_265 = tpu.memref_slice %arg6[%add3A_8] : memref<245760xi32, #tpu.memory_space<hbm>> -> memref<480xi32, #tpu.memory_space<hbm>>
      %dma_wait3A_266 = tpu.memref_slice %arg6[%add3A_8] : memref<245760xi32, #tpu.memory_space<hbm>> -> memref<480xi32, #tpu.memory_space<hbm>>
      tpu.wait_dma2 semaphore(%run_scoped3A : memref<!tpu.dma_semaphore, #tpu.memory_space<semaphore_mem>>) src(%dma_wait3A_266 : memref<480xi32, #tpu.memory_space<hbm>>) dst(%arg11 : memref<480xi32, #tpu.memory_space<vmem>>)
      tpu.yield
    }) : () -> ()
    %dma_start3A_9 = arith.constant 0 : i32
    %dma_start3A_10 = arith.constant 0 : i32
    %dma_start3A_11 = tpu.memref_slice %arg2[%dma_start3A_9, %dma_start3A_10] : memref<10000x64xi32, #tpu.memory_space<hbm>> -> memref<10000x64xi32, #tpu.memory_space<hbm>>
    tpu.enqueue_indirect_dma source(%dma_start3A_11 : memref<10000x64xi32, #tpu.memory_space<hbm>>) target(%arg12 : memref<480x64xi32, #tpu.memory_space<vmem>>) offsets(%arg10 : memref<480xi32, #tpu.memory_space<vmem>>) semaphore(%arg16 : memref<!tpu.dma_semaphore, #tpu.memory_space<semaphore_mem>>)
    %dma_start3A_12 = arith.constant 0 : i32
    %dma_start3A_13 = arith.constant 0 : i32
    %dma_start3A_14 = tpu.memref_slice %arg3[%dma_start3A_12, %dma_start3A_13] : memref<320000x8xi32, #tpu.memory_space<hbm>> -> memref<320000x8xi32, #tpu.memory_space<hbm>>
    tpu.enqueue_indirect_dma source(%dma_start3A_14 : memref<320000x8xi32, #tpu.memory_space<hbm>>) target(%arg13 : memref<480x8xi32, #tpu.memory_space<vmem>>) offsets(%arg11 : memref<480xi32, #tpu.memory_space<vmem>>) semaphore(%arg16 : memref<!tpu.dma_semaphore, #tpu.memory_space<semaphore_mem>>)
    %dma_wait3A = arith.constant 0 : i32
    %dma_wait3A_15 = arith.constant 0 : i32
    %dma_wait3A_16 = tpu.memref_slice %arg2[%dma_wait3A, %dma_wait3A_15] : memref<10000x64xi32, #tpu.memory_space<hbm>> -> memref<10000x64xi32, #tpu.memory_space<hbm>>
    tpu.wait_indirect_dma semaphore(%arg16 : memref<!tpu.dma_semaphore, #tpu.memory_space<semaphore_mem>>) src(%dma_wait3A_16 : memref<10000x64xi32, #tpu.memory_space<hbm>>) dst(%arg12 : memref<480x64xi32, #tpu.memory_space<vmem>>)
    %dma_wait3A_17 = arith.constant 0 : i32
    %dma_wait3A_18 = arith.constant 0 : i32
    %dma_wait3A_19 = tpu.memref_slice %arg3[%dma_wait3A_17, %dma_wait3A_18] : memref<320000x8xi32, #tpu.memory_space<hbm>> -> memref<320000x8xi32, #tpu.memory_space<hbm>>
    tpu.wait_indirect_dma semaphore(%arg16 : memref<!tpu.dma_semaphore, #tpu.memory_space<semaphore_mem>>) src(%dma_wait3A_19 : memref<320000x8xi32, #tpu.memory_space<hbm>>) dst(%arg13 : memref<480x8xi32, #tpu.memory_space<vmem>>)
    "tpu.region"() ({
      %run_scoped3A = tpu.sem_alloc : memref<!tpu.dma_semaphore, #tpu.memory_space<semaphore_mem>>
      %dma_start3A_263 = arith.constant 0 : i32
      %dma_start3A_264 = tpu.memref_slice %arg8[%add3A_8, %dma_start3A_263] : memref<245760x128xi32, #tpu.memory_space<hbm>> -> memref<480x64xi32, #tpu.memory_space<hbm>>
      %dma_start3A_265 = arith.constant 0 : i32
      %dma_start3A_266 = tpu.memref_slice %arg8[%add3A_8, %dma_start3A_265] : memref<245760x128xi32, #tpu.memory_space<hbm>> -> memref<480x64xi32, #tpu.memory_space<hbm>>
      tpu.enqueue_dma source(%arg12 : memref<480x64xi32, #tpu.memory_space<vmem>>) target(%dma_start3A_266 : memref<480x64xi32, #tpu.memory_space<hbm>>) target_semaphore(%run_scoped3A : memref<!tpu.dma_semaphore, #tpu.memory_space<semaphore_mem>>)
      %dma_wait3A_267 = arith.constant 0 : i32
      %dma_wait3A_268 = tpu.memref_slice %arg8[%add3A_8, %dma_wait3A_267] : memref<245760x128xi32, #tpu.memory_space<hbm>> -> memref<480x64xi32, #tpu.memory_space<hbm>>
      %dma_wait3A_269 = arith.constant 0 : i32
      %dma_wait3A_270 = tpu.memref_slice %arg8[%add3A_8, %dma_wait3A_269] : memref<245760x128xi32, #tpu.memory_space<hbm>> -> memref<480x64xi32, #tpu.memory_space<hbm>>
      tpu.wait_dma2 semaphore(%run_scoped3A : memref<!tpu.dma_semaphore, #tpu.memory_space<semaphore_mem>>) src(%arg12 : memref<480x64xi32, #tpu.memory_space<vmem>>) dst(%dma_wait3A_270 : memref<480x64xi32, #tpu.memory_space<hbm>>)
      tpu.yield
    }) : () -> ()
    "tpu.region"() ({
      %run_scoped3A = tpu.sem_alloc : memref<!tpu.dma_semaphore, #tpu.memory_space<semaphore_mem>>
      %dma_start3A_263 = arith.constant 64 : i32
      %dma_start3A_264 = tpu.memref_slice %arg8[%add3A_8, %dma_start3A_263] : memref<245760x128xi32, #tpu.memory_space<hbm>> -> memref<480x8xi32, #tpu.memory_space<hbm>>
      %dma_start3A_265 = arith.constant 64 : i32
      %dma_start3A_266 = tpu.memref_slice %arg8[%add3A_8, %dma_start3A_265] : memref<245760x128xi32, #tpu.memory_space<hbm>> -> memref<480x8xi32, #tpu.memory_space<hbm>>
      tpu.enqueue_dma source(%arg13 : memref<480x8xi32, #tpu.memory_space<vmem>>) target(%dma_start3A_266 : memref<480x8xi32, #tpu.memory_space<hbm>>) target_semaphore(%run_scoped3A : memref<!tpu.dma_semaphore, #tpu.memory_space<semaphore_mem>>)
      %dma_wait3A_267 = arith.constant 64 : i32
      %dma_wait3A_268 = tpu.memref_slice %arg8[%add3A_8, %dma_wait3A_267] : memref<245760x128xi32, #tpu.memory_space<hbm>> -> memref<480x8xi32, #tpu.memory_space<hbm>>
      %dma_wait3A_269 = arith.constant 64 : i32
      %dma_wait3A_270 = tpu.memref_slice %arg8[%add3A_8, %dma_wait3A_269] : memref<245760x128xi32, #tpu.memory_space<hbm>> -> memref<480x8xi32, #tpu.memory_space<hbm>>
      tpu.wait_dma2 semaphore(%run_scoped3A : memref<!tpu.dma_semaphore, #tpu.memory_space<semaphore_mem>>) src(%arg13 : memref<480x8xi32, #tpu.memory_space<vmem>>) dst(%dma_wait3A_270 : memref<480x8xi32, #tpu.memory_space<hbm>>)
      tpu.yield
    }) : () -> ()
    %mul3A_20 = arith.constant 7680 : i32
    %mul3A_21 = arith.muli %add3A, %mul3A_20 : i32
    %add3A_22 = arith.constant 480 : i32
    %add3A_23 = arith.addi %mul3A_21, %add3A_22 : i32
    "tpu.region"() ({
      %run_scoped3A = tpu.sem_alloc : memref<!tpu.dma_semaphore, #tpu.memory_space<semaphore_mem>>
      %dma_start3A_263 = tpu.memref_slice %arg5[%add3A_23] : memref<245760xi32, #tpu.memory_space<hbm>> -> memref<480xi32, #tpu.memory_space<hbm>>
      %dma_start3A_264 = tpu.memref_slice %arg5[%add3A_23] : memref<245760xi32, #tpu.memory_space<hbm>> -> memref<480xi32, #tpu.memory_space<hbm>>
      tpu.enqueue_dma source(%dma_start3A_264 : memref<480xi32, #tpu.memory_space<hbm>>) target(%arg10 : memref<480xi32, #tpu.memory_space<vmem>>) target_semaphore(%run_scoped3A : memref<!tpu.dma_semaphore, #tpu.memory_space<semaphore_mem>>)
      %dma_wait3A_265 = tpu.memref_slice %arg5[%add3A_23] : memref<245760xi32, #tpu.memory_space<hbm>> -> memref<480xi32, #tpu.memory_space<hbm>>
      %dma_wait3A_266 = tpu.memref_slice %arg5[%add3A_23] : memref<245760xi32, #tpu.memory_space<hbm>> -> memref<480xi32, #tpu.memory_space<hbm>>
      tpu.wait_dma2 semaphore(%run_scoped3A : memref<!tpu.dma_semaphore, #tpu.memory_space<semaphore_mem>>) src(%dma_wait3A_266 : memref<480xi32, #tpu.memory_space<hbm>>) dst(%arg10 : memref<480xi32, #tpu.memory_space<vmem>>)
      tpu.yield
    }) : () -> ()
    "tpu.region"() ({
      %run_scoped3A = tpu.sem_alloc : memref<!tpu.dma_semaphore, #tpu.memory_space<semaphore_mem>>
      %dma_start3A_263 = tpu.memref_slice %arg6[%add3A_23] : memref<245760xi32, #tpu.memory_space<hbm>> -> memref<480xi32, #tpu.memory_space<hbm>>
      %dma_start3A_264 = tpu.memref_slice %arg6[%add3A_23] : memref<245760xi32, #tpu.memory_space<hbm>> -> memref<480xi32, #tpu.memory_space<hbm>>
      tpu.enqueue_dma source(%dma_start3A_264 : memref<480xi32, #tpu.memory_space<hbm>>) target(%arg11 : memref<480xi32, #tpu.memory_space<vmem>>) target_semaphore(%run_scoped3A : memref<!tpu.dma_semaphore, #tpu.memory_space<semaphore_mem>>)
      %dma_wait3A_265 = tpu.memref_slice %arg6[%add3A_23] : memref<245760xi32, #tpu.memory_space<hbm>> -> memref<480xi32, #tpu.memory_space<hbm>>
      %dma_wait3A_266 = tpu.memref_slice %arg6[%add3A_23] : memref<245760xi32, #tpu.memory_space<hbm>> -> memref<480xi32, #tpu.memory_space<hbm>>
      tpu.wait_dma2 semaphore(%run_scoped3A : memref<!tpu.dma_semaphore, #tpu.memory_space<semaphore_mem>>) src(%dma_wait3A_266 : memref<480xi32, #tpu.memory_space<hbm>>) dst(%arg11 : memref<480xi32, #tpu.memory_space<vmem>>)
      tpu.yield
    }) : () -> ()
    %dma_start3A_24 = arith.constant 0 : i32
    %dma_start3A_25 = arith.constant 0 : i32
    %dma_start3A_26 = tpu.memref_slice %arg2[%dma_start3A_24, %dma_start3A_25] : memref<10000x64xi32, #tpu.memory_space<hbm>> -> memref<10000x64xi32, #tpu.memory_space<hbm>>
    tpu.enqueue_indirect_dma source(%dma_start3A_26 : memref<10000x64xi32, #tpu.memory_space<hbm>>) target(%arg12 : memref<480x64xi32, #tpu.memory_space<vmem>>) offsets(%arg10 : memref<480xi32, #tpu.memory_space<vmem>>) semaphore(%arg16 : memref<!tpu.dma_semaphore, #tpu.memory_space<semaphore_mem>>)
    %dma_start3A_27 = arith.constant 0 : i32
    %dma_start3A_28 = arith.constant 0 : i32
    %dma_start3A_29 = tpu.memref_slice %arg3[%dma_start3A_27, %dma_start3A_28] : memref<320000x8xi32, #tpu.memory_space<hbm>> -> memref<320000x8xi32, #tpu.memory_space<hbm>>
    tpu.enqueue_indirect_dma source(%dma_start3A_29 : memref<320000x8xi32, #tpu.memory_space<hbm>>) target(%arg13 : memref<480x8xi32, #tpu.memory_space<vmem>>) offsets(%arg11 : memref<480xi32, #tpu.memory_space<vmem>>) semaphore(%arg16 : memref<!tpu.dma_semaphore, #tpu.memory_space<semaphore_mem>>)
    %dma_wait3A_30 = arith.constant 0 : i32
    %dma_wait3A_31 = arith.constant 0 : i32
    %dma_wait3A_32 = tpu.memref_slice %arg2[%dma_wait3A_30, %dma_wait3A_31] : memref<10000x64xi32, #tpu.memory_space<hbm>> -> memref<10000x64xi32, #tpu.memory_space<hbm>>
    tpu.wait_indirect_dma semaphore(%arg16 : memref<!tpu.dma_semaphore, #tpu.memory_space<semaphore_mem>>) src(%dma_wait3A_32 : memref<10000x64xi32, #tpu.memory_space<hbm>>) dst(%arg12 : memref<480x64xi32, #tpu.memory_space<vmem>>)
    %dma_wait3A_33 = arith.constant 0 : i32
    %dma_wait3A_34 = arith.constant 0 : i32
    %dma_wait3A_35 = tpu.memref_slice %arg3[%dma_wait3A_33, %dma_wait3A_34] : memref<320000x8xi32, #tpu.memory_space<hbm>> -> memref<320000x8xi32, #tpu.memory_space<hbm>>
    tpu.wait_indirect_dma semaphore(%arg16 : memref<!tpu.dma_semaphore, #tpu.memory_space<semaphore_mem>>) src(%dma_wait3A_35 : memref<320000x8xi32, #tpu.memory_space<hbm>>) dst(%arg13 : memref<480x8xi32, #tpu.memory_space<vmem>>)
    "tpu.region"() ({
      %run_scoped3A = tpu.sem_alloc : memref<!tpu.dma_semaphore, #tpu.memory_space<semaphore_mem>>
      %dma_start3A_263 = arith.constant 0 : i32
      %dma_start3A_264 = tpu.memref_slice %arg8[%add3A_23, %dma_start3A_263] : memref<245760x128xi32, #tpu.memory_space<hbm>> -> memref<480x64xi32, #tpu.memory_space<hbm>>
      %dma_start3A_265 = arith.constant 0 : i32
      %dma_start3A_266 = tpu.memref_slice %arg8[%add3A_23, %dma_start3A_265] : memref<245760x128xi32, #tpu.memory_space<hbm>> -> memref<480x64xi32, #tpu.memory_space<hbm>>
      tpu.enqueue_dma source(%arg12 : memref<480x64xi32, #tpu.memory_space<vmem>>) target(%dma_start3A_266 : memref<480x64xi32, #tpu.memory_space<hbm>>) target_semaphore(%run_scoped3A : memref<!tpu.dma_semaphore, #tpu.memory_space<semaphore_mem>>)
      %dma_wait3A_267 = arith.constant 0 : i32
      %dma_wait3A_268 = tpu.memref_slice %arg8[%add3A_23, %dma_wait3A_267] : memref<245760x128xi32, #tpu.memory_space<hbm>> -> memref<480x64xi32, #tpu.memory_space<hbm>>
      %dma_wait3A_269 = arith.constant 0 : i32
      %dma_wait3A_270 = tpu.memref_slice %arg8[%add3A_23, %dma_wait3A_269] : memref<245760x128xi32, #tpu.memory_space<hbm>> -> memref<480x64xi32, #tpu.memory_space<hbm>>
      tpu.wait_dma2 semaphore(%run_scoped3A : memref<!tpu.dma_semaphore, #tpu.memory_space<semaphore_mem>>) src(%arg12 : memref<480x64xi32, #tpu.memory_space<vmem>>) dst(%dma_wait3A_270 : memref<480x64xi32, #tpu.memory_space<hbm>>)
      tpu.yield
    }) : () -> ()
    "tpu.region"() ({
      %run_scoped3A = tpu.sem_alloc : memref<!tpu.dma_semaphore, #tpu.memory_space<semaphore_mem>>
      %dma_start3A_263 = arith.constant 64 : i32
      %dma_start3A_264 = tpu.memref_slice %arg8[%add3A_23, %dma_start3A_263] : memref<245760x128xi32, #tpu.memory_space<hbm>> -> memref<480x8xi32, #tpu.memory_space<hbm>>
      %dma_start3A_265 = arith.constant 64 : i32
      %dma_start3A_266 = tpu.memref_slice %arg8[%add3A_23, %dma_start3A_265] : memref<245760x128xi32, #tpu.memory_space<hbm>> -> memref<480x8xi32, #tpu.memory_space<hbm>>
      tpu.enqueue_dma source(%arg13 : memref<480x8xi32, #tpu.memory_space<vmem>>) target(%dma_start3A_266 : memref<480x8xi32, #tpu.memory_space<hbm>>) target_semaphore(%run_scoped3A : memref<!tpu.dma_semaphore, #tpu.memory_space<semaphore_mem>>)
      %dma_wait3A_267 = arith.constant 64 : i32
      %dma_wait3A_268 = tpu.memref_slice %arg8[%add3A_23, %dma_wait3A_267] : memref<245760x128xi32, #tpu.memory_space<hbm>> -> memref<480x8xi32, #tpu.memory_space<hbm>>
      %dma_wait3A_269 = arith.constant 64 : i32
      %dma_wait3A_270 = tpu.memref_slice %arg8[%add3A_23, %dma_wait3A_269] : memref<245760x128xi32, #tpu.memory_space<hbm>> -> memref<480x8xi32, #tpu.memory_space<hbm>>
      tpu.wait_dma2 semaphore(%run_scoped3A : memref<!tpu.dma_semaphore, #tpu.memory_space<semaphore_mem>>) src(%arg13 : memref<480x8xi32, #tpu.memory_space<vmem>>) dst(%dma_wait3A_270 : memref<480x8xi32, #tpu.memory_space<hbm>>)
      tpu.yield
    }) : () -> ()
    %mul3A_36 = arith.constant 7680 : i32
    %mul3A_37 = arith.muli %add3A, %mul3A_36 : i32
    %add3A_38 = arith.constant 960 : i32
    %add3A_39 = arith.addi %mul3A_37, %add3A_38 : i32
    "tpu.region"() ({
      %run_scoped3A = tpu.sem_alloc : memref<!tpu.dma_semaphore, #tpu.memory_space<semaphore_mem>>
      %dma_start3A_263 = tpu.memref_slice %arg5[%add3A_39] : memref<245760xi32, #tpu.memory_space<hbm>> -> memref<480xi32, #tpu.memory_space<hbm>>
      %dma_start3A_264 = tpu.memref_slice %arg5[%add3A_39] : memref<245760xi32, #tpu.memory_space<hbm>> -> memref<480xi32, #tpu.memory_space<hbm>>
      tpu.enqueue_dma source(%dma_start3A_264 : memref<480xi32, #tpu.memory_space<hbm>>) target(%arg10 : memref<480xi32, #tpu.memory_space<vmem>>) target_semaphore(%run_scoped3A : memref<!tpu.dma_semaphore, #tpu.memory_space<semaphore_mem>>)
      %dma_wait3A_265 = tpu.memref_slice %arg5[%add3A_39] : memref<245760xi32, #tpu.memory_space<hbm>> -> memref<480xi32, #tpu.memory_space<hbm>>
      %dma_wait3A_266 = tpu.memref_slice %arg5[%add3A_39] : memref<245760xi32, #tpu.memory_space<hbm>> -> memref<480xi32, #tpu.memory_space<hbm>>
      tpu.wait_dma2 semaphore(%run_scoped3A : memref<!tpu.dma_semaphore, #tpu.memory_space<semaphore_mem>>) src(%dma_wait3A_266 : memref<480xi32, #tpu.memory_space<hbm>>) dst(%arg10 : memref<480xi32, #tpu.memory_space<vmem>>)
      tpu.yield
    }) : () -> ()
    "tpu.region"() ({
      %run_scoped3A = tpu.sem_alloc : memref<!tpu.dma_semaphore, #tpu.memory_space<semaphore_mem>>
      %dma_start3A_263 = tpu.memref_slice %arg6[%add3A_39] : memref<245760xi32, #tpu.memory_space<hbm>> -> memref<480xi32, #tpu.memory_space<hbm>>
      %dma_start3A_264 = tpu.memref_slice %arg6[%add3A_39] : memref<245760xi32, #tpu.memory_space<hbm>> -> memref<480xi32, #tpu.memory_space<hbm>>
      tpu.enqueue_dma source(%dma_start3A_264 : memref<480xi32, #tpu.memory_space<hbm>>) target(%arg11 : memref<480xi32, #tpu.memory_space<vmem>>) target_semaphore(%run_scoped3A : memref<!tpu.dma_semaphore, #tpu.memory_space<semaphore_mem>>)
      %dma_wait3A_265 = tpu.memref_slice %arg6[%add3A_39] : memref<245760xi32, #tpu.memory_space<hbm>> -> memref<480xi32, #tpu.memory_space<hbm>>
      %dma_wait3A_266 = tpu.memref_slice %arg6[%add3A_39] : memref<245760xi32, #tpu.memory_space<hbm>> -> memref<480xi32, #tpu.memory_space<hbm>>
      tpu.wait_dma2 semaphore(%run_scoped3A : memref<!tpu.dma_semaphore, #tpu.memory_space<semaphore_mem>>) src(%dma_wait3A_266 : memref<480xi32, #tpu.memory_space<hbm>>) dst(%arg11 : memref<480xi32, #tpu.memory_space<vmem>>)
      tpu.yield
    }) : () -> ()
    %dma_start3A_40 = arith.constant 0 : i32
    %dma_start3A_41 = arith.constant 0 : i32
    %dma_start3A_42 = tpu.memref_slice %arg2[%dma_start3A_40, %dma_start3A_41] : memref<10000x64xi32, #tpu.memory_space<hbm>> -> memref<10000x64xi32, #tpu.memory_space<hbm>>
    tpu.enqueue_indirect_dma source(%dma_start3A_42 : memref<10000x64xi32, #tpu.memory_space<hbm>>) target(%arg12 : memref<480x64xi32, #tpu.memory_space<vmem>>) offsets(%arg10 : memref<480xi32, #tpu.memory_space<vmem>>) semaphore(%arg16 : memref<!tpu.dma_semaphore, #tpu.memory_space<semaphore_mem>>)
    %dma_start3A_43 = arith.constant 0 : i32
    %dma_start3A_44 = arith.constant 0 : i32
    %dma_start3A_45 = tpu.memref_slice %arg3[%dma_start3A_43, %dma_start3A_44] : memref<320000x8xi32, #tpu.memory_space<hbm>> -> memref<320000x8xi32, #tpu.memory_space<hbm>>
    tpu.enqueue_indirect_dma source(%dma_start3A_45 : memref<320000x8xi32, #tpu.memory_space<hbm>>) target(%arg13 : memref<480x8xi32, #tpu.memory_space<vmem>>) offsets(%arg11 : memref<480xi32, #tpu.memory_space<vmem>>) semaphore(%arg16 : memref<!tpu.dma_semaphore, #tpu.memory_space<semaphore_mem>>)
    %dma_wait3A_46 = arith.constant 0 : i32
    %dma_wait3A_47 = arith.constant 0 : i32
    %dma_wait3A_48 = tpu.memref_slice %arg2[%dma_wait3A_46, %dma_wait3A_47] : memref<10000x64xi32, #tpu.memory_space<hbm>> -> memref<10000x64xi32, #tpu.memory_space<hbm>>
    tpu.wait_indirect_dma semaphore(%arg16 : memref<!tpu.dma_semaphore, #tpu.memory_space<semaphore_mem>>) src(%dma_wait3A_48 : memref<10000x64xi32, #tpu.memory_space<hbm>>) dst(%arg12 : memref<480x64xi32, #tpu.memory_space<vmem>>)
    %dma_wait3A_49 = arith.constant 0 : i32
    %dma_wait3A_50 = arith.constant 0 : i32
    %dma_wait3A_51 = tpu.memref_slice %arg3[%dma_wait3A_49, %dma_wait3A_50] : memref<320000x8xi32, #tpu.memory_space<hbm>> -> memref<320000x8xi32, #tpu.memory_space<hbm>>
    tpu.wait_indirect_dma semaphore(%arg16 : memref<!tpu.dma_semaphore, #tpu.memory_space<semaphore_mem>>) src(%dma_wait3A_51 : memref<320000x8xi32, #tpu.memory_space<hbm>>) dst(%arg13 : memref<480x8xi32, #tpu.memory_space<vmem>>)
    "tpu.region"() ({
      %run_scoped3A = tpu.sem_alloc : memref<!tpu.dma_semaphore, #tpu.memory_space<semaphore_mem>>
      %dma_start3A_263 = arith.constant 0 : i32
      %dma_start3A_264 = tpu.memref_slice %arg8[%add3A_39, %dma_start3A_263] : memref<245760x128xi32, #tpu.memory_space<hbm>> -> memref<480x64xi32, #tpu.memory_space<hbm>>
      %dma_start3A_265 = arith.constant 0 : i32
      %dma_start3A_266 = tpu.memref_slice %arg8[%add3A_39, %dma_start3A_265] : memref<245760x128xi32, #tpu.memory_space<hbm>> -> memref<480x64xi32, #tpu.memory_space<hbm>>
      tpu.enqueue_dma source(%arg12 : memref<480x64xi32, #tpu.memory_space<vmem>>) target(%dma_start3A_266 : memref<480x64xi32, #tpu.memory_space<hbm>>) target_semaphore(%run_scoped3A : memref<!tpu.dma_semaphore, #tpu.memory_space<semaphore_mem>>)
      %dma_wait3A_267 = arith.constant 0 : i32
      %dma_wait3A_268 = tpu.memref_slice %arg8[%add3A_39, %dma_wait3A_267] : memref<245760x128xi32, #tpu.memory_space<hbm>> -> memref<480x64xi32, #tpu.memory_space<hbm>>
      %dma_wait3A_269 = arith.constant 0 : i32
      %dma_wait3A_270 = tpu.memref_slice %arg8[%add3A_39, %dma_wait3A_269] : memref<245760x128xi32, #tpu.memory_space<hbm>> -> memref<480x64xi32, #tpu.memory_space<hbm>>
      tpu.wait_dma2 semaphore(%run_scoped3A : memref<!tpu.dma_semaphore, #tpu.memory_space<semaphore_mem>>) src(%arg12 : memref<480x64xi32, #tpu.memory_space<vmem>>) dst(%dma_wait3A_270 : memref<480x64xi32, #tpu.memory_space<hbm>>)
      tpu.yield
    }) : () -> ()
    "tpu.region"() ({
      %run_scoped3A = tpu.sem_alloc : memref<!tpu.dma_semaphore, #tpu.memory_space<semaphore_mem>>
      %dma_start3A_263 = arith.constant 64 : i32
      %dma_start3A_264 = tpu.memref_slice %arg8[%add3A_39, %dma_start3A_263] : memref<245760x128xi32, #tpu.memory_space<hbm>> -> memref<480x8xi32, #tpu.memory_space<hbm>>
      %dma_start3A_265 = arith.constant 64 : i32
      %dma_start3A_266 = tpu.memref_slice %arg8[%add3A_39, %dma_start3A_265] : memref<245760x128xi32, #tpu.memory_space<hbm>> -> memref<480x8xi32, #tpu.memory_space<hbm>>
      tpu.enqueue_dma source(%arg13 : memref<480x8xi32, #tpu.memory_space<vmem>>) target(%dma_start3A_266 : memref<480x8xi32, #tpu.memory_space<hbm>>) target_semaphore(%run_scoped3A : memref<!tpu.dma_semaphore, #tpu.memory_space<semaphore_mem>>)
      %dma_wait3A_267 = arith.constant 64 : i32
      %dma_wait3A_268 = tpu.memref_slice %arg8[%add3A_39, %dma_wait3A_267] : memref<245760x128xi32, #tpu.memory_space<hbm>> -> memref<480x8xi32, #tpu.memory_space<hbm>>
      %dma_wait3A_269 = arith.constant 64 : i32
      %dma_wait3A_270 = tpu.memref_slice %arg8[%add3A_39, %dma_wait3A_269] : memref<245760x128xi32, #tpu.memory_space<hbm>> -> memref<480x8xi32, #tpu.memory_space<hbm>>
      tpu.wait_dma2 semaphore(%run_scoped3A : memref<!tpu.dma_semaphore, #tpu.memory_space<semaphore_mem>>) src(%arg13 : memref<480x8xi32, #tpu.memory_space<vmem>>) dst(%dma_wait3A_270 : memref<480x8xi32, #tpu.memory_space<hbm>>)
      tpu.yield
    }) : () -> ()
    %mul3A_52 = arith.constant 7680 : i32
    %mul3A_53 = arith.muli %add3A, %mul3A_52 : i32
    %add3A_54 = arith.constant 1440 : i32
    %add3A_55 = arith.addi %mul3A_53, %add3A_54 : i32
    "tpu.region"() ({
      %run_scoped3A = tpu.sem_alloc : memref<!tpu.dma_semaphore, #tpu.memory_space<semaphore_mem>>
      %dma_start3A_263 = tpu.memref_slice %arg5[%add3A_55] : memref<245760xi32, #tpu.memory_space<hbm>> -> memref<480xi32, #tpu.memory_space<hbm>>
      %dma_start3A_264 = tpu.memref_slice %arg5[%add3A_55] : memref<245760xi32, #tpu.memory_space<hbm>> -> memref<480xi32, #tpu.memory_space<hbm>>
      tpu.enqueue_dma source(%dma_start3A_264 : memref<480xi32, #tpu.memory_space<hbm>>) target(%arg10 : memref<480xi32, #tpu.memory_space<vmem>>) target_semaphore(%run_scoped3A : memref<!tpu.dma_semaphore, #tpu.memory_space<semaphore_mem>>)
      %dma_wait3A_265 = tpu.memref_slice %arg5[%add3A_55] : memref<245760xi32, #tpu.memory_space<hbm>> -> memref<480xi32, #tpu.memory_space<hbm>>
      %dma_wait3A_266 = tpu.memref_slice %arg5[%add3A_55] : memref<245760xi32, #tpu.memory_space<hbm>> -> memref<480xi32, #tpu.memory_space<hbm>>
      tpu.wait_dma2 semaphore(%run_scoped3A : memref<!tpu.dma_semaphore, #tpu.memory_space<semaphore_mem>>) src(%dma_wait3A_266 : memref<480xi32, #tpu.memory_space<hbm>>) dst(%arg10 : memref<480xi32, #tpu.memory_space<vmem>>)
      tpu.yield
    }) : () -> ()
    "tpu.region"() ({
      %run_scoped3A = tpu.sem_alloc : memref<!tpu.dma_semaphore, #tpu.memory_space<semaphore_mem>>
      %dma_start3A_263 = tpu.memref_slice %arg6[%add3A_55] : memref<245760xi32, #tpu.memory_space<hbm>> -> memref<480xi32, #tpu.memory_space<hbm>>
      %dma_start3A_264 = tpu.memref_slice %arg6[%add3A_55] : memref<245760xi32, #tpu.memory_space<hbm>> -> memref<480xi32, #tpu.memory_space<hbm>>
      tpu.enqueue_dma source(%dma_start3A_264 : memref<480xi32, #tpu.memory_space<hbm>>) target(%arg11 : memref<480xi32, #tpu.memory_space<vmem>>) target_semaphore(%run_scoped3A : memref<!tpu.dma_semaphore, #tpu.memory_space<semaphore_mem>>)
      %dma_wait3A_265 = tpu.memref_slice %arg6[%add3A_55] : memref<245760xi32, #tpu.memory_space<hbm>> -> memref<480xi32, #tpu.memory_space<hbm>>
      %dma_wait3A_266 = tpu.memref_slice %arg6[%add3A_55] : memref<245760xi32, #tpu.memory_space<hbm>> -> memref<480xi32, #tpu.memory_space<hbm>>
      tpu.wait_dma2 semaphore(%run_scoped3A : memref<!tpu.dma_semaphore, #tpu.memory_space<semaphore_mem>>) src(%dma_wait3A_266 : memref<480xi32, #tpu.memory_space<hbm>>) dst(%arg11 : memref<480xi32, #tpu.memory_space<vmem>>)
      tpu.yield
    }) : () -> ()
    %dma_start3A_56 = arith.constant 0 : i32
    %dma_start3A_57 = arith.constant 0 : i32
    %dma_start3A_58 = tpu.memref_slice %arg2[%dma_start3A_56, %dma_start3A_57] : memref<10000x64xi32, #tpu.memory_space<hbm>> -> memref<10000x64xi32, #tpu.memory_space<hbm>>
    tpu.enqueue_indirect_dma source(%dma_start3A_58 : memref<10000x64xi32, #tpu.memory_space<hbm>>) target(%arg12 : memref<480x64xi32, #tpu.memory_space<vmem>>) offsets(%arg10 : memref<480xi32, #tpu.memory_space<vmem>>) semaphore(%arg16 : memref<!tpu.dma_semaphore, #tpu.memory_space<semaphore_mem>>)
    %dma_start3A_59 = arith.constant 0 : i32
    %dma_start3A_60 = arith.constant 0 : i32
    %dma_start3A_61 = tpu.memref_slice %arg3[%dma_start3A_59, %dma_start3A_60] : memref<320000x8xi32, #tpu.memory_space<hbm>> -> memref<320000x8xi32, #tpu.memory_space<hbm>>
    tpu.enqueue_indirect_dma source(%dma_start3A_61 : memref<320000x8xi32, #tpu.memory_space<hbm>>) target(%arg13 : memref<480x8xi32, #tpu.memory_space<vmem>>) offsets(%arg11 : memref<480xi32, #tpu.memory_space<vmem>>) semaphore(%arg16 : memref<!tpu.dma_semaphore, #tpu.memory_space<semaphore_mem>>)
    %dma_wait3A_62 = arith.constant 0 : i32
    %dma_wait3A_63 = arith.constant 0 : i32
    %dma_wait3A_64 = tpu.memref_slice %arg2[%dma_wait3A_62, %dma_wait3A_63] : memref<10000x64xi32, #tpu.memory_space<hbm>> -> memref<10000x64xi32, #tpu.memory_space<hbm>>
    tpu.wait_indirect_dma semaphore(%arg16 : memref<!tpu.dma_semaphore, #tpu.memory_space<semaphore_mem>>) src(%dma_wait3A_64 : memref<10000x64xi32, #tpu.memory_space<hbm>>) dst(%arg12 : memref<480x64xi32, #tpu.memory_space<vmem>>)
    %dma_wait3A_65 = arith.constant 0 : i32
    %dma_wait3A_66 = arith.constant 0 : i32
    %dma_wait3A_67 = tpu.memref_slice %arg3[%dma_wait3A_65, %dma_wait3A_66] : memref<320000x8xi32, #tpu.memory_space<hbm>> -> memref<320000x8xi32, #tpu.memory_space<hbm>>
    tpu.wait_indirect_dma semaphore(%arg16 : memref<!tpu.dma_semaphore, #tpu.memory_space<semaphore_mem>>) src(%dma_wait3A_67 : memref<320000x8xi32, #tpu.memory_space<hbm>>) dst(%arg13 : memref<480x8xi32, #tpu.memory_space<vmem>>)
    "tpu.region"() ({
      %run_scoped3A = tpu.sem_alloc : memref<!tpu.dma_semaphore, #tpu.memory_space<semaphore_mem>>
      %dma_start3A_263 = arith.constant 0 : i32
      %dma_start3A_264 = tpu.memref_slice %arg8[%add3A_55, %dma_start3A_263] : memref<245760x128xi32, #tpu.memory_space<hbm>> -> memref<480x64xi32, #tpu.memory_space<hbm>>
      %dma_start3A_265 = arith.constant 0 : i32
      %dma_start3A_266 = tpu.memref_slice %arg8[%add3A_55, %dma_start3A_265] : memref<245760x128xi32, #tpu.memory_space<hbm>> -> memref<480x64xi32, #tpu.memory_space<hbm>>
      tpu.enqueue_dma source(%arg12 : memref<480x64xi32, #tpu.memory_space<vmem>>) target(%dma_start3A_266 : memref<480x64xi32, #tpu.memory_space<hbm>>) target_semaphore(%run_scoped3A : memref<!tpu.dma_semaphore, #tpu.memory_space<semaphore_mem>>)
      %dma_wait3A_267 = arith.constant 0 : i32
      %dma_wait3A_268 = tpu.memref_slice %arg8[%add3A_55, %dma_wait3A_267] : memref<245760x128xi32, #tpu.memory_space<hbm>> -> memref<480x64xi32, #tpu.memory_space<hbm>>
      %dma_wait3A_269 = arith.constant 0 : i32
      %dma_wait3A_270 = tpu.memref_slice %arg8[%add3A_55, %dma_wait3A_269] : memref<245760x128xi32, #tpu.memory_space<hbm>> -> memref<480x64xi32, #tpu.memory_space<hbm>>
      tpu.wait_dma2 semaphore(%run_scoped3A : memref<!tpu.dma_semaphore, #tpu.memory_space<semaphore_mem>>) src(%arg12 : memref<480x64xi32, #tpu.memory_space<vmem>>) dst(%dma_wait3A_270 : memref<480x64xi32, #tpu.memory_space<hbm>>)
      tpu.yield
    }) : () -> ()
    "tpu.region"() ({
      %run_scoped3A = tpu.sem_alloc : memref<!tpu.dma_semaphore, #tpu.memory_space<semaphore_mem>>
      %dma_start3A_263 = arith.constant 64 : i32
      %dma_start3A_264 = tpu.memref_slice %arg8[%add3A_55, %dma_start3A_263] : memref<245760x128xi32, #tpu.memory_space<hbm>> -> memref<480x8xi32, #tpu.memory_space<hbm>>
      %dma_start3A_265 = arith.constant 64 : i32
      %dma_start3A_266 = tpu.memref_slice %arg8[%add3A_55, %dma_start3A_265] : memref<245760x128xi32, #tpu.memory_space<hbm>> -> memref<480x8xi32, #tpu.memory_space<hbm>>
      tpu.enqueue_dma source(%arg13 : memref<480x8xi32, #tpu.memory_space<vmem>>) target(%dma_start3A_266 : memref<480x8xi32, #tpu.memory_space<hbm>>) target_semaphore(%run_scoped3A : memref<!tpu.dma_semaphore, #tpu.memory_space<semaphore_mem>>)
      %dma_wait3A_267 = arith.constant 64 : i32
      %dma_wait3A_268 = tpu.memref_slice %arg8[%add3A_55, %dma_wait3A_267] : memref<245760x128xi32, #tpu.memory_space<hbm>> -> memref<480x8xi32, #tpu.memory_space<hbm>>
      %dma_wait3A_269 = arith.constant 64 : i32
      %dma_wait3A_270 = tpu.memref_slice %arg8[%add3A_55, %dma_wait3A_269] : memref<245760x128xi32, #tpu.memory_space<hbm>> -> memref<480x8xi32, #tpu.memory_space<hbm>>
      tpu.wait_dma2 semaphore(%run_scoped3A : memref<!tpu.dma_semaphore, #tpu.memory_space<semaphore_mem>>) src(%arg13 : memref<480x8xi32, #tpu.memory_space<vmem>>) dst(%dma_wait3A_270 : memref<480x8xi32, #tpu.memory_space<hbm>>)
      tpu.yield
    }) : () -> ()
    %mul3A_68 = arith.constant 7680 : i32
    %mul3A_69 = arith.muli %add3A, %mul3A_68 : i32
    %add3A_70 = arith.constant 1920 : i32
    %add3A_71 = arith.addi %mul3A_69, %add3A_70 : i32
    "tpu.region"() ({
      %run_scoped3A = tpu.sem_alloc : memref<!tpu.dma_semaphore, #tpu.memory_space<semaphore_mem>>
      %dma_start3A_263 = tpu.memref_slice %arg5[%add3A_71] : memref<245760xi32, #tpu.memory_space<hbm>> -> memref<480xi32, #tpu.memory_space<hbm>>
      %dma_start3A_264 = tpu.memref_slice %arg5[%add3A_71] : memref<245760xi32, #tpu.memory_space<hbm>> -> memref<480xi32, #tpu.memory_space<hbm>>
      tpu.enqueue_dma source(%dma_start3A_264 : memref<480xi32, #tpu.memory_space<hbm>>) target(%arg10 : memref<480xi32, #tpu.memory_space<vmem>>) target_semaphore(%run_scoped3A : memref<!tpu.dma_semaphore, #tpu.memory_space<semaphore_mem>>)
      %dma_wait3A_265 = tpu.memref_slice %arg5[%add3A_71] : memref<245760xi32, #tpu.memory_space<hbm>> -> memref<480xi32, #tpu.memory_space<hbm>>
      %dma_wait3A_266 = tpu.memref_slice %arg5[%add3A_71] : memref<245760xi32, #tpu.memory_space<hbm>> -> memref<480xi32, #tpu.memory_space<hbm>>
      tpu.wait_dma2 semaphore(%run_scoped3A : memref<!tpu.dma_semaphore, #tpu.memory_space<semaphore_mem>>) src(%dma_wait3A_266 : memref<480xi32, #tpu.memory_space<hbm>>) dst(%arg10 : memref<480xi32, #tpu.memory_space<vmem>>)
      tpu.yield
    }) : () -> ()
    "tpu.region"() ({
      %run_scoped3A = tpu.sem_alloc : memref<!tpu.dma_semaphore, #tpu.memory_space<semaphore_mem>>
      %dma_start3A_263 = tpu.memref_slice %arg6[%add3A_71] : memref<245760xi32, #tpu.memory_space<hbm>> -> memref<480xi32, #tpu.memory_space<hbm>>
      %dma_start3A_264 = tpu.memref_slice %arg6[%add3A_71] : memref<245760xi32, #tpu.memory_space<hbm>> -> memref<480xi32, #tpu.memory_space<hbm>>
      tpu.enqueue_dma source(%dma_start3A_264 : memref<480xi32, #tpu.memory_space<hbm>>) target(%arg11 : memref<480xi32, #tpu.memory_space<vmem>>) target_semaphore(%run_scoped3A : memref<!tpu.dma_semaphore, #tpu.memory_space<semaphore_mem>>)
      %dma_wait3A_265 = tpu.memref_slice %arg6[%add3A_71] : memref<245760xi32, #tpu.memory_space<hbm>> -> memref<480xi32, #tpu.memory_space<hbm>>
      %dma_wait3A_266 = tpu.memref_slice %arg6[%add3A_71] : memref<245760xi32, #tpu.memory_space<hbm>> -> memref<480xi32, #tpu.memory_space<hbm>>
      tpu.wait_dma2 semaphore(%run_scoped3A : memref<!tpu.dma_semaphore, #tpu.memory_space<semaphore_mem>>) src(%dma_wait3A_266 : memref<480xi32, #tpu.memory_space<hbm>>) dst(%arg11 : memref<480xi32, #tpu.memory_space<vmem>>)
      tpu.yield
    }) : () -> ()
    %dma_start3A_72 = arith.constant 0 : i32
    %dma_start3A_73 = arith.constant 0 : i32
    %dma_start3A_74 = tpu.memref_slice %arg2[%dma_start3A_72, %dma_start3A_73] : memref<10000x64xi32, #tpu.memory_space<hbm>> -> memref<10000x64xi32, #tpu.memory_space<hbm>>
    tpu.enqueue_indirect_dma source(%dma_start3A_74 : memref<10000x64xi32, #tpu.memory_space<hbm>>) target(%arg12 : memref<480x64xi32, #tpu.memory_space<vmem>>) offsets(%arg10 : memref<480xi32, #tpu.memory_space<vmem>>) semaphore(%arg16 : memref<!tpu.dma_semaphore, #tpu.memory_space<semaphore_mem>>)
    %dma_start3A_75 = arith.constant 0 : i32
    %dma_start3A_76 = arith.constant 0 : i32
    %dma_start3A_77 = tpu.memref_slice %arg3[%dma_start3A_75, %dma_start3A_76] : memref<320000x8xi32, #tpu.memory_space<hbm>> -> memref<320000x8xi32, #tpu.memory_space<hbm>>
    tpu.enqueue_indirect_dma source(%dma_start3A_77 : memref<320000x8xi32, #tpu.memory_space<hbm>>) target(%arg13 : memref<480x8xi32, #tpu.memory_space<vmem>>) offsets(%arg11 : memref<480xi32, #tpu.memory_space<vmem>>) semaphore(%arg16 : memref<!tpu.dma_semaphore, #tpu.memory_space<semaphore_mem>>)
    %dma_wait3A_78 = arith.constant 0 : i32
    %dma_wait3A_79 = arith.constant 0 : i32
    %dma_wait3A_80 = tpu.memref_slice %arg2[%dma_wait3A_78, %dma_wait3A_79] : memref<10000x64xi32, #tpu.memory_space<hbm>> -> memref<10000x64xi32, #tpu.memory_space<hbm>>
    tpu.wait_indirect_dma semaphore(%arg16 : memref<!tpu.dma_semaphore, #tpu.memory_space<semaphore_mem>>) src(%dma_wait3A_80 : memref<10000x64xi32, #tpu.memory_space<hbm>>) dst(%arg12 : memref<480x64xi32, #tpu.memory_space<vmem>>)
    %dma_wait3A_81 = arith.constant 0 : i32
    %dma_wait3A_82 = arith.constant 0 : i32
    %dma_wait3A_83 = tpu.memref_slice %arg3[%dma_wait3A_81, %dma_wait3A_82] : memref<320000x8xi32, #tpu.memory_space<hbm>> -> memref<320000x8xi32, #tpu.memory_space<hbm>>
    tpu.wait_indirect_dma semaphore(%arg16 : memref<!tpu.dma_semaphore, #tpu.memory_space<semaphore_mem>>) src(%dma_wait3A_83 : memref<320000x8xi32, #tpu.memory_space<hbm>>) dst(%arg13 : memref<480x8xi32, #tpu.memory_space<vmem>>)
    "tpu.region"() ({
      %run_scoped3A = tpu.sem_alloc : memref<!tpu.dma_semaphore, #tpu.memory_space<semaphore_mem>>
      %dma_start3A_263 = arith.constant 0 : i32
      %dma_start3A_264 = tpu.memref_slice %arg8[%add3A_71, %dma_start3A_263] : memref<245760x128xi32, #tpu.memory_space<hbm>> -> memref<480x64xi32, #tpu.memory_space<hbm>>
      %dma_start3A_265 = arith.constant 0 : i32
      %dma_start3A_266 = tpu.memref_slice %arg8[%add3A_71, %dma_start3A_265] : memref<245760x128xi32, #tpu.memory_space<hbm>> -> memref<480x64xi32, #tpu.memory_space<hbm>>
      tpu.enqueue_dma source(%arg12 : memref<480x64xi32, #tpu.memory_space<vmem>>) target(%dma_start3A_266 : memref<480x64xi32, #tpu.memory_space<hbm>>) target_semaphore(%run_scoped3A : memref<!tpu.dma_semaphore, #tpu.memory_space<semaphore_mem>>)
      %dma_wait3A_267 = arith.constant 0 : i32
      %dma_wait3A_268 = tpu.memref_slice %arg8[%add3A_71, %dma_wait3A_267] : memref<245760x128xi32, #tpu.memory_space<hbm>> -> memref<480x64xi32, #tpu.memory_space<hbm>>
      %dma_wait3A_269 = arith.constant 0 : i32
      %dma_wait3A_270 = tpu.memref_slice %arg8[%add3A_71, %dma_wait3A_269] : memref<245760x128xi32, #tpu.memory_space<hbm>> -> memref<480x64xi32, #tpu.memory_space<hbm>>
      tpu.wait_dma2 semaphore(%run_scoped3A : memref<!tpu.dma_semaphore, #tpu.memory_space<semaphore_mem>>) src(%arg12 : memref<480x64xi32, #tpu.memory_space<vmem>>) dst(%dma_wait3A_270 : memref<480x64xi32, #tpu.memory_space<hbm>>)
      tpu.yield
    }) : () -> ()
    "tpu.region"() ({
      %run_scoped3A = tpu.sem_alloc : memref<!tpu.dma_semaphore, #tpu.memory_space<semaphore_mem>>
      %dma_start3A_263 = arith.constant 64 : i32
      %dma_start3A_264 = tpu.memref_slice %arg8[%add3A_71, %dma_start3A_263] : memref<245760x128xi32, #tpu.memory_space<hbm>> -> memref<480x8xi32, #tpu.memory_space<hbm>>
      %dma_start3A_265 = arith.constant 64 : i32
      %dma_start3A_266 = tpu.memref_slice %arg8[%add3A_71, %dma_start3A_265] : memref<245760x128xi32, #tpu.memory_space<hbm>> -> memref<480x8xi32, #tpu.memory_space<hbm>>
      tpu.enqueue_dma source(%arg13 : memref<480x8xi32, #tpu.memory_space<vmem>>) target(%dma_start3A_266 : memref<480x8xi32, #tpu.memory_space<hbm>>) target_semaphore(%run_scoped3A : memref<!tpu.dma_semaphore, #tpu.memory_space<semaphore_mem>>)
      %dma_wait3A_267 = arith.constant 64 : i32
      %dma_wait3A_268 = tpu.memref_slice %arg8[%add3A_71, %dma_wait3A_267] : memref<245760x128xi32, #tpu.memory_space<hbm>> -> memref<480x8xi32, #tpu.memory_space<hbm>>
      %dma_wait3A_269 = arith.constant 64 : i32
      %dma_wait3A_270 = tpu.memref_slice %arg8[%add3A_71, %dma_wait3A_269] : memref<245760x128xi32, #tpu.memory_space<hbm>> -> memref<480x8xi32, #tpu.memory_space<hbm>>
      tpu.wait_dma2 semaphore(%run_scoped3A : memref<!tpu.dma_semaphore, #tpu.memory_space<semaphore_mem>>) src(%arg13 : memref<480x8xi32, #tpu.memory_space<vmem>>) dst(%dma_wait3A_270 : memref<480x8xi32, #tpu.memory_space<hbm>>)
      tpu.yield
    }) : () -> ()
    %mul3A_84 = arith.constant 7680 : i32
    %mul3A_85 = arith.muli %add3A, %mul3A_84 : i32
    %add3A_86 = arith.constant 2400 : i32
    %add3A_87 = arith.addi %mul3A_85, %add3A_86 : i32
    "tpu.region"() ({
      %run_scoped3A = tpu.sem_alloc : memref<!tpu.dma_semaphore, #tpu.memory_space<semaphore_mem>>
      %dma_start3A_263 = tpu.memref_slice %arg5[%add3A_87] : memref<245760xi32, #tpu.memory_space<hbm>> -> memref<480xi32, #tpu.memory_space<hbm>>
      %dma_start3A_264 = tpu.memref_slice %arg5[%add3A_87] : memref<245760xi32, #tpu.memory_space<hbm>> -> memref<480xi32, #tpu.memory_space<hbm>>
      tpu.enqueue_dma source(%dma_start3A_264 : memref<480xi32, #tpu.memory_space<hbm>>) target(%arg10 : memref<480xi32, #tpu.memory_space<vmem>>) target_semaphore(%run_scoped3A : memref<!tpu.dma_semaphore, #tpu.memory_space<semaphore_mem>>)
      %dma_wait3A_265 = tpu.memref_slice %arg5[%add3A_87] : memref<245760xi32, #tpu.memory_space<hbm>> -> memref<480xi32, #tpu.memory_space<hbm>>
      %dma_wait3A_266 = tpu.memref_slice %arg5[%add3A_87] : memref<245760xi32, #tpu.memory_space<hbm>> -> memref<480xi32, #tpu.memory_space<hbm>>
      tpu.wait_dma2 semaphore(%run_scoped3A : memref<!tpu.dma_semaphore, #tpu.memory_space<semaphore_mem>>) src(%dma_wait3A_266 : memref<480xi32, #tpu.memory_space<hbm>>) dst(%arg10 : memref<480xi32, #tpu.memory_space<vmem>>)
      tpu.yield
    }) : () -> ()
    "tpu.region"() ({
      %run_scoped3A = tpu.sem_alloc : memref<!tpu.dma_semaphore, #tpu.memory_space<semaphore_mem>>
      %dma_start3A_263 = tpu.memref_slice %arg6[%add3A_87] : memref<245760xi32, #tpu.memory_space<hbm>> -> memref<480xi32, #tpu.memory_space<hbm>>
      %dma_start3A_264 = tpu.memref_slice %arg6[%add3A_87] : memref<245760xi32, #tpu.memory_space<hbm>> -> memref<480xi32, #tpu.memory_space<hbm>>
      tpu.enqueue_dma source(%dma_start3A_264 : memref<480xi32, #tpu.memory_space<hbm>>) target(%arg11 : memref<480xi32, #tpu.memory_space<vmem>>) target_semaphore(%run_scoped3A : memref<!tpu.dma_semaphore, #tpu.memory_space<semaphore_mem>>)
      %dma_wait3A_265 = tpu.memref_slice %arg6[%add3A_87] : memref<245760xi32, #tpu.memory_space<hbm>> -> memref<480xi32, #tpu.memory_space<hbm>>
      %dma_wait3A_266 = tpu.memref_slice %arg6[%add3A_87] : memref<245760xi32, #tpu.memory_space<hbm>> -> memref<480xi32, #tpu.memory_space<hbm>>
      tpu.wait_dma2 semaphore(%run_scoped3A : memref<!tpu.dma_semaphore, #tpu.memory_space<semaphore_mem>>) src(%dma_wait3A_266 : memref<480xi32, #tpu.memory_space<hbm>>) dst(%arg11 : memref<480xi32, #tpu.memory_space<vmem>>)
      tpu.yield
    }) : () -> ()
    %dma_start3A_88 = arith.constant 0 : i32
    %dma_start3A_89 = arith.constant 0 : i32
    %dma_start3A_90 = tpu.memref_slice %arg2[%dma_start3A_88, %dma_start3A_89] : memref<10000x64xi32, #tpu.memory_space<hbm>> -> memref<10000x64xi32, #tpu.memory_space<hbm>>
    tpu.enqueue_indirect_dma source(%dma_start3A_90 : memref<10000x64xi32, #tpu.memory_space<hbm>>) target(%arg12 : memref<480x64xi32, #tpu.memory_space<vmem>>) offsets(%arg10 : memref<480xi32, #tpu.memory_space<vmem>>) semaphore(%arg16 : memref<!tpu.dma_semaphore, #tpu.memory_space<semaphore_mem>>)
    %dma_start3A_91 = arith.constant 0 : i32
    %dma_start3A_92 = arith.constant 0 : i32
    %dma_start3A_93 = tpu.memref_slice %arg3[%dma_start3A_91, %dma_start3A_92] : memref<320000x8xi32, #tpu.memory_space<hbm>> -> memref<320000x8xi32, #tpu.memory_space<hbm>>
    tpu.enqueue_indirect_dma source(%dma_start3A_93 : memref<320000x8xi32, #tpu.memory_space<hbm>>) target(%arg13 : memref<480x8xi32, #tpu.memory_space<vmem>>) offsets(%arg11 : memref<480xi32, #tpu.memory_space<vmem>>) semaphore(%arg16 : memref<!tpu.dma_semaphore, #tpu.memory_space<semaphore_mem>>)
    %dma_wait3A_94 = arith.constant 0 : i32
    %dma_wait3A_95 = arith.constant 0 : i32
    %dma_wait3A_96 = tpu.memref_slice %arg2[%dma_wait3A_94, %dma_wait3A_95] : memref<10000x64xi32, #tpu.memory_space<hbm>> -> memref<10000x64xi32, #tpu.memory_space<hbm>>
    tpu.wait_indirect_dma semaphore(%arg16 : memref<!tpu.dma_semaphore, #tpu.memory_space<semaphore_mem>>) src(%dma_wait3A_96 : memref<10000x64xi32, #tpu.memory_space<hbm>>) dst(%arg12 : memref<480x64xi32, #tpu.memory_space<vmem>>)
    %dma_wait3A_97 = arith.constant 0 : i32
    %dma_wait3A_98 = arith.constant 0 : i32
    %dma_wait3A_99 = tpu.memref_slice %arg3[%dma_wait3A_97, %dma_wait3A_98] : memref<320000x8xi32, #tpu.memory_space<hbm>> -> memref<320000x8xi32, #tpu.memory_space<hbm>>
    tpu.wait_indirect_dma semaphore(%arg16 : memref<!tpu.dma_semaphore, #tpu.memory_space<semaphore_mem>>) src(%dma_wait3A_99 : memref<320000x8xi32, #tpu.memory_space<hbm>>) dst(%arg13 : memref<480x8xi32, #tpu.memory_space<vmem>>)
    "tpu.region"() ({
      %run_scoped3A = tpu.sem_alloc : memref<!tpu.dma_semaphore, #tpu.memory_space<semaphore_mem>>
      %dma_start3A_263 = arith.constant 0 : i32
      %dma_start3A_264 = tpu.memref_slice %arg8[%add3A_87, %dma_start3A_263] : memref<245760x128xi32, #tpu.memory_space<hbm>> -> memref<480x64xi32, #tpu.memory_space<hbm>>
      %dma_start3A_265 = arith.constant 0 : i32
      %dma_start3A_266 = tpu.memref_slice %arg8[%add3A_87, %dma_start3A_265] : memref<245760x128xi32, #tpu.memory_space<hbm>> -> memref<480x64xi32, #tpu.memory_space<hbm>>
      tpu.enqueue_dma source(%arg12 : memref<480x64xi32, #tpu.memory_space<vmem>>) target(%dma_start3A_266 : memref<480x64xi32, #tpu.memory_space<hbm>>) target_semaphore(%run_scoped3A : memref<!tpu.dma_semaphore, #tpu.memory_space<semaphore_mem>>)
      %dma_wait3A_267 = arith.constant 0 : i32
      %dma_wait3A_268 = tpu.memref_slice %arg8[%add3A_87, %dma_wait3A_267] : memref<245760x128xi32, #tpu.memory_space<hbm>> -> memref<480x64xi32, #tpu.memory_space<hbm>>
      %dma_wait3A_269 = arith.constant 0 : i32
      %dma_wait3A_270 = tpu.memref_slice %arg8[%add3A_87, %dma_wait3A_269] : memref<245760x128xi32, #tpu.memory_space<hbm>> -> memref<480x64xi32, #tpu.memory_space<hbm>>
      tpu.wait_dma2 semaphore(%run_scoped3A : memref<!tpu.dma_semaphore, #tpu.memory_space<semaphore_mem>>) src(%arg12 : memref<480x64xi32, #tpu.memory_space<vmem>>) dst(%dma_wait3A_270 : memref<480x64xi32, #tpu.memory_space<hbm>>)
      tpu.yield
    }) : () -> ()
    "tpu.region"() ({
      %run_scoped3A = tpu.sem_alloc : memref<!tpu.dma_semaphore, #tpu.memory_space<semaphore_mem>>
      %dma_start3A_263 = arith.constant 64 : i32
      %dma_start3A_264 = tpu.memref_slice %arg8[%add3A_87, %dma_start3A_263] : memref<245760x128xi32, #tpu.memory_space<hbm>> -> memref<480x8xi32, #tpu.memory_space<hbm>>
      %dma_start3A_265 = arith.constant 64 : i32
      %dma_start3A_266 = tpu.memref_slice %arg8[%add3A_87, %dma_start3A_265] : memref<245760x128xi32, #tpu.memory_space<hbm>> -> memref<480x8xi32, #tpu.memory_space<hbm>>
      tpu.enqueue_dma source(%arg13 : memref<480x8xi32, #tpu.memory_space<vmem>>) target(%dma_start3A_266 : memref<480x8xi32, #tpu.memory_space<hbm>>) target_semaphore(%run_scoped3A : memref<!tpu.dma_semaphore, #tpu.memory_space<semaphore_mem>>)
      %dma_wait3A_267 = arith.constant 64 : i32
      %dma_wait3A_268 = tpu.memref_slice %arg8[%add3A_87, %dma_wait3A_267] : memref<245760x128xi32, #tpu.memory_space<hbm>> -> memref<480x8xi32, #tpu.memory_space<hbm>>
      %dma_wait3A_269 = arith.constant 64 : i32
      %dma_wait3A_270 = tpu.memref_slice %arg8[%add3A_87, %dma_wait3A_269] : memref<245760x128xi32, #tpu.memory_space<hbm>> -> memref<480x8xi32, #tpu.memory_space<hbm>>
      tpu.wait_dma2 semaphore(%run_scoped3A : memref<!tpu.dma_semaphore, #tpu.memory_space<semaphore_mem>>) src(%arg13 : memref<480x8xi32, #tpu.memory_space<vmem>>) dst(%dma_wait3A_270 : memref<480x8xi32, #tpu.memory_space<hbm>>)
      tpu.yield
    }) : () -> ()
    %mul3A_100 = arith.constant 7680 : i32
    %mul3A_101 = arith.muli %add3A, %mul3A_100 : i32
    %add3A_102 = arith.constant 2880 : i32
    %add3A_103 = arith.addi %mul3A_101, %add3A_102 : i32
    "tpu.region"() ({
      %run_scoped3A = tpu.sem_alloc : memref<!tpu.dma_semaphore, #tpu.memory_space<semaphore_mem>>
      %dma_start3A_263 = tpu.memref_slice %arg5[%add3A_103] : memref<245760xi32, #tpu.memory_space<hbm>> -> memref<480xi32, #tpu.memory_space<hbm>>
      %dma_start3A_264 = tpu.memref_slice %arg5[%add3A_103] : memref<245760xi32, #tpu.memory_space<hbm>> -> memref<480xi32, #tpu.memory_space<hbm>>
      tpu.enqueue_dma source(%dma_start3A_264 : memref<480xi32, #tpu.memory_space<hbm>>) target(%arg10 : memref<480xi32, #tpu.memory_space<vmem>>) target_semaphore(%run_scoped3A : memref<!tpu.dma_semaphore, #tpu.memory_space<semaphore_mem>>)
      %dma_wait3A_265 = tpu.memref_slice %arg5[%add3A_103] : memref<245760xi32, #tpu.memory_space<hbm>> -> memref<480xi32, #tpu.memory_space<hbm>>
      %dma_wait3A_266 = tpu.memref_slice %arg5[%add3A_103] : memref<245760xi32, #tpu.memory_space<hbm>> -> memref<480xi32, #tpu.memory_space<hbm>>
      tpu.wait_dma2 semaphore(%run_scoped3A : memref<!tpu.dma_semaphore, #tpu.memory_space<semaphore_mem>>) src(%dma_wait3A_266 : memref<480xi32, #tpu.memory_space<hbm>>) dst(%arg10 : memref<480xi32, #tpu.memory_space<vmem>>)
      tpu.yield
    }) : () -> ()
    "tpu.region"() ({
      %run_scoped3A = tpu.sem_alloc : memref<!tpu.dma_semaphore, #tpu.memory_space<semaphore_mem>>
      %dma_start3A_263 = tpu.memref_slice %arg6[%add3A_103] : memref<245760xi32, #tpu.memory_space<hbm>> -> memref<480xi32, #tpu.memory_space<hbm>>
      %dma_start3A_264 = tpu.memref_slice %arg6[%add3A_103] : memref<245760xi32, #tpu.memory_space<hbm>> -> memref<480xi32, #tpu.memory_space<hbm>>
      tpu.enqueue_dma source(%dma_start3A_264 : memref<480xi32, #tpu.memory_space<hbm>>) target(%arg11 : memref<480xi32, #tpu.memory_space<vmem>>) target_semaphore(%run_scoped3A : memref<!tpu.dma_semaphore, #tpu.memory_space<semaphore_mem>>)
      %dma_wait3A_265 = tpu.memref_slice %arg6[%add3A_103] : memref<245760xi32, #tpu.memory_space<hbm>> -> memref<480xi32, #tpu.memory_space<hbm>>
      %dma_wait3A_266 = tpu.memref_slice %arg6[%add3A_103] : memref<245760xi32, #tpu.memory_space<hbm>> -> memref<480xi32, #tpu.memory_space<hbm>>
      tpu.wait_dma2 semaphore(%run_scoped3A : memref<!tpu.dma_semaphore, #tpu.memory_space<semaphore_mem>>) src(%dma_wait3A_266 : memref<480xi32, #tpu.memory_space<hbm>>) dst(%arg11 : memref<480xi32, #tpu.memory_space<vmem>>)
      tpu.yield
    }) : () -> ()
    %dma_start3A_104 = arith.constant 0 : i32
    %dma_start3A_105 = arith.constant 0 : i32
    %dma_start3A_106 = tpu.memref_slice %arg2[%dma_start3A_104, %dma_start3A_105] : memref<10000x64xi32, #tpu.memory_space<hbm>> -> memref<10000x64xi32, #tpu.memory_space<hbm>>
    tpu.enqueue_indirect_dma source(%dma_start3A_106 : memref<10000x64xi32, #tpu.memory_space<hbm>>) target(%arg12 : memref<480x64xi32, #tpu.memory_space<vmem>>) offsets(%arg10 : memref<480xi32, #tpu.memory_space<vmem>>) semaphore(%arg16 : memref<!tpu.dma_semaphore, #tpu.memory_space<semaphore_mem>>)
    %dma_start3A_107 = arith.constant 0 : i32
    %dma_start3A_108 = arith.constant 0 : i32
    %dma_start3A_109 = tpu.memref_slice %arg3[%dma_start3A_107, %dma_start3A_108] : memref<320000x8xi32, #tpu.memory_space<hbm>> -> memref<320000x8xi32, #tpu.memory_space<hbm>>
    tpu.enqueue_indirect_dma source(%dma_start3A_109 : memref<320000x8xi32, #tpu.memory_space<hbm>>) target(%arg13 : memref<480x8xi32, #tpu.memory_space<vmem>>) offsets(%arg11 : memref<480xi32, #tpu.memory_space<vmem>>) semaphore(%arg16 : memref<!tpu.dma_semaphore, #tpu.memory_space<semaphore_mem>>)
    %dma_wait3A_110 = arith.constant 0 : i32
    %dma_wait3A_111 = arith.constant 0 : i32
    %dma_wait3A_112 = tpu.memref_slice %arg2[%dma_wait3A_110, %dma_wait3A_111] : memref<10000x64xi32, #tpu.memory_space<hbm>> -> memref<10000x64xi32, #tpu.memory_space<hbm>>
    tpu.wait_indirect_dma semaphore(%arg16 : memref<!tpu.dma_semaphore, #tpu.memory_space<semaphore_mem>>) src(%dma_wait3A_112 : memref<10000x64xi32, #tpu.memory_space<hbm>>) dst(%arg12 : memref<480x64xi32, #tpu.memory_space<vmem>>)
    %dma_wait3A_113 = arith.constant 0 : i32
    %dma_wait3A_114 = arith.constant 0 : i32
    %dma_wait3A_115 = tpu.memref_slice %arg3[%dma_wait3A_113, %dma_wait3A_114] : memref<320000x8xi32, #tpu.memory_space<hbm>> -> memref<320000x8xi32, #tpu.memory_space<hbm>>
    tpu.wait_indirect_dma semaphore(%arg16 : memref<!tpu.dma_semaphore, #tpu.memory_space<semaphore_mem>>) src(%dma_wait3A_115 : memref<320000x8xi32, #tpu.memory_space<hbm>>) dst(%arg13 : memref<480x8xi32, #tpu.memory_space<vmem>>)
    "tpu.region"() ({
      %run_scoped3A = tpu.sem_alloc : memref<!tpu.dma_semaphore, #tpu.memory_space<semaphore_mem>>
      %dma_start3A_263 = arith.constant 0 : i32
      %dma_start3A_264 = tpu.memref_slice %arg8[%add3A_103, %dma_start3A_263] : memref<245760x128xi32, #tpu.memory_space<hbm>> -> memref<480x64xi32, #tpu.memory_space<hbm>>
      %dma_start3A_265 = arith.constant 0 : i32
      %dma_start3A_266 = tpu.memref_slice %arg8[%add3A_103, %dma_start3A_265] : memref<245760x128xi32, #tpu.memory_space<hbm>> -> memref<480x64xi32, #tpu.memory_space<hbm>>
      tpu.enqueue_dma source(%arg12 : memref<480x64xi32, #tpu.memory_space<vmem>>) target(%dma_start3A_266 : memref<480x64xi32, #tpu.memory_space<hbm>>) target_semaphore(%run_scoped3A : memref<!tpu.dma_semaphore, #tpu.memory_space<semaphore_mem>>)
      %dma_wait3A_267 = arith.constant 0 : i32
      %dma_wait3A_268 = tpu.memref_slice %arg8[%add3A_103, %dma_wait3A_267] : memref<245760x128xi32, #tpu.memory_space<hbm>> -> memref<480x64xi32, #tpu.memory_space<hbm>>
      %dma_wait3A_269 = arith.constant 0 : i32
      %dma_wait3A_270 = tpu.memref_slice %arg8[%add3A_103, %dma_wait3A_269] : memref<245760x128xi32, #tpu.memory_space<hbm>> -> memref<480x64xi32, #tpu.memory_space<hbm>>
      tpu.wait_dma2 semaphore(%run_scoped3A : memref<!tpu.dma_semaphore, #tpu.memory_space<semaphore_mem>>) src(%arg12 : memref<480x64xi32, #tpu.memory_space<vmem>>) dst(%dma_wait3A_270 : memref<480x64xi32, #tpu.memory_space<hbm>>)
      tpu.yield
    }) : () -> ()
    "tpu.region"() ({
      %run_scoped3A = tpu.sem_alloc : memref<!tpu.dma_semaphore, #tpu.memory_space<semaphore_mem>>
      %dma_start3A_263 = arith.constant 64 : i32
      %dma_start3A_264 = tpu.memref_slice %arg8[%add3A_103, %dma_start3A_263] : memref<245760x128xi32, #tpu.memory_space<hbm>> -> memref<480x8xi32, #tpu.memory_space<hbm>>
      %dma_start3A_265 = arith.constant 64 : i32
      %dma_start3A_266 = tpu.memref_slice %arg8[%add3A_103, %dma_start3A_265] : memref<245760x128xi32, #tpu.memory_space<hbm>> -> memref<480x8xi32, #tpu.memory_space<hbm>>
      tpu.enqueue_dma source(%arg13 : memref<480x8xi32, #tpu.memory_space<vmem>>) target(%dma_start3A_266 : memref<480x8xi32, #tpu.memory_space<hbm>>) target_semaphore(%run_scoped3A : memref<!tpu.dma_semaphore, #tpu.memory_space<semaphore_mem>>)
      %dma_wait3A_267 = arith.constant 64 : i32
      %dma_wait3A_268 = tpu.memref_slice %arg8[%add3A_103, %dma_wait3A_267] : memref<245760x128xi32, #tpu.memory_space<hbm>> -> memref<480x8xi32, #tpu.memory_space<hbm>>
      %dma_wait3A_269 = arith.constant 64 : i32
      %dma_wait3A_270 = tpu.memref_slice %arg8[%add3A_103, %dma_wait3A_269] : memref<245760x128xi32, #tpu.memory_space<hbm>> -> memref<480x8xi32, #tpu.memory_space<hbm>>
      tpu.wait_dma2 semaphore(%run_scoped3A : memref<!tpu.dma_semaphore, #tpu.memory_space<semaphore_mem>>) src(%arg13 : memref<480x8xi32, #tpu.memory_space<vmem>>) dst(%dma_wait3A_270 : memref<480x8xi32, #tpu.memory_space<hbm>>)
      tpu.yield
    }) : () -> ()
    %mul3A_116 = arith.constant 7680 : i32
    %mul3A_117 = arith.muli %add3A, %mul3A_116 : i32
    %add3A_118 = arith.constant 3360 : i32
    %add3A_119 = arith.addi %mul3A_117, %add3A_118 : i32
    "tpu.region"() ({
      %run_scoped3A = tpu.sem_alloc : memref<!tpu.dma_semaphore, #tpu.memory_space<semaphore_mem>>
      %dma_start3A_263 = tpu.memref_slice %arg5[%add3A_119] : memref<245760xi32, #tpu.memory_space<hbm>> -> memref<480xi32, #tpu.memory_space<hbm>>
      %dma_start3A_264 = tpu.memref_slice %arg5[%add3A_119] : memref<245760xi32, #tpu.memory_space<hbm>> -> memref<480xi32, #tpu.memory_space<hbm>>
      tpu.enqueue_dma source(%dma_start3A_264 : memref<480xi32, #tpu.memory_space<hbm>>) target(%arg10 : memref<480xi32, #tpu.memory_space<vmem>>) target_semaphore(%run_scoped3A : memref<!tpu.dma_semaphore, #tpu.memory_space<semaphore_mem>>)
      %dma_wait3A_265 = tpu.memref_slice %arg5[%add3A_119] : memref<245760xi32, #tpu.memory_space<hbm>> -> memref<480xi32, #tpu.memory_space<hbm>>
      %dma_wait3A_266 = tpu.memref_slice %arg5[%add3A_119] : memref<245760xi32, #tpu.memory_space<hbm>> -> memref<480xi32, #tpu.memory_space<hbm>>
      tpu.wait_dma2 semaphore(%run_scoped3A : memref<!tpu.dma_semaphore, #tpu.memory_space<semaphore_mem>>) src(%dma_wait3A_266 : memref<480xi32, #tpu.memory_space<hbm>>) dst(%arg10 : memref<480xi32, #tpu.memory_space<vmem>>)
      tpu.yield
    }) : () -> ()
    "tpu.region"() ({
      %run_scoped3A = tpu.sem_alloc : memref<!tpu.dma_semaphore, #tpu.memory_space<semaphore_mem>>
      %dma_start3A_263 = tpu.memref_slice %arg6[%add3A_119] : memref<245760xi32, #tpu.memory_space<hbm>> -> memref<480xi32, #tpu.memory_space<hbm>>
      %dma_start3A_264 = tpu.memref_slice %arg6[%add3A_119] : memref<245760xi32, #tpu.memory_space<hbm>> -> memref<480xi32, #tpu.memory_space<hbm>>
      tpu.enqueue_dma source(%dma_start3A_264 : memref<480xi32, #tpu.memory_space<hbm>>) target(%arg11 : memref<480xi32, #tpu.memory_space<vmem>>) target_semaphore(%run_scoped3A : memref<!tpu.dma_semaphore, #tpu.memory_space<semaphore_mem>>)
      %dma_wait3A_265 = tpu.memref_slice %arg6[%add3A_119] : memref<245760xi32, #tpu.memory_space<hbm>> -> memref<480xi32, #tpu.memory_space<hbm>>
      %dma_wait3A_266 = tpu.memref_slice %arg6[%add3A_119] : memref<245760xi32, #tpu.memory_space<hbm>> -> memref<480xi32, #tpu.memory_space<hbm>>
      tpu.wait_dma2 semaphore(%run_scoped3A : memref<!tpu.dma_semaphore, #tpu.memory_space<semaphore_mem>>) src(%dma_wait3A_266 : memref<480xi32, #tpu.memory_space<hbm>>) dst(%arg11 : memref<480xi32, #tpu.memory_space<vmem>>)
      tpu.yield
    }) : () -> ()
    %dma_start3A_120 = arith.constant 0 : i32
    %dma_start3A_121 = arith.constant 0 : i32
    %dma_start3A_122 = tpu.memref_slice %arg2[%dma_start3A_120, %dma_start3A_121] : memref<10000x64xi32, #tpu.memory_space<hbm>> -> memref<10000x64xi32, #tpu.memory_space<hbm>>
    tpu.enqueue_indirect_dma source(%dma_start3A_122 : memref<10000x64xi32, #tpu.memory_space<hbm>>) target(%arg12 : memref<480x64xi32, #tpu.memory_space<vmem>>) offsets(%arg10 : memref<480xi32, #tpu.memory_space<vmem>>) semaphore(%arg16 : memref<!tpu.dma_semaphore, #tpu.memory_space<semaphore_mem>>)
    %dma_start3A_123 = arith.constant 0 : i32
    %dma_start3A_124 = arith.constant 0 : i32
    %dma_start3A_125 = tpu.memref_slice %arg3[%dma_start3A_123, %dma_start3A_124] : memref<320000x8xi32, #tpu.memory_space<hbm>> -> memref<320000x8xi32, #tpu.memory_space<hbm>>
    tpu.enqueue_indirect_dma source(%dma_start3A_125 : memref<320000x8xi32, #tpu.memory_space<hbm>>) target(%arg13 : memref<480x8xi32, #tpu.memory_space<vmem>>) offsets(%arg11 : memref<480xi32, #tpu.memory_space<vmem>>) semaphore(%arg16 : memref<!tpu.dma_semaphore, #tpu.memory_space<semaphore_mem>>)
    %dma_wait3A_126 = arith.constant 0 : i32
    %dma_wait3A_127 = arith.constant 0 : i32
    %dma_wait3A_128 = tpu.memref_slice %arg2[%dma_wait3A_126, %dma_wait3A_127] : memref<10000x64xi32, #tpu.memory_space<hbm>> -> memref<10000x64xi32, #tpu.memory_space<hbm>>
    tpu.wait_indirect_dma semaphore(%arg16 : memref<!tpu.dma_semaphore, #tpu.memory_space<semaphore_mem>>) src(%dma_wait3A_128 : memref<10000x64xi32, #tpu.memory_space<hbm>>) dst(%arg12 : memref<480x64xi32, #tpu.memory_space<vmem>>)
    %dma_wait3A_129 = arith.constant 0 : i32
    %dma_wait3A_130 = arith.constant 0 : i32
    %dma_wait3A_131 = tpu.memref_slice %arg3[%dma_wait3A_129, %dma_wait3A_130] : memref<320000x8xi32, #tpu.memory_space<hbm>> -> memref<320000x8xi32, #tpu.memory_space<hbm>>
    tpu.wait_indirect_dma semaphore(%arg16 : memref<!tpu.dma_semaphore, #tpu.memory_space<semaphore_mem>>) src(%dma_wait3A_131 : memref<320000x8xi32, #tpu.memory_space<hbm>>) dst(%arg13 : memref<480x8xi32, #tpu.memory_space<vmem>>)
    "tpu.region"() ({
      %run_scoped3A = tpu.sem_alloc : memref<!tpu.dma_semaphore, #tpu.memory_space<semaphore_mem>>
      %dma_start3A_263 = arith.constant 0 : i32
      %dma_start3A_264 = tpu.memref_slice %arg8[%add3A_119, %dma_start3A_263] : memref<245760x128xi32, #tpu.memory_space<hbm>> -> memref<480x64xi32, #tpu.memory_space<hbm>>
      %dma_start3A_265 = arith.constant 0 : i32
      %dma_start3A_266 = tpu.memref_slice %arg8[%add3A_119, %dma_start3A_265] : memref<245760x128xi32, #tpu.memory_space<hbm>> -> memref<480x64xi32, #tpu.memory_space<hbm>>
      tpu.enqueue_dma source(%arg12 : memref<480x64xi32, #tpu.memory_space<vmem>>) target(%dma_start3A_266 : memref<480x64xi32, #tpu.memory_space<hbm>>) target_semaphore(%run_scoped3A : memref<!tpu.dma_semaphore, #tpu.memory_space<semaphore_mem>>)
      %dma_wait3A_267 = arith.constant 0 : i32
      %dma_wait3A_268 = tpu.memref_slice %arg8[%add3A_119, %dma_wait3A_267] : memref<245760x128xi32, #tpu.memory_space<hbm>> -> memref<480x64xi32, #tpu.memory_space<hbm>>
      %dma_wait3A_269 = arith.constant 0 : i32
      %dma_wait3A_270 = tpu.memref_slice %arg8[%add3A_119, %dma_wait3A_269] : memref<245760x128xi32, #tpu.memory_space<hbm>> -> memref<480x64xi32, #tpu.memory_space<hbm>>
      tpu.wait_dma2 semaphore(%run_scoped3A : memref<!tpu.dma_semaphore, #tpu.memory_space<semaphore_mem>>) src(%arg12 : memref<480x64xi32, #tpu.memory_space<vmem>>) dst(%dma_wait3A_270 : memref<480x64xi32, #tpu.memory_space<hbm>>)
      tpu.yield
    }) : () -> ()
    "tpu.region"() ({
      %run_scoped3A = tpu.sem_alloc : memref<!tpu.dma_semaphore, #tpu.memory_space<semaphore_mem>>
      %dma_start3A_263 = arith.constant 64 : i32
      %dma_start3A_264 = tpu.memref_slice %arg8[%add3A_119, %dma_start3A_263] : memref<245760x128xi32, #tpu.memory_space<hbm>> -> memref<480x8xi32, #tpu.memory_space<hbm>>
      %dma_start3A_265 = arith.constant 64 : i32
      %dma_start3A_266 = tpu.memref_slice %arg8[%add3A_119, %dma_start3A_265] : memref<245760x128xi32, #tpu.memory_space<hbm>> -> memref<480x8xi32, #tpu.memory_space<hbm>>
      tpu.enqueue_dma source(%arg13 : memref<480x8xi32, #tpu.memory_space<vmem>>) target(%dma_start3A_266 : memref<480x8xi32, #tpu.memory_space<hbm>>) target_semaphore(%run_scoped3A : memref<!tpu.dma_semaphore, #tpu.memory_space<semaphore_mem>>)
      %dma_wait3A_267 = arith.constant 64 : i32
      %dma_wait3A_268 = tpu.memref_slice %arg8[%add3A_119, %dma_wait3A_267] : memref<245760x128xi32, #tpu.memory_space<hbm>> -> memref<480x8xi32, #tpu.memory_space<hbm>>
      %dma_wait3A_269 = arith.constant 64 : i32
      %dma_wait3A_270 = tpu.memref_slice %arg8[%add3A_119, %dma_wait3A_269] : memref<245760x128xi32, #tpu.memory_space<hbm>> -> memref<480x8xi32, #tpu.memory_space<hbm>>
      tpu.wait_dma2 semaphore(%run_scoped3A : memref<!tpu.dma_semaphore, #tpu.memory_space<semaphore_mem>>) src(%arg13 : memref<480x8xi32, #tpu.memory_space<vmem>>) dst(%dma_wait3A_270 : memref<480x8xi32, #tpu.memory_space<hbm>>)
      tpu.yield
    }) : () -> ()
    %mul3A_132 = arith.constant 7680 : i32
    %mul3A_133 = arith.muli %add3A, %mul3A_132 : i32
    %add3A_134 = arith.constant 3840 : i32
    %add3A_135 = arith.addi %mul3A_133, %add3A_134 : i32
    "tpu.region"() ({
      %run_scoped3A = tpu.sem_alloc : memref<!tpu.dma_semaphore, #tpu.memory_space<semaphore_mem>>
      %dma_start3A_263 = tpu.memref_slice %arg5[%add3A_135] : memref<245760xi32, #tpu.memory_space<hbm>> -> memref<480xi32, #tpu.memory_space<hbm>>
      %dma_start3A_264 = tpu.memref_slice %arg5[%add3A_135] : memref<245760xi32, #tpu.memory_space<hbm>> -> memref<480xi32, #tpu.memory_space<hbm>>
      tpu.enqueue_dma source(%dma_start3A_264 : memref<480xi32, #tpu.memory_space<hbm>>) target(%arg10 : memref<480xi32, #tpu.memory_space<vmem>>) target_semaphore(%run_scoped3A : memref<!tpu.dma_semaphore, #tpu.memory_space<semaphore_mem>>)
      %dma_wait3A_265 = tpu.memref_slice %arg5[%add3A_135] : memref<245760xi32, #tpu.memory_space<hbm>> -> memref<480xi32, #tpu.memory_space<hbm>>
      %dma_wait3A_266 = tpu.memref_slice %arg5[%add3A_135] : memref<245760xi32, #tpu.memory_space<hbm>> -> memref<480xi32, #tpu.memory_space<hbm>>
      tpu.wait_dma2 semaphore(%run_scoped3A : memref<!tpu.dma_semaphore, #tpu.memory_space<semaphore_mem>>) src(%dma_wait3A_266 : memref<480xi32, #tpu.memory_space<hbm>>) dst(%arg10 : memref<480xi32, #tpu.memory_space<vmem>>)
      tpu.yield
    }) : () -> ()
    "tpu.region"() ({
      %run_scoped3A = tpu.sem_alloc : memref<!tpu.dma_semaphore, #tpu.memory_space<semaphore_mem>>
      %dma_start3A_263 = tpu.memref_slice %arg6[%add3A_135] : memref<245760xi32, #tpu.memory_space<hbm>> -> memref<480xi32, #tpu.memory_space<hbm>>
      %dma_start3A_264 = tpu.memref_slice %arg6[%add3A_135] : memref<245760xi32, #tpu.memory_space<hbm>> -> memref<480xi32, #tpu.memory_space<hbm>>
      tpu.enqueue_dma source(%dma_start3A_264 : memref<480xi32, #tpu.memory_space<hbm>>) target(%arg11 : memref<480xi32, #tpu.memory_space<vmem>>) target_semaphore(%run_scoped3A : memref<!tpu.dma_semaphore, #tpu.memory_space<semaphore_mem>>)
      %dma_wait3A_265 = tpu.memref_slice %arg6[%add3A_135] : memref<245760xi32, #tpu.memory_space<hbm>> -> memref<480xi32, #tpu.memory_space<hbm>>
      %dma_wait3A_266 = tpu.memref_slice %arg6[%add3A_135] : memref<245760xi32, #tpu.memory_space<hbm>> -> memref<480xi32, #tpu.memory_space<hbm>>
      tpu.wait_dma2 semaphore(%run_scoped3A : memref<!tpu.dma_semaphore, #tpu.memory_space<semaphore_mem>>) src(%dma_wait3A_266 : memref<480xi32, #tpu.memory_space<hbm>>) dst(%arg11 : memref<480xi32, #tpu.memory_space<vmem>>)
      tpu.yield
    }) : () -> ()
    %dma_start3A_136 = arith.constant 0 : i32
    %dma_start3A_137 = arith.constant 0 : i32
    %dma_start3A_138 = tpu.memref_slice %arg2[%dma_start3A_136, %dma_start3A_137] : memref<10000x64xi32, #tpu.memory_space<hbm>> -> memref<10000x64xi32, #tpu.memory_space<hbm>>
    tpu.enqueue_indirect_dma source(%dma_start3A_138 : memref<10000x64xi32, #tpu.memory_space<hbm>>) target(%arg12 : memref<480x64xi32, #tpu.memory_space<vmem>>) offsets(%arg10 : memref<480xi32, #tpu.memory_space<vmem>>) semaphore(%arg16 : memref<!tpu.dma_semaphore, #tpu.memory_space<semaphore_mem>>)
    %dma_start3A_139 = arith.constant 0 : i32
    %dma_start3A_140 = arith.constant 0 : i32
    %dma_start3A_141 = tpu.memref_slice %arg3[%dma_start3A_139, %dma_start3A_140] : memref<320000x8xi32, #tpu.memory_space<hbm>> -> memref<320000x8xi32, #tpu.memory_space<hbm>>
    tpu.enqueue_indirect_dma source(%dma_start3A_141 : memref<320000x8xi32, #tpu.memory_space<hbm>>) target(%arg13 : memref<480x8xi32, #tpu.memory_space<vmem>>) offsets(%arg11 : memref<480xi32, #tpu.memory_space<vmem>>) semaphore(%arg16 : memref<!tpu.dma_semaphore, #tpu.memory_space<semaphore_mem>>)
    %dma_wait3A_142 = arith.constant 0 : i32
    %dma_wait3A_143 = arith.constant 0 : i32
    %dma_wait3A_144 = tpu.memref_slice %arg2[%dma_wait3A_142, %dma_wait3A_143] : memref<10000x64xi32, #tpu.memory_space<hbm>> -> memref<10000x64xi32, #tpu.memory_space<hbm>>
    tpu.wait_indirect_dma semaphore(%arg16 : memref<!tpu.dma_semaphore, #tpu.memory_space<semaphore_mem>>) src(%dma_wait3A_144 : memref<10000x64xi32, #tpu.memory_space<hbm>>) dst(%arg12 : memref<480x64xi32, #tpu.memory_space<vmem>>)
    %dma_wait3A_145 = arith.constant 0 : i32
    %dma_wait3A_146 = arith.constant 0 : i32
    %dma_wait3A_147 = tpu.memref_slice %arg3[%dma_wait3A_145, %dma_wait3A_146] : memref<320000x8xi32, #tpu.memory_space<hbm>> -> memref<320000x8xi32, #tpu.memory_space<hbm>>
    tpu.wait_indirect_dma semaphore(%arg16 : memref<!tpu.dma_semaphore, #tpu.memory_space<semaphore_mem>>) src(%dma_wait3A_147 : memref<320000x8xi32, #tpu.memory_space<hbm>>) dst(%arg13 : memref<480x8xi32, #tpu.memory_space<vmem>>)
    "tpu.region"() ({
      %run_scoped3A = tpu.sem_alloc : memref<!tpu.dma_semaphore, #tpu.memory_space<semaphore_mem>>
      %dma_start3A_263 = arith.constant 0 : i32
      %dma_start3A_264 = tpu.memref_slice %arg8[%add3A_135, %dma_start3A_263] : memref<245760x128xi32, #tpu.memory_space<hbm>> -> memref<480x64xi32, #tpu.memory_space<hbm>>
      %dma_start3A_265 = arith.constant 0 : i32
      %dma_start3A_266 = tpu.memref_slice %arg8[%add3A_135, %dma_start3A_265] : memref<245760x128xi32, #tpu.memory_space<hbm>> -> memref<480x64xi32, #tpu.memory_space<hbm>>
      tpu.enqueue_dma source(%arg12 : memref<480x64xi32, #tpu.memory_space<vmem>>) target(%dma_start3A_266 : memref<480x64xi32, #tpu.memory_space<hbm>>) target_semaphore(%run_scoped3A : memref<!tpu.dma_semaphore, #tpu.memory_space<semaphore_mem>>)
      %dma_wait3A_267 = arith.constant 0 : i32
      %dma_wait3A_268 = tpu.memref_slice %arg8[%add3A_135, %dma_wait3A_267] : memref<245760x128xi32, #tpu.memory_space<hbm>> -> memref<480x64xi32, #tpu.memory_space<hbm>>
      %dma_wait3A_269 = arith.constant 0 : i32
      %dma_wait3A_270 = tpu.memref_slice %arg8[%add3A_135, %dma_wait3A_269] : memref<245760x128xi32, #tpu.memory_space<hbm>> -> memref<480x64xi32, #tpu.memory_space<hbm>>
      tpu.wait_dma2 semaphore(%run_scoped3A : memref<!tpu.dma_semaphore, #tpu.memory_space<semaphore_mem>>) src(%arg12 : memref<480x64xi32, #tpu.memory_space<vmem>>) dst(%dma_wait3A_270 : memref<480x64xi32, #tpu.memory_space<hbm>>)
      tpu.yield
    }) : () -> ()
    "tpu.region"() ({
      %run_scoped3A = tpu.sem_alloc : memref<!tpu.dma_semaphore, #tpu.memory_space<semaphore_mem>>
      %dma_start3A_263 = arith.constant 64 : i32
      %dma_start3A_264 = tpu.memref_slice %arg8[%add3A_135, %dma_start3A_263] : memref<245760x128xi32, #tpu.memory_space<hbm>> -> memref<480x8xi32, #tpu.memory_space<hbm>>
      %dma_start3A_265 = arith.constant 64 : i32
      %dma_start3A_266 = tpu.memref_slice %arg8[%add3A_135, %dma_start3A_265] : memref<245760x128xi32, #tpu.memory_space<hbm>> -> memref<480x8xi32, #tpu.memory_space<hbm>>
      tpu.enqueue_dma source(%arg13 : memref<480x8xi32, #tpu.memory_space<vmem>>) target(%dma_start3A_266 : memref<480x8xi32, #tpu.memory_space<hbm>>) target_semaphore(%run_scoped3A : memref<!tpu.dma_semaphore, #tpu.memory_space<semaphore_mem>>)
      %dma_wait3A_267 = arith.constant 64 : i32
      %dma_wait3A_268 = tpu.memref_slice %arg8[%add3A_135, %dma_wait3A_267] : memref<245760x128xi32, #tpu.memory_space<hbm>> -> memref<480x8xi32, #tpu.memory_space<hbm>>
      %dma_wait3A_269 = arith.constant 64 : i32
      %dma_wait3A_270 = tpu.memref_slice %arg8[%add3A_135, %dma_wait3A_269] : memref<245760x128xi32, #tpu.memory_space<hbm>> -> memref<480x8xi32, #tpu.memory_space<hbm>>
      tpu.wait_dma2 semaphore(%run_scoped3A : memref<!tpu.dma_semaphore, #tpu.memory_space<semaphore_mem>>) src(%arg13 : memref<480x8xi32, #tpu.memory_space<vmem>>) dst(%dma_wait3A_270 : memref<480x8xi32, #tpu.memory_space<hbm>>)
      tpu.yield
    }) : () -> ()
    %mul3A_148 = arith.constant 7680 : i32
    %mul3A_149 = arith.muli %add3A, %mul3A_148 : i32
    %add3A_150 = arith.constant 4320 : i32
    %add3A_151 = arith.addi %mul3A_149, %add3A_150 : i32
    "tpu.region"() ({
      %run_scoped3A = tpu.sem_alloc : memref<!tpu.dma_semaphore, #tpu.memory_space<semaphore_mem>>
      %dma_start3A_263 = tpu.memref_slice %arg5[%add3A_151] : memref<245760xi32, #tpu.memory_space<hbm>> -> memref<480xi32, #tpu.memory_space<hbm>>
      %dma_start3A_264 = tpu.memref_slice %arg5[%add3A_151] : memref<245760xi32, #tpu.memory_space<hbm>> -> memref<480xi32, #tpu.memory_space<hbm>>
      tpu.enqueue_dma source(%dma_start3A_264 : memref<480xi32, #tpu.memory_space<hbm>>) target(%arg10 : memref<480xi32, #tpu.memory_space<vmem>>) target_semaphore(%run_scoped3A : memref<!tpu.dma_semaphore, #tpu.memory_space<semaphore_mem>>)
      %dma_wait3A_265 = tpu.memref_slice %arg5[%add3A_151] : memref<245760xi32, #tpu.memory_space<hbm>> -> memref<480xi32, #tpu.memory_space<hbm>>
      %dma_wait3A_266 = tpu.memref_slice %arg5[%add3A_151] : memref<245760xi32, #tpu.memory_space<hbm>> -> memref<480xi32, #tpu.memory_space<hbm>>
      tpu.wait_dma2 semaphore(%run_scoped3A : memref<!tpu.dma_semaphore, #tpu.memory_space<semaphore_mem>>) src(%dma_wait3A_266 : memref<480xi32, #tpu.memory_space<hbm>>) dst(%arg10 : memref<480xi32, #tpu.memory_space<vmem>>)
      tpu.yield
    }) : () -> ()
    "tpu.region"() ({
      %run_scoped3A = tpu.sem_alloc : memref<!tpu.dma_semaphore, #tpu.memory_space<semaphore_mem>>
      %dma_start3A_263 = tpu.memref_slice %arg6[%add3A_151] : memref<245760xi32, #tpu.memory_space<hbm>> -> memref<480xi32, #tpu.memory_space<hbm>>
      %dma_start3A_264 = tpu.memref_slice %arg6[%add3A_151] : memref<245760xi32, #tpu.memory_space<hbm>> -> memref<480xi32, #tpu.memory_space<hbm>>
      tpu.enqueue_dma source(%dma_start3A_264 : memref<480xi32, #tpu.memory_space<hbm>>) target(%arg11 : memref<480xi32, #tpu.memory_space<vmem>>) target_semaphore(%run_scoped3A : memref<!tpu.dma_semaphore, #tpu.memory_space<semaphore_mem>>)
      %dma_wait3A_265 = tpu.memref_slice %arg6[%add3A_151] : memref<245760xi32, #tpu.memory_space<hbm>> -> memref<480xi32, #tpu.memory_space<hbm>>
      %dma_wait3A_266 = tpu.memref_slice %arg6[%add3A_151] : memref<245760xi32, #tpu.memory_space<hbm>> -> memref<480xi32, #tpu.memory_space<hbm>>
      tpu.wait_dma2 semaphore(%run_scoped3A : memref<!tpu.dma_semaphore, #tpu.memory_space<semaphore_mem>>) src(%dma_wait3A_266 : memref<480xi32, #tpu.memory_space<hbm>>) dst(%arg11 : memref<480xi32, #tpu.memory_space<vmem>>)
      tpu.yield
    }) : () -> ()
    %dma_start3A_152 = arith.constant 0 : i32
    %dma_start3A_153 = arith.constant 0 : i32
    %dma_start3A_154 = tpu.memref_slice %arg2[%dma_start3A_152, %dma_start3A_153] : memref<10000x64xi32, #tpu.memory_space<hbm>> -> memref<10000x64xi32, #tpu.memory_space<hbm>>
    tpu.enqueue_indirect_dma source(%dma_start3A_154 : memref<10000x64xi32, #tpu.memory_space<hbm>>) target(%arg12 : memref<480x64xi32, #tpu.memory_space<vmem>>) offsets(%arg10 : memref<480xi32, #tpu.memory_space<vmem>>) semaphore(%arg16 : memref<!tpu.dma_semaphore, #tpu.memory_space<semaphore_mem>>)
    %dma_start3A_155 = arith.constant 0 : i32
    %dma_start3A_156 = arith.constant 0 : i32
    %dma_start3A_157 = tpu.memref_slice %arg3[%dma_start3A_155, %dma_start3A_156] : memref<320000x8xi32, #tpu.memory_space<hbm>> -> memref<320000x8xi32, #tpu.memory_space<hbm>>
    tpu.enqueue_indirect_dma source(%dma_start3A_157 : memref<320000x8xi32, #tpu.memory_space<hbm>>) target(%arg13 : memref<480x8xi32, #tpu.memory_space<vmem>>) offsets(%arg11 : memref<480xi32, #tpu.memory_space<vmem>>) semaphore(%arg16 : memref<!tpu.dma_semaphore, #tpu.memory_space<semaphore_mem>>)
    %dma_wait3A_158 = arith.constant 0 : i32
    %dma_wait3A_159 = arith.constant 0 : i32
    %dma_wait3A_160 = tpu.memref_slice %arg2[%dma_wait3A_158, %dma_wait3A_159] : memref<10000x64xi32, #tpu.memory_space<hbm>> -> memref<10000x64xi32, #tpu.memory_space<hbm>>
    tpu.wait_indirect_dma semaphore(%arg16 : memref<!tpu.dma_semaphore, #tpu.memory_space<semaphore_mem>>) src(%dma_wait3A_160 : memref<10000x64xi32, #tpu.memory_space<hbm>>) dst(%arg12 : memref<480x64xi32, #tpu.memory_space<vmem>>)
    %dma_wait3A_161 = arith.constant 0 : i32
    %dma_wait3A_162 = arith.constant 0 : i32
    %dma_wait3A_163 = tpu.memref_slice %arg3[%dma_wait3A_161, %dma_wait3A_162] : memref<320000x8xi32, #tpu.memory_space<hbm>> -> memref<320000x8xi32, #tpu.memory_space<hbm>>
    tpu.wait_indirect_dma semaphore(%arg16 : memref<!tpu.dma_semaphore, #tpu.memory_space<semaphore_mem>>) src(%dma_wait3A_163 : memref<320000x8xi32, #tpu.memory_space<hbm>>) dst(%arg13 : memref<480x8xi32, #tpu.memory_space<vmem>>)
    "tpu.region"() ({
      %run_scoped3A = tpu.sem_alloc : memref<!tpu.dma_semaphore, #tpu.memory_space<semaphore_mem>>
      %dma_start3A_263 = arith.constant 0 : i32
      %dma_start3A_264 = tpu.memref_slice %arg8[%add3A_151, %dma_start3A_263] : memref<245760x128xi32, #tpu.memory_space<hbm>> -> memref<480x64xi32, #tpu.memory_space<hbm>>
      %dma_start3A_265 = arith.constant 0 : i32
      %dma_start3A_266 = tpu.memref_slice %arg8[%add3A_151, %dma_start3A_265] : memref<245760x128xi32, #tpu.memory_space<hbm>> -> memref<480x64xi32, #tpu.memory_space<hbm>>
      tpu.enqueue_dma source(%arg12 : memref<480x64xi32, #tpu.memory_space<vmem>>) target(%dma_start3A_266 : memref<480x64xi32, #tpu.memory_space<hbm>>) target_semaphore(%run_scoped3A : memref<!tpu.dma_semaphore, #tpu.memory_space<semaphore_mem>>)
      %dma_wait3A_267 = arith.constant 0 : i32
      %dma_wait3A_268 = tpu.memref_slice %arg8[%add3A_151, %dma_wait3A_267] : memref<245760x128xi32, #tpu.memory_space<hbm>> -> memref<480x64xi32, #tpu.memory_space<hbm>>
      %dma_wait3A_269 = arith.constant 0 : i32
      %dma_wait3A_270 = tpu.memref_slice %arg8[%add3A_151, %dma_wait3A_269] : memref<245760x128xi32, #tpu.memory_space<hbm>> -> memref<480x64xi32, #tpu.memory_space<hbm>>
      tpu.wait_dma2 semaphore(%run_scoped3A : memref<!tpu.dma_semaphore, #tpu.memory_space<semaphore_mem>>) src(%arg12 : memref<480x64xi32, #tpu.memory_space<vmem>>) dst(%dma_wait3A_270 : memref<480x64xi32, #tpu.memory_space<hbm>>)
      tpu.yield
    }) : () -> ()
    "tpu.region"() ({
      %run_scoped3A = tpu.sem_alloc : memref<!tpu.dma_semaphore, #tpu.memory_space<semaphore_mem>>
      %dma_start3A_263 = arith.constant 64 : i32
      %dma_start3A_264 = tpu.memref_slice %arg8[%add3A_151, %dma_start3A_263] : memref<245760x128xi32, #tpu.memory_space<hbm>> -> memref<480x8xi32, #tpu.memory_space<hbm>>
      %dma_start3A_265 = arith.constant 64 : i32
      %dma_start3A_266 = tpu.memref_slice %arg8[%add3A_151, %dma_start3A_265] : memref<245760x128xi32, #tpu.memory_space<hbm>> -> memref<480x8xi32, #tpu.memory_space<hbm>>
      tpu.enqueue_dma source(%arg13 : memref<480x8xi32, #tpu.memory_space<vmem>>) target(%dma_start3A_266 : memref<480x8xi32, #tpu.memory_space<hbm>>) target_semaphore(%run_scoped3A : memref<!tpu.dma_semaphore, #tpu.memory_space<semaphore_mem>>)
      %dma_wait3A_267 = arith.constant 64 : i32
      %dma_wait3A_268 = tpu.memref_slice %arg8[%add3A_151, %dma_wait3A_267] : memref<245760x128xi32, #tpu.memory_space<hbm>> -> memref<480x8xi32, #tpu.memory_space<hbm>>
      %dma_wait3A_269 = arith.constant 64 : i32
      %dma_wait3A_270 = tpu.memref_slice %arg8[%add3A_151, %dma_wait3A_269] : memref<245760x128xi32, #tpu.memory_space<hbm>> -> memref<480x8xi32, #tpu.memory_space<hbm>>
      tpu.wait_dma2 semaphore(%run_scoped3A : memref<!tpu.dma_semaphore, #tpu.memory_space<semaphore_mem>>) src(%arg13 : memref<480x8xi32, #tpu.memory_space<vmem>>) dst(%dma_wait3A_270 : memref<480x8xi32, #tpu.memory_space<hbm>>)
      tpu.yield
    }) : () -> ()
    %mul3A_164 = arith.constant 7680 : i32
    %mul3A_165 = arith.muli %add3A, %mul3A_164 : i32
    %add3A_166 = arith.constant 4800 : i32
    %add3A_167 = arith.addi %mul3A_165, %add3A_166 : i32
    "tpu.region"() ({
      %run_scoped3A = tpu.sem_alloc : memref<!tpu.dma_semaphore, #tpu.memory_space<semaphore_mem>>
      %dma_start3A_263 = tpu.memref_slice %arg5[%add3A_167] : memref<245760xi32, #tpu.memory_space<hbm>> -> memref<480xi32, #tpu.memory_space<hbm>>
      %dma_start3A_264 = tpu.memref_slice %arg5[%add3A_167] : memref<245760xi32, #tpu.memory_space<hbm>> -> memref<480xi32, #tpu.memory_space<hbm>>
      tpu.enqueue_dma source(%dma_start3A_264 : memref<480xi32, #tpu.memory_space<hbm>>) target(%arg10 : memref<480xi32, #tpu.memory_space<vmem>>) target_semaphore(%run_scoped3A : memref<!tpu.dma_semaphore, #tpu.memory_space<semaphore_mem>>)
      %dma_wait3A_265 = tpu.memref_slice %arg5[%add3A_167] : memref<245760xi32, #tpu.memory_space<hbm>> -> memref<480xi32, #tpu.memory_space<hbm>>
      %dma_wait3A_266 = tpu.memref_slice %arg5[%add3A_167] : memref<245760xi32, #tpu.memory_space<hbm>> -> memref<480xi32, #tpu.memory_space<hbm>>
      tpu.wait_dma2 semaphore(%run_scoped3A : memref<!tpu.dma_semaphore, #tpu.memory_space<semaphore_mem>>) src(%dma_wait3A_266 : memref<480xi32, #tpu.memory_space<hbm>>) dst(%arg10 : memref<480xi32, #tpu.memory_space<vmem>>)
      tpu.yield
    }) : () -> ()
    "tpu.region"() ({
      %run_scoped3A = tpu.sem_alloc : memref<!tpu.dma_semaphore, #tpu.memory_space<semaphore_mem>>
      %dma_start3A_263 = tpu.memref_slice %arg6[%add3A_167] : memref<245760xi32, #tpu.memory_space<hbm>> -> memref<480xi32, #tpu.memory_space<hbm>>
      %dma_start3A_264 = tpu.memref_slice %arg6[%add3A_167] : memref<245760xi32, #tpu.memory_space<hbm>> -> memref<480xi32, #tpu.memory_space<hbm>>
      tpu.enqueue_dma source(%dma_start3A_264 : memref<480xi32, #tpu.memory_space<hbm>>) target(%arg11 : memref<480xi32, #tpu.memory_space<vmem>>) target_semaphore(%run_scoped3A : memref<!tpu.dma_semaphore, #tpu.memory_space<semaphore_mem>>)
      %dma_wait3A_265 = tpu.memref_slice %arg6[%add3A_167] : memref<245760xi32, #tpu.memory_space<hbm>> -> memref<480xi32, #tpu.memory_space<hbm>>
      %dma_wait3A_266 = tpu.memref_slice %arg6[%add3A_167] : memref<245760xi32, #tpu.memory_space<hbm>> -> memref<480xi32, #tpu.memory_space<hbm>>
      tpu.wait_dma2 semaphore(%run_scoped3A : memref<!tpu.dma_semaphore, #tpu.memory_space<semaphore_mem>>) src(%dma_wait3A_266 : memref<480xi32, #tpu.memory_space<hbm>>) dst(%arg11 : memref<480xi32, #tpu.memory_space<vmem>>)
      tpu.yield
    }) : () -> ()
    %dma_start3A_168 = arith.constant 0 : i32
    %dma_start3A_169 = arith.constant 0 : i32
    %dma_start3A_170 = tpu.memref_slice %arg2[%dma_start3A_168, %dma_start3A_169] : memref<10000x64xi32, #tpu.memory_space<hbm>> -> memref<10000x64xi32, #tpu.memory_space<hbm>>
    tpu.enqueue_indirect_dma source(%dma_start3A_170 : memref<10000x64xi32, #tpu.memory_space<hbm>>) target(%arg12 : memref<480x64xi32, #tpu.memory_space<vmem>>) offsets(%arg10 : memref<480xi32, #tpu.memory_space<vmem>>) semaphore(%arg16 : memref<!tpu.dma_semaphore, #tpu.memory_space<semaphore_mem>>)
    %dma_start3A_171 = arith.constant 0 : i32
    %dma_start3A_172 = arith.constant 0 : i32
    %dma_start3A_173 = tpu.memref_slice %arg3[%dma_start3A_171, %dma_start3A_172] : memref<320000x8xi32, #tpu.memory_space<hbm>> -> memref<320000x8xi32, #tpu.memory_space<hbm>>
    tpu.enqueue_indirect_dma source(%dma_start3A_173 : memref<320000x8xi32, #tpu.memory_space<hbm>>) target(%arg13 : memref<480x8xi32, #tpu.memory_space<vmem>>) offsets(%arg11 : memref<480xi32, #tpu.memory_space<vmem>>) semaphore(%arg16 : memref<!tpu.dma_semaphore, #tpu.memory_space<semaphore_mem>>)
    %dma_wait3A_174 = arith.constant 0 : i32
    %dma_wait3A_175 = arith.constant 0 : i32
    %dma_wait3A_176 = tpu.memref_slice %arg2[%dma_wait3A_174, %dma_wait3A_175] : memref<10000x64xi32, #tpu.memory_space<hbm>> -> memref<10000x64xi32, #tpu.memory_space<hbm>>
    tpu.wait_indirect_dma semaphore(%arg16 : memref<!tpu.dma_semaphore, #tpu.memory_space<semaphore_mem>>) src(%dma_wait3A_176 : memref<10000x64xi32, #tpu.memory_space<hbm>>) dst(%arg12 : memref<480x64xi32, #tpu.memory_space<vmem>>)
    %dma_wait3A_177 = arith.constant 0 : i32
    %dma_wait3A_178 = arith.constant 0 : i32
    %dma_wait3A_179 = tpu.memref_slice %arg3[%dma_wait3A_177, %dma_wait3A_178] : memref<320000x8xi32, #tpu.memory_space<hbm>> -> memref<320000x8xi32, #tpu.memory_space<hbm>>
    tpu.wait_indirect_dma semaphore(%arg16 : memref<!tpu.dma_semaphore, #tpu.memory_space<semaphore_mem>>) src(%dma_wait3A_179 : memref<320000x8xi32, #tpu.memory_space<hbm>>) dst(%arg13 : memref<480x8xi32, #tpu.memory_space<vmem>>)
    "tpu.region"() ({
      %run_scoped3A = tpu.sem_alloc : memref<!tpu.dma_semaphore, #tpu.memory_space<semaphore_mem>>
      %dma_start3A_263 = arith.constant 0 : i32
      %dma_start3A_264 = tpu.memref_slice %arg8[%add3A_167, %dma_start3A_263] : memref<245760x128xi32, #tpu.memory_space<hbm>> -> memref<480x64xi32, #tpu.memory_space<hbm>>
      %dma_start3A_265 = arith.constant 0 : i32
      %dma_start3A_266 = tpu.memref_slice %arg8[%add3A_167, %dma_start3A_265] : memref<245760x128xi32, #tpu.memory_space<hbm>> -> memref<480x64xi32, #tpu.memory_space<hbm>>
      tpu.enqueue_dma source(%arg12 : memref<480x64xi32, #tpu.memory_space<vmem>>) target(%dma_start3A_266 : memref<480x64xi32, #tpu.memory_space<hbm>>) target_semaphore(%run_scoped3A : memref<!tpu.dma_semaphore, #tpu.memory_space<semaphore_mem>>)
      %dma_wait3A_267 = arith.constant 0 : i32
      %dma_wait3A_268 = tpu.memref_slice %arg8[%add3A_167, %dma_wait3A_267] : memref<245760x128xi32, #tpu.memory_space<hbm>> -> memref<480x64xi32, #tpu.memory_space<hbm>>
      %dma_wait3A_269 = arith.constant 0 : i32
      %dma_wait3A_270 = tpu.memref_slice %arg8[%add3A_167, %dma_wait3A_269] : memref<245760x128xi32, #tpu.memory_space<hbm>> -> memref<480x64xi32, #tpu.memory_space<hbm>>
      tpu.wait_dma2 semaphore(%run_scoped3A : memref<!tpu.dma_semaphore, #tpu.memory_space<semaphore_mem>>) src(%arg12 : memref<480x64xi32, #tpu.memory_space<vmem>>) dst(%dma_wait3A_270 : memref<480x64xi32, #tpu.memory_space<hbm>>)
      tpu.yield
    }) : () -> ()
    "tpu.region"() ({
      %run_scoped3A = tpu.sem_alloc : memref<!tpu.dma_semaphore, #tpu.memory_space<semaphore_mem>>
      %dma_start3A_263 = arith.constant 64 : i32
      %dma_start3A_264 = tpu.memref_slice %arg8[%add3A_167, %dma_start3A_263] : memref<245760x128xi32, #tpu.memory_space<hbm>> -> memref<480x8xi32, #tpu.memory_space<hbm>>
      %dma_start3A_265 = arith.constant 64 : i32
      %dma_start3A_266 = tpu.memref_slice %arg8[%add3A_167, %dma_start3A_265] : memref<245760x128xi32, #tpu.memory_space<hbm>> -> memref<480x8xi32, #tpu.memory_space<hbm>>
      tpu.enqueue_dma source(%arg13 : memref<480x8xi32, #tpu.memory_space<vmem>>) target(%dma_start3A_266 : memref<480x8xi32, #tpu.memory_space<hbm>>) target_semaphore(%run_scoped3A : memref<!tpu.dma_semaphore, #tpu.memory_space<semaphore_mem>>)
      %dma_wait3A_267 = arith.constant 64 : i32
      %dma_wait3A_268 = tpu.memref_slice %arg8[%add3A_167, %dma_wait3A_267] : memref<245760x128xi32, #tpu.memory_space<hbm>> -> memref<480x8xi32, #tpu.memory_space<hbm>>
      %dma_wait3A_269 = arith.constant 64 : i32
      %dma_wait3A_270 = tpu.memref_slice %arg8[%add3A_167, %dma_wait3A_269] : memref<245760x128xi32, #tpu.memory_space<hbm>> -> memref<480x8xi32, #tpu.memory_space<hbm>>
      tpu.wait_dma2 semaphore(%run_scoped3A : memref<!tpu.dma_semaphore, #tpu.memory_space<semaphore_mem>>) src(%arg13 : memref<480x8xi32, #tpu.memory_space<vmem>>) dst(%dma_wait3A_270 : memref<480x8xi32, #tpu.memory_space<hbm>>)
      tpu.yield
    }) : () -> ()
    %mul3A_180 = arith.constant 7680 : i32
    %mul3A_181 = arith.muli %add3A, %mul3A_180 : i32
    %add3A_182 = arith.constant 5280 : i32
    %add3A_183 = arith.addi %mul3A_181, %add3A_182 : i32
    "tpu.region"() ({
      %run_scoped3A = tpu.sem_alloc : memref<!tpu.dma_semaphore, #tpu.memory_space<semaphore_mem>>
      %dma_start3A_263 = tpu.memref_slice %arg5[%add3A_183] : memref<245760xi32, #tpu.memory_space<hbm>> -> memref<480xi32, #tpu.memory_space<hbm>>
      %dma_start3A_264 = tpu.memref_slice %arg5[%add3A_183] : memref<245760xi32, #tpu.memory_space<hbm>> -> memref<480xi32, #tpu.memory_space<hbm>>
      tpu.enqueue_dma source(%dma_start3A_264 : memref<480xi32, #tpu.memory_space<hbm>>) target(%arg10 : memref<480xi32, #tpu.memory_space<vmem>>) target_semaphore(%run_scoped3A : memref<!tpu.dma_semaphore, #tpu.memory_space<semaphore_mem>>)
      %dma_wait3A_265 = tpu.memref_slice %arg5[%add3A_183] : memref<245760xi32, #tpu.memory_space<hbm>> -> memref<480xi32, #tpu.memory_space<hbm>>
      %dma_wait3A_266 = tpu.memref_slice %arg5[%add3A_183] : memref<245760xi32, #tpu.memory_space<hbm>> -> memref<480xi32, #tpu.memory_space<hbm>>
      tpu.wait_dma2 semaphore(%run_scoped3A : memref<!tpu.dma_semaphore, #tpu.memory_space<semaphore_mem>>) src(%dma_wait3A_266 : memref<480xi32, #tpu.memory_space<hbm>>) dst(%arg10 : memref<480xi32, #tpu.memory_space<vmem>>)
      tpu.yield
    }) : () -> ()
    "tpu.region"() ({
      %run_scoped3A = tpu.sem_alloc : memref<!tpu.dma_semaphore, #tpu.memory_space<semaphore_mem>>
      %dma_start3A_263 = tpu.memref_slice %arg6[%add3A_183] : memref<245760xi32, #tpu.memory_space<hbm>> -> memref<480xi32, #tpu.memory_space<hbm>>
      %dma_start3A_264 = tpu.memref_slice %arg6[%add3A_183] : memref<245760xi32, #tpu.memory_space<hbm>> -> memref<480xi32, #tpu.memory_space<hbm>>
      tpu.enqueue_dma source(%dma_start3A_264 : memref<480xi32, #tpu.memory_space<hbm>>) target(%arg11 : memref<480xi32, #tpu.memory_space<vmem>>) target_semaphore(%run_scoped3A : memref<!tpu.dma_semaphore, #tpu.memory_space<semaphore_mem>>)
      %dma_wait3A_265 = tpu.memref_slice %arg6[%add3A_183] : memref<245760xi32, #tpu.memory_space<hbm>> -> memref<480xi32, #tpu.memory_space<hbm>>
      %dma_wait3A_266 = tpu.memref_slice %arg6[%add3A_183] : memref<245760xi32, #tpu.memory_space<hbm>> -> memref<480xi32, #tpu.memory_space<hbm>>
      tpu.wait_dma2 semaphore(%run_scoped3A : memref<!tpu.dma_semaphore, #tpu.memory_space<semaphore_mem>>) src(%dma_wait3A_266 : memref<480xi32, #tpu.memory_space<hbm>>) dst(%arg11 : memref<480xi32, #tpu.memory_space<vmem>>)
      tpu.yield
    }) : () -> ()
    %dma_start3A_184 = arith.constant 0 : i32
    %dma_start3A_185 = arith.constant 0 : i32
    %dma_start3A_186 = tpu.memref_slice %arg2[%dma_start3A_184, %dma_start3A_185] : memref<10000x64xi32, #tpu.memory_space<hbm>> -> memref<10000x64xi32, #tpu.memory_space<hbm>>
    tpu.enqueue_indirect_dma source(%dma_start3A_186 : memref<10000x64xi32, #tpu.memory_space<hbm>>) target(%arg12 : memref<480x64xi32, #tpu.memory_space<vmem>>) offsets(%arg10 : memref<480xi32, #tpu.memory_space<vmem>>) semaphore(%arg16 : memref<!tpu.dma_semaphore, #tpu.memory_space<semaphore_mem>>)
    %dma_start3A_187 = arith.constant 0 : i32
    %dma_start3A_188 = arith.constant 0 : i32
    %dma_start3A_189 = tpu.memref_slice %arg3[%dma_start3A_187, %dma_start3A_188] : memref<320000x8xi32, #tpu.memory_space<hbm>> -> memref<320000x8xi32, #tpu.memory_space<hbm>>
    tpu.enqueue_indirect_dma source(%dma_start3A_189 : memref<320000x8xi32, #tpu.memory_space<hbm>>) target(%arg13 : memref<480x8xi32, #tpu.memory_space<vmem>>) offsets(%arg11 : memref<480xi32, #tpu.memory_space<vmem>>) semaphore(%arg16 : memref<!tpu.dma_semaphore, #tpu.memory_space<semaphore_mem>>)
    %dma_wait3A_190 = arith.constant 0 : i32
    %dma_wait3A_191 = arith.constant 0 : i32
    %dma_wait3A_192 = tpu.memref_slice %arg2[%dma_wait3A_190, %dma_wait3A_191] : memref<10000x64xi32, #tpu.memory_space<hbm>> -> memref<10000x64xi32, #tpu.memory_space<hbm>>
    tpu.wait_indirect_dma semaphore(%arg16 : memref<!tpu.dma_semaphore, #tpu.memory_space<semaphore_mem>>) src(%dma_wait3A_192 : memref<10000x64xi32, #tpu.memory_space<hbm>>) dst(%arg12 : memref<480x64xi32, #tpu.memory_space<vmem>>)
    %dma_wait3A_193 = arith.constant 0 : i32
    %dma_wait3A_194 = arith.constant 0 : i32
    %dma_wait3A_195 = tpu.memref_slice %arg3[%dma_wait3A_193, %dma_wait3A_194] : memref<320000x8xi32, #tpu.memory_space<hbm>> -> memref<320000x8xi32, #tpu.memory_space<hbm>>
    tpu.wait_indirect_dma semaphore(%arg16 : memref<!tpu.dma_semaphore, #tpu.memory_space<semaphore_mem>>) src(%dma_wait3A_195 : memref<320000x8xi32, #tpu.memory_space<hbm>>) dst(%arg13 : memref<480x8xi32, #tpu.memory_space<vmem>>)
    "tpu.region"() ({
      %run_scoped3A = tpu.sem_alloc : memref<!tpu.dma_semaphore, #tpu.memory_space<semaphore_mem>>
      %dma_start3A_263 = arith.constant 0 : i32
      %dma_start3A_264 = tpu.memref_slice %arg8[%add3A_183, %dma_start3A_263] : memref<245760x128xi32, #tpu.memory_space<hbm>> -> memref<480x64xi32, #tpu.memory_space<hbm>>
      %dma_start3A_265 = arith.constant 0 : i32
      %dma_start3A_266 = tpu.memref_slice %arg8[%add3A_183, %dma_start3A_265] : memref<245760x128xi32, #tpu.memory_space<hbm>> -> memref<480x64xi32, #tpu.memory_space<hbm>>
      tpu.enqueue_dma source(%arg12 : memref<480x64xi32, #tpu.memory_space<vmem>>) target(%dma_start3A_266 : memref<480x64xi32, #tpu.memory_space<hbm>>) target_semaphore(%run_scoped3A : memref<!tpu.dma_semaphore, #tpu.memory_space<semaphore_mem>>)
      %dma_wait3A_267 = arith.constant 0 : i32
      %dma_wait3A_268 = tpu.memref_slice %arg8[%add3A_183, %dma_wait3A_267] : memref<245760x128xi32, #tpu.memory_space<hbm>> -> memref<480x64xi32, #tpu.memory_space<hbm>>
      %dma_wait3A_269 = arith.constant 0 : i32
      %dma_wait3A_270 = tpu.memref_slice %arg8[%add3A_183, %dma_wait3A_269] : memref<245760x128xi32, #tpu.memory_space<hbm>> -> memref<480x64xi32, #tpu.memory_space<hbm>>
      tpu.wait_dma2 semaphore(%run_scoped3A : memref<!tpu.dma_semaphore, #tpu.memory_space<semaphore_mem>>) src(%arg12 : memref<480x64xi32, #tpu.memory_space<vmem>>) dst(%dma_wait3A_270 : memref<480x64xi32, #tpu.memory_space<hbm>>)
      tpu.yield
    }) : () -> ()
    "tpu.region"() ({
      %run_scoped3A = tpu.sem_alloc : memref<!tpu.dma_semaphore, #tpu.memory_space<semaphore_mem>>
      %dma_start3A_263 = arith.constant 64 : i32
      %dma_start3A_264 = tpu.memref_slice %arg8[%add3A_183, %dma_start3A_263] : memref<245760x128xi32, #tpu.memory_space<hbm>> -> memref<480x8xi32, #tpu.memory_space<hbm>>
      %dma_start3A_265 = arith.constant 64 : i32
      %dma_start3A_266 = tpu.memref_slice %arg8[%add3A_183, %dma_start3A_265] : memref<245760x128xi32, #tpu.memory_space<hbm>> -> memref<480x8xi32, #tpu.memory_space<hbm>>
      tpu.enqueue_dma source(%arg13 : memref<480x8xi32, #tpu.memory_space<vmem>>) target(%dma_start3A_266 : memref<480x8xi32, #tpu.memory_space<hbm>>) target_semaphore(%run_scoped3A : memref<!tpu.dma_semaphore, #tpu.memory_space<semaphore_mem>>)
      %dma_wait3A_267 = arith.constant 64 : i32
      %dma_wait3A_268 = tpu.memref_slice %arg8[%add3A_183, %dma_wait3A_267] : memref<245760x128xi32, #tpu.memory_space<hbm>> -> memref<480x8xi32, #tpu.memory_space<hbm>>
      %dma_wait3A_269 = arith.constant 64 : i32
      %dma_wait3A_270 = tpu.memref_slice %arg8[%add3A_183, %dma_wait3A_269] : memref<245760x128xi32, #tpu.memory_space<hbm>> -> memref<480x8xi32, #tpu.memory_space<hbm>>
      tpu.wait_dma2 semaphore(%run_scoped3A : memref<!tpu.dma_semaphore, #tpu.memory_space<semaphore_mem>>) src(%arg13 : memref<480x8xi32, #tpu.memory_space<vmem>>) dst(%dma_wait3A_270 : memref<480x8xi32, #tpu.memory_space<hbm>>)
      tpu.yield
    }) : () -> ()
    %mul3A_196 = arith.constant 7680 : i32
    %mul3A_197 = arith.muli %add3A, %mul3A_196 : i32
    %add3A_198 = arith.constant 5760 : i32
    %add3A_199 = arith.addi %mul3A_197, %add3A_198 : i32
    "tpu.region"() ({
      %run_scoped3A = tpu.sem_alloc : memref<!tpu.dma_semaphore, #tpu.memory_space<semaphore_mem>>
      %dma_start3A_263 = tpu.memref_slice %arg5[%add3A_199] : memref<245760xi32, #tpu.memory_space<hbm>> -> memref<480xi32, #tpu.memory_space<hbm>>
      %dma_start3A_264 = tpu.memref_slice %arg5[%add3A_199] : memref<245760xi32, #tpu.memory_space<hbm>> -> memref<480xi32, #tpu.memory_space<hbm>>
      tpu.enqueue_dma source(%dma_start3A_264 : memref<480xi32, #tpu.memory_space<hbm>>) target(%arg10 : memref<480xi32, #tpu.memory_space<vmem>>) target_semaphore(%run_scoped3A : memref<!tpu.dma_semaphore, #tpu.memory_space<semaphore_mem>>)
      %dma_wait3A_265 = tpu.memref_slice %arg5[%add3A_199] : memref<245760xi32, #tpu.memory_space<hbm>> -> memref<480xi32, #tpu.memory_space<hbm>>
      %dma_wait3A_266 = tpu.memref_slice %arg5[%add3A_199] : memref<245760xi32, #tpu.memory_space<hbm>> -> memref<480xi32, #tpu.memory_space<hbm>>
      tpu.wait_dma2 semaphore(%run_scoped3A : memref<!tpu.dma_semaphore, #tpu.memory_space<semaphore_mem>>) src(%dma_wait3A_266 : memref<480xi32, #tpu.memory_space<hbm>>) dst(%arg10 : memref<480xi32, #tpu.memory_space<vmem>>)
      tpu.yield
    }) : () -> ()
    "tpu.region"() ({
      %run_scoped3A = tpu.sem_alloc : memref<!tpu.dma_semaphore, #tpu.memory_space<semaphore_mem>>
      %dma_start3A_263 = tpu.memref_slice %arg6[%add3A_199] : memref<245760xi32, #tpu.memory_space<hbm>> -> memref<480xi32, #tpu.memory_space<hbm>>
      %dma_start3A_264 = tpu.memref_slice %arg6[%add3A_199] : memref<245760xi32, #tpu.memory_space<hbm>> -> memref<480xi32, #tpu.memory_space<hbm>>
      tpu.enqueue_dma source(%dma_start3A_264 : memref<480xi32, #tpu.memory_space<hbm>>) target(%arg11 : memref<480xi32, #tpu.memory_space<vmem>>) target_semaphore(%run_scoped3A : memref<!tpu.dma_semaphore, #tpu.memory_space<semaphore_mem>>)
      %dma_wait3A_265 = tpu.memref_slice %arg6[%add3A_199] : memref<245760xi32, #tpu.memory_space<hbm>> -> memref<480xi32, #tpu.memory_space<hbm>>
      %dma_wait3A_266 = tpu.memref_slice %arg6[%add3A_199] : memref<245760xi32, #tpu.memory_space<hbm>> -> memref<480xi32, #tpu.memory_space<hbm>>
      tpu.wait_dma2 semaphore(%run_scoped3A : memref<!tpu.dma_semaphore, #tpu.memory_space<semaphore_mem>>) src(%dma_wait3A_266 : memref<480xi32, #tpu.memory_space<hbm>>) dst(%arg11 : memref<480xi32, #tpu.memory_space<vmem>>)
      tpu.yield
    }) : () -> ()
    %dma_start3A_200 = arith.constant 0 : i32
    %dma_start3A_201 = arith.constant 0 : i32
    %dma_start3A_202 = tpu.memref_slice %arg2[%dma_start3A_200, %dma_start3A_201] : memref<10000x64xi32, #tpu.memory_space<hbm>> -> memref<10000x64xi32, #tpu.memory_space<hbm>>
    tpu.enqueue_indirect_dma source(%dma_start3A_202 : memref<10000x64xi32, #tpu.memory_space<hbm>>) target(%arg12 : memref<480x64xi32, #tpu.memory_space<vmem>>) offsets(%arg10 : memref<480xi32, #tpu.memory_space<vmem>>) semaphore(%arg16 : memref<!tpu.dma_semaphore, #tpu.memory_space<semaphore_mem>>)
    %dma_start3A_203 = arith.constant 0 : i32
    %dma_start3A_204 = arith.constant 0 : i32
    %dma_start3A_205 = tpu.memref_slice %arg3[%dma_start3A_203, %dma_start3A_204] : memref<320000x8xi32, #tpu.memory_space<hbm>> -> memref<320000x8xi32, #tpu.memory_space<hbm>>
    tpu.enqueue_indirect_dma source(%dma_start3A_205 : memref<320000x8xi32, #tpu.memory_space<hbm>>) target(%arg13 : memref<480x8xi32, #tpu.memory_space<vmem>>) offsets(%arg11 : memref<480xi32, #tpu.memory_space<vmem>>) semaphore(%arg16 : memref<!tpu.dma_semaphore, #tpu.memory_space<semaphore_mem>>)
    %dma_wait3A_206 = arith.constant 0 : i32
    %dma_wait3A_207 = arith.constant 0 : i32
    %dma_wait3A_208 = tpu.memref_slice %arg2[%dma_wait3A_206, %dma_wait3A_207] : memref<10000x64xi32, #tpu.memory_space<hbm>> -> memref<10000x64xi32, #tpu.memory_space<hbm>>
    tpu.wait_indirect_dma semaphore(%arg16 : memref<!tpu.dma_semaphore, #tpu.memory_space<semaphore_mem>>) src(%dma_wait3A_208 : memref<10000x64xi32, #tpu.memory_space<hbm>>) dst(%arg12 : memref<480x64xi32, #tpu.memory_space<vmem>>)
    %dma_wait3A_209 = arith.constant 0 : i32
    %dma_wait3A_210 = arith.constant 0 : i32
    %dma_wait3A_211 = tpu.memref_slice %arg3[%dma_wait3A_209, %dma_wait3A_210] : memref<320000x8xi32, #tpu.memory_space<hbm>> -> memref<320000x8xi32, #tpu.memory_space<hbm>>
    tpu.wait_indirect_dma semaphore(%arg16 : memref<!tpu.dma_semaphore, #tpu.memory_space<semaphore_mem>>) src(%dma_wait3A_211 : memref<320000x8xi32, #tpu.memory_space<hbm>>) dst(%arg13 : memref<480x8xi32, #tpu.memory_space<vmem>>)
    "tpu.region"() ({
      %run_scoped3A = tpu.sem_alloc : memref<!tpu.dma_semaphore, #tpu.memory_space<semaphore_mem>>
      %dma_start3A_263 = arith.constant 0 : i32
      %dma_start3A_264 = tpu.memref_slice %arg8[%add3A_199, %dma_start3A_263] : memref<245760x128xi32, #tpu.memory_space<hbm>> -> memref<480x64xi32, #tpu.memory_space<hbm>>
      %dma_start3A_265 = arith.constant 0 : i32
      %dma_start3A_266 = tpu.memref_slice %arg8[%add3A_199, %dma_start3A_265] : memref<245760x128xi32, #tpu.memory_space<hbm>> -> memref<480x64xi32, #tpu.memory_space<hbm>>
      tpu.enqueue_dma source(%arg12 : memref<480x64xi32, #tpu.memory_space<vmem>>) target(%dma_start3A_266 : memref<480x64xi32, #tpu.memory_space<hbm>>) target_semaphore(%run_scoped3A : memref<!tpu.dma_semaphore, #tpu.memory_space<semaphore_mem>>)
      %dma_wait3A_267 = arith.constant 0 : i32
      %dma_wait3A_268 = tpu.memref_slice %arg8[%add3A_199, %dma_wait3A_267] : memref<245760x128xi32, #tpu.memory_space<hbm>> -> memref<480x64xi32, #tpu.memory_space<hbm>>
      %dma_wait3A_269 = arith.constant 0 : i32
      %dma_wait3A_270 = tpu.memref_slice %arg8[%add3A_199, %dma_wait3A_269] : memref<245760x128xi32, #tpu.memory_space<hbm>> -> memref<480x64xi32, #tpu.memory_space<hbm>>
      tpu.wait_dma2 semaphore(%run_scoped3A : memref<!tpu.dma_semaphore, #tpu.memory_space<semaphore_mem>>) src(%arg12 : memref<480x64xi32, #tpu.memory_space<vmem>>) dst(%dma_wait3A_270 : memref<480x64xi32, #tpu.memory_space<hbm>>)
      tpu.yield
    }) : () -> ()
    "tpu.region"() ({
      %run_scoped3A = tpu.sem_alloc : memref<!tpu.dma_semaphore, #tpu.memory_space<semaphore_mem>>
      %dma_start3A_263 = arith.constant 64 : i32
      %dma_start3A_264 = tpu.memref_slice %arg8[%add3A_199, %dma_start3A_263] : memref<245760x128xi32, #tpu.memory_space<hbm>> -> memref<480x8xi32, #tpu.memory_space<hbm>>
      %dma_start3A_265 = arith.constant 64 : i32
      %dma_start3A_266 = tpu.memref_slice %arg8[%add3A_199, %dma_start3A_265] : memref<245760x128xi32, #tpu.memory_space<hbm>> -> memref<480x8xi32, #tpu.memory_space<hbm>>
      tpu.enqueue_dma source(%arg13 : memref<480x8xi32, #tpu.memory_space<vmem>>) target(%dma_start3A_266 : memref<480x8xi32, #tpu.memory_space<hbm>>) target_semaphore(%run_scoped3A : memref<!tpu.dma_semaphore, #tpu.memory_space<semaphore_mem>>)
      %dma_wait3A_267 = arith.constant 64 : i32
      %dma_wait3A_268 = tpu.memref_slice %arg8[%add3A_199, %dma_wait3A_267] : memref<245760x128xi32, #tpu.memory_space<hbm>> -> memref<480x8xi32, #tpu.memory_space<hbm>>
      %dma_wait3A_269 = arith.constant 64 : i32
      %dma_wait3A_270 = tpu.memref_slice %arg8[%add3A_199, %dma_wait3A_269] : memref<245760x128xi32, #tpu.memory_space<hbm>> -> memref<480x8xi32, #tpu.memory_space<hbm>>
      tpu.wait_dma2 semaphore(%run_scoped3A : memref<!tpu.dma_semaphore, #tpu.memory_space<semaphore_mem>>) src(%arg13 : memref<480x8xi32, #tpu.memory_space<vmem>>) dst(%dma_wait3A_270 : memref<480x8xi32, #tpu.memory_space<hbm>>)
      tpu.yield
    }) : () -> ()
    %mul3A_212 = arith.constant 7680 : i32
    %mul3A_213 = arith.muli %add3A, %mul3A_212 : i32
    %add3A_214 = arith.constant 6240 : i32
    %add3A_215 = arith.addi %mul3A_213, %add3A_214 : i32
    "tpu.region"() ({
      %run_scoped3A = tpu.sem_alloc : memref<!tpu.dma_semaphore, #tpu.memory_space<semaphore_mem>>
      %dma_start3A_263 = tpu.memref_slice %arg5[%add3A_215] : memref<245760xi32, #tpu.memory_space<hbm>> -> memref<480xi32, #tpu.memory_space<hbm>>
      %dma_start3A_264 = tpu.memref_slice %arg5[%add3A_215] : memref<245760xi32, #tpu.memory_space<hbm>> -> memref<480xi32, #tpu.memory_space<hbm>>
      tpu.enqueue_dma source(%dma_start3A_264 : memref<480xi32, #tpu.memory_space<hbm>>) target(%arg10 : memref<480xi32, #tpu.memory_space<vmem>>) target_semaphore(%run_scoped3A : memref<!tpu.dma_semaphore, #tpu.memory_space<semaphore_mem>>)
      %dma_wait3A_265 = tpu.memref_slice %arg5[%add3A_215] : memref<245760xi32, #tpu.memory_space<hbm>> -> memref<480xi32, #tpu.memory_space<hbm>>
      %dma_wait3A_266 = tpu.memref_slice %arg5[%add3A_215] : memref<245760xi32, #tpu.memory_space<hbm>> -> memref<480xi32, #tpu.memory_space<hbm>>
      tpu.wait_dma2 semaphore(%run_scoped3A : memref<!tpu.dma_semaphore, #tpu.memory_space<semaphore_mem>>) src(%dma_wait3A_266 : memref<480xi32, #tpu.memory_space<hbm>>) dst(%arg10 : memref<480xi32, #tpu.memory_space<vmem>>)
      tpu.yield
    }) : () -> ()
    "tpu.region"() ({
      %run_scoped3A = tpu.sem_alloc : memref<!tpu.dma_semaphore, #tpu.memory_space<semaphore_mem>>
      %dma_start3A_263 = tpu.memref_slice %arg6[%add3A_215] : memref<245760xi32, #tpu.memory_space<hbm>> -> memref<480xi32, #tpu.memory_space<hbm>>
      %dma_start3A_264 = tpu.memref_slice %arg6[%add3A_215] : memref<245760xi32, #tpu.memory_space<hbm>> -> memref<480xi32, #tpu.memory_space<hbm>>
      tpu.enqueue_dma source(%dma_start3A_264 : memref<480xi32, #tpu.memory_space<hbm>>) target(%arg11 : memref<480xi32, #tpu.memory_space<vmem>>) target_semaphore(%run_scoped3A : memref<!tpu.dma_semaphore, #tpu.memory_space<semaphore_mem>>)
      %dma_wait3A_265 = tpu.memref_slice %arg6[%add3A_215] : memref<245760xi32, #tpu.memory_space<hbm>> -> memref<480xi32, #tpu.memory_space<hbm>>
      %dma_wait3A_266 = tpu.memref_slice %arg6[%add3A_215] : memref<245760xi32, #tpu.memory_space<hbm>> -> memref<480xi32, #tpu.memory_space<hbm>>
      tpu.wait_dma2 semaphore(%run_scoped3A : memref<!tpu.dma_semaphore, #tpu.memory_space<semaphore_mem>>) src(%dma_wait3A_266 : memref<480xi32, #tpu.memory_space<hbm>>) dst(%arg11 : memref<480xi32, #tpu.memory_space<vmem>>)
      tpu.yield
    }) : () -> ()
    %dma_start3A_216 = arith.constant 0 : i32
    %dma_start3A_217 = arith.constant 0 : i32
    %dma_start3A_218 = tpu.memref_slice %arg2[%dma_start3A_216, %dma_start3A_217] : memref<10000x64xi32, #tpu.memory_space<hbm>> -> memref<10000x64xi32, #tpu.memory_space<hbm>>
    tpu.enqueue_indirect_dma source(%dma_start3A_218 : memref<10000x64xi32, #tpu.memory_space<hbm>>) target(%arg12 : memref<480x64xi32, #tpu.memory_space<vmem>>) offsets(%arg10 : memref<480xi32, #tpu.memory_space<vmem>>) semaphore(%arg16 : memref<!tpu.dma_semaphore, #tpu.memory_space<semaphore_mem>>)
    %dma_start3A_219 = arith.constant 0 : i32
    %dma_start3A_220 = arith.constant 0 : i32
    %dma_start3A_221 = tpu.memref_slice %arg3[%dma_start3A_219, %dma_start3A_220] : memref<320000x8xi32, #tpu.memory_space<hbm>> -> memref<320000x8xi32, #tpu.memory_space<hbm>>
    tpu.enqueue_indirect_dma source(%dma_start3A_221 : memref<320000x8xi32, #tpu.memory_space<hbm>>) target(%arg13 : memref<480x8xi32, #tpu.memory_space<vmem>>) offsets(%arg11 : memref<480xi32, #tpu.memory_space<vmem>>) semaphore(%arg16 : memref<!tpu.dma_semaphore, #tpu.memory_space<semaphore_mem>>)
    %dma_wait3A_222 = arith.constant 0 : i32
    %dma_wait3A_223 = arith.constant 0 : i32
    %dma_wait3A_224 = tpu.memref_slice %arg2[%dma_wait3A_222, %dma_wait3A_223] : memref<10000x64xi32, #tpu.memory_space<hbm>> -> memref<10000x64xi32, #tpu.memory_space<hbm>>
    tpu.wait_indirect_dma semaphore(%arg16 : memref<!tpu.dma_semaphore, #tpu.memory_space<semaphore_mem>>) src(%dma_wait3A_224 : memref<10000x64xi32, #tpu.memory_space<hbm>>) dst(%arg12 : memref<480x64xi32, #tpu.memory_space<vmem>>)
    %dma_wait3A_225 = arith.constant 0 : i32
    %dma_wait3A_226 = arith.constant 0 : i32
    %dma_wait3A_227 = tpu.memref_slice %arg3[%dma_wait3A_225, %dma_wait3A_226] : memref<320000x8xi32, #tpu.memory_space<hbm>> -> memref<320000x8xi32, #tpu.memory_space<hbm>>
    tpu.wait_indirect_dma semaphore(%arg16 : memref<!tpu.dma_semaphore, #tpu.memory_space<semaphore_mem>>) src(%dma_wait3A_227 : memref<320000x8xi32, #tpu.memory_space<hbm>>) dst(%arg13 : memref<480x8xi32, #tpu.memory_space<vmem>>)
    "tpu.region"() ({
      %run_scoped3A = tpu.sem_alloc : memref<!tpu.dma_semaphore, #tpu.memory_space<semaphore_mem>>
      %dma_start3A_263 = arith.constant 0 : i32
      %dma_start3A_264 = tpu.memref_slice %arg8[%add3A_215, %dma_start3A_263] : memref<245760x128xi32, #tpu.memory_space<hbm>> -> memref<480x64xi32, #tpu.memory_space<hbm>>
      %dma_start3A_265 = arith.constant 0 : i32
      %dma_start3A_266 = tpu.memref_slice %arg8[%add3A_215, %dma_start3A_265] : memref<245760x128xi32, #tpu.memory_space<hbm>> -> memref<480x64xi32, #tpu.memory_space<hbm>>
      tpu.enqueue_dma source(%arg12 : memref<480x64xi32, #tpu.memory_space<vmem>>) target(%dma_start3A_266 : memref<480x64xi32, #tpu.memory_space<hbm>>) target_semaphore(%run_scoped3A : memref<!tpu.dma_semaphore, #tpu.memory_space<semaphore_mem>>)
      %dma_wait3A_267 = arith.constant 0 : i32
      %dma_wait3A_268 = tpu.memref_slice %arg8[%add3A_215, %dma_wait3A_267] : memref<245760x128xi32, #tpu.memory_space<hbm>> -> memref<480x64xi32, #tpu.memory_space<hbm>>
      %dma_wait3A_269 = arith.constant 0 : i32
      %dma_wait3A_270 = tpu.memref_slice %arg8[%add3A_215, %dma_wait3A_269] : memref<245760x128xi32, #tpu.memory_space<hbm>> -> memref<480x64xi32, #tpu.memory_space<hbm>>
      tpu.wait_dma2 semaphore(%run_scoped3A : memref<!tpu.dma_semaphore, #tpu.memory_space<semaphore_mem>>) src(%arg12 : memref<480x64xi32, #tpu.memory_space<vmem>>) dst(%dma_wait3A_270 : memref<480x64xi32, #tpu.memory_space<hbm>>)
      tpu.yield
    }) : () -> ()
    "tpu.region"() ({
      %run_scoped3A = tpu.sem_alloc : memref<!tpu.dma_semaphore, #tpu.memory_space<semaphore_mem>>
      %dma_start3A_263 = arith.constant 64 : i32
      %dma_start3A_264 = tpu.memref_slice %arg8[%add3A_215, %dma_start3A_263] : memref<245760x128xi32, #tpu.memory_space<hbm>> -> memref<480x8xi32, #tpu.memory_space<hbm>>
      %dma_start3A_265 = arith.constant 64 : i32
      %dma_start3A_266 = tpu.memref_slice %arg8[%add3A_215, %dma_start3A_265] : memref<245760x128xi32, #tpu.memory_space<hbm>> -> memref<480x8xi32, #tpu.memory_space<hbm>>
      tpu.enqueue_dma source(%arg13 : memref<480x8xi32, #tpu.memory_space<vmem>>) target(%dma_start3A_266 : memref<480x8xi32, #tpu.memory_space<hbm>>) target_semaphore(%run_scoped3A : memref<!tpu.dma_semaphore, #tpu.memory_space<semaphore_mem>>)
      %dma_wait3A_267 = arith.constant 64 : i32
      %dma_wait3A_268 = tpu.memref_slice %arg8[%add3A_215, %dma_wait3A_267] : memref<245760x128xi32, #tpu.memory_space<hbm>> -> memref<480x8xi32, #tpu.memory_space<hbm>>
      %dma_wait3A_269 = arith.constant 64 : i32
      %dma_wait3A_270 = tpu.memref_slice %arg8[%add3A_215, %dma_wait3A_269] : memref<245760x128xi32, #tpu.memory_space<hbm>> -> memref<480x8xi32, #tpu.memory_space<hbm>>
      tpu.wait_dma2 semaphore(%run_scoped3A : memref<!tpu.dma_semaphore, #tpu.memory_space<semaphore_mem>>) src(%arg13 : memref<480x8xi32, #tpu.memory_space<vmem>>) dst(%dma_wait3A_270 : memref<480x8xi32, #tpu.memory_space<hbm>>)
      tpu.yield
    }) : () -> ()
    %mul3A_228 = arith.constant 7680 : i32
    %mul3A_229 = arith.muli %add3A, %mul3A_228 : i32
    %add3A_230 = arith.constant 6720 : i32
    %add3A_231 = arith.addi %mul3A_229, %add3A_230 : i32
    "tpu.region"() ({
      %run_scoped3A = tpu.sem_alloc : memref<!tpu.dma_semaphore, #tpu.memory_space<semaphore_mem>>
      %dma_start3A_263 = tpu.memref_slice %arg5[%add3A_231] : memref<245760xi32, #tpu.memory_space<hbm>> -> memref<480xi32, #tpu.memory_space<hbm>>
      %dma_start3A_264 = tpu.memref_slice %arg5[%add3A_231] : memref<245760xi32, #tpu.memory_space<hbm>> -> memref<480xi32, #tpu.memory_space<hbm>>
      tpu.enqueue_dma source(%dma_start3A_264 : memref<480xi32, #tpu.memory_space<hbm>>) target(%arg10 : memref<480xi32, #tpu.memory_space<vmem>>) target_semaphore(%run_scoped3A : memref<!tpu.dma_semaphore, #tpu.memory_space<semaphore_mem>>)
      %dma_wait3A_265 = tpu.memref_slice %arg5[%add3A_231] : memref<245760xi32, #tpu.memory_space<hbm>> -> memref<480xi32, #tpu.memory_space<hbm>>
      %dma_wait3A_266 = tpu.memref_slice %arg5[%add3A_231] : memref<245760xi32, #tpu.memory_space<hbm>> -> memref<480xi32, #tpu.memory_space<hbm>>
      tpu.wait_dma2 semaphore(%run_scoped3A : memref<!tpu.dma_semaphore, #tpu.memory_space<semaphore_mem>>) src(%dma_wait3A_266 : memref<480xi32, #tpu.memory_space<hbm>>) dst(%arg10 : memref<480xi32, #tpu.memory_space<vmem>>)
      tpu.yield
    }) : () -> ()
    "tpu.region"() ({
      %run_scoped3A = tpu.sem_alloc : memref<!tpu.dma_semaphore, #tpu.memory_space<semaphore_mem>>
      %dma_start3A_263 = tpu.memref_slice %arg6[%add3A_231] : memref<245760xi32, #tpu.memory_space<hbm>> -> memref<480xi32, #tpu.memory_space<hbm>>
      %dma_start3A_264 = tpu.memref_slice %arg6[%add3A_231] : memref<245760xi32, #tpu.memory_space<hbm>> -> memref<480xi32, #tpu.memory_space<hbm>>
      tpu.enqueue_dma source(%dma_start3A_264 : memref<480xi32, #tpu.memory_space<hbm>>) target(%arg11 : memref<480xi32, #tpu.memory_space<vmem>>) target_semaphore(%run_scoped3A : memref<!tpu.dma_semaphore, #tpu.memory_space<semaphore_mem>>)
      %dma_wait3A_265 = tpu.memref_slice %arg6[%add3A_231] : memref<245760xi32, #tpu.memory_space<hbm>> -> memref<480xi32, #tpu.memory_space<hbm>>
      %dma_wait3A_266 = tpu.memref_slice %arg6[%add3A_231] : memref<245760xi32, #tpu.memory_space<hbm>> -> memref<480xi32, #tpu.memory_space<hbm>>
      tpu.wait_dma2 semaphore(%run_scoped3A : memref<!tpu.dma_semaphore, #tpu.memory_space<semaphore_mem>>) src(%dma_wait3A_266 : memref<480xi32, #tpu.memory_space<hbm>>) dst(%arg11 : memref<480xi32, #tpu.memory_space<vmem>>)
      tpu.yield
    }) : () -> ()
    %dma_start3A_232 = arith.constant 0 : i32
    %dma_start3A_233 = arith.constant 0 : i32
    %dma_start3A_234 = tpu.memref_slice %arg2[%dma_start3A_232, %dma_start3A_233] : memref<10000x64xi32, #tpu.memory_space<hbm>> -> memref<10000x64xi32, #tpu.memory_space<hbm>>
    tpu.enqueue_indirect_dma source(%dma_start3A_234 : memref<10000x64xi32, #tpu.memory_space<hbm>>) target(%arg12 : memref<480x64xi32, #tpu.memory_space<vmem>>) offsets(%arg10 : memref<480xi32, #tpu.memory_space<vmem>>) semaphore(%arg16 : memref<!tpu.dma_semaphore, #tpu.memory_space<semaphore_mem>>)
    %dma_start3A_235 = arith.constant 0 : i32
    %dma_start3A_236 = arith.constant 0 : i32
    %dma_start3A_237 = tpu.memref_slice %arg3[%dma_start3A_235, %dma_start3A_236] : memref<320000x8xi32, #tpu.memory_space<hbm>> -> memref<320000x8xi32, #tpu.memory_space<hbm>>
    tpu.enqueue_indirect_dma source(%dma_start3A_237 : memref<320000x8xi32, #tpu.memory_space<hbm>>) target(%arg13 : memref<480x8xi32, #tpu.memory_space<vmem>>) offsets(%arg11 : memref<480xi32, #tpu.memory_space<vmem>>) semaphore(%arg16 : memref<!tpu.dma_semaphore, #tpu.memory_space<semaphore_mem>>)
    %dma_wait3A_238 = arith.constant 0 : i32
    %dma_wait3A_239 = arith.constant 0 : i32
    %dma_wait3A_240 = tpu.memref_slice %arg2[%dma_wait3A_238, %dma_wait3A_239] : memref<10000x64xi32, #tpu.memory_space<hbm>> -> memref<10000x64xi32, #tpu.memory_space<hbm>>
    tpu.wait_indirect_dma semaphore(%arg16 : memref<!tpu.dma_semaphore, #tpu.memory_space<semaphore_mem>>) src(%dma_wait3A_240 : memref<10000x64xi32, #tpu.memory_space<hbm>>) dst(%arg12 : memref<480x64xi32, #tpu.memory_space<vmem>>)
    %dma_wait3A_241 = arith.constant 0 : i32
    %dma_wait3A_242 = arith.constant 0 : i32
    %dma_wait3A_243 = tpu.memref_slice %arg3[%dma_wait3A_241, %dma_wait3A_242] : memref<320000x8xi32, #tpu.memory_space<hbm>> -> memref<320000x8xi32, #tpu.memory_space<hbm>>
    tpu.wait_indirect_dma semaphore(%arg16 : memref<!tpu.dma_semaphore, #tpu.memory_space<semaphore_mem>>) src(%dma_wait3A_243 : memref<320000x8xi32, #tpu.memory_space<hbm>>) dst(%arg13 : memref<480x8xi32, #tpu.memory_space<vmem>>)
    "tpu.region"() ({
      %run_scoped3A = tpu.sem_alloc : memref<!tpu.dma_semaphore, #tpu.memory_space<semaphore_mem>>
      %dma_start3A_263 = arith.constant 0 : i32
      %dma_start3A_264 = tpu.memref_slice %arg8[%add3A_231, %dma_start3A_263] : memref<245760x128xi32, #tpu.memory_space<hbm>> -> memref<480x64xi32, #tpu.memory_space<hbm>>
      %dma_start3A_265 = arith.constant 0 : i32
      %dma_start3A_266 = tpu.memref_slice %arg8[%add3A_231, %dma_start3A_265] : memref<245760x128xi32, #tpu.memory_space<hbm>> -> memref<480x64xi32, #tpu.memory_space<hbm>>
      tpu.enqueue_dma source(%arg12 : memref<480x64xi32, #tpu.memory_space<vmem>>) target(%dma_start3A_266 : memref<480x64xi32, #tpu.memory_space<hbm>>) target_semaphore(%run_scoped3A : memref<!tpu.dma_semaphore, #tpu.memory_space<semaphore_mem>>)
      %dma_wait3A_267 = arith.constant 0 : i32
      %dma_wait3A_268 = tpu.memref_slice %arg8[%add3A_231, %dma_wait3A_267] : memref<245760x128xi32, #tpu.memory_space<hbm>> -> memref<480x64xi32, #tpu.memory_space<hbm>>
      %dma_wait3A_269 = arith.constant 0 : i32
      %dma_wait3A_270 = tpu.memref_slice %arg8[%add3A_231, %dma_wait3A_269] : memref<245760x128xi32, #tpu.memory_space<hbm>> -> memref<480x64xi32, #tpu.memory_space<hbm>>
      tpu.wait_dma2 semaphore(%run_scoped3A : memref<!tpu.dma_semaphore, #tpu.memory_space<semaphore_mem>>) src(%arg12 : memref<480x64xi32, #tpu.memory_space<vmem>>) dst(%dma_wait3A_270 : memref<480x64xi32, #tpu.memory_space<hbm>>)
      tpu.yield
    }) : () -> ()
    "tpu.region"() ({
      %run_scoped3A = tpu.sem_alloc : memref<!tpu.dma_semaphore, #tpu.memory_space<semaphore_mem>>
      %dma_start3A_263 = arith.constant 64 : i32
      %dma_start3A_264 = tpu.memref_slice %arg8[%add3A_231, %dma_start3A_263] : memref<245760x128xi32, #tpu.memory_space<hbm>> -> memref<480x8xi32, #tpu.memory_space<hbm>>
      %dma_start3A_265 = arith.constant 64 : i32
      %dma_start3A_266 = tpu.memref_slice %arg8[%add3A_231, %dma_start3A_265] : memref<245760x128xi32, #tpu.memory_space<hbm>> -> memref<480x8xi32, #tpu.memory_space<hbm>>
      tpu.enqueue_dma source(%arg13 : memref<480x8xi32, #tpu.memory_space<vmem>>) target(%dma_start3A_266 : memref<480x8xi32, #tpu.memory_space<hbm>>) target_semaphore(%run_scoped3A : memref<!tpu.dma_semaphore, #tpu.memory_space<semaphore_mem>>)
      %dma_wait3A_267 = arith.constant 64 : i32
      %dma_wait3A_268 = tpu.memref_slice %arg8[%add3A_231, %dma_wait3A_267] : memref<245760x128xi32, #tpu.memory_space<hbm>> -> memref<480x8xi32, #tpu.memory_space<hbm>>
      %dma_wait3A_269 = arith.constant 64 : i32
      %dma_wait3A_270 = tpu.memref_slice %arg8[%add3A_231, %dma_wait3A_269] : memref<245760x128xi32, #tpu.memory_space<hbm>> -> memref<480x8xi32, #tpu.memory_space<hbm>>
      tpu.wait_dma2 semaphore(%run_scoped3A : memref<!tpu.dma_semaphore, #tpu.memory_space<semaphore_mem>>) src(%arg13 : memref<480x8xi32, #tpu.memory_space<vmem>>) dst(%dma_wait3A_270 : memref<480x8xi32, #tpu.memory_space<hbm>>)
      tpu.yield
    }) : () -> ()
    %mul3A_244 = arith.constant 7680 : i32
    %mul3A_245 = arith.muli %add3A, %mul3A_244 : i32
    %add3A_246 = arith.constant 7200 : i32
    %add3A_247 = arith.addi %mul3A_245, %add3A_246 : i32
    "tpu.region"() ({
      %run_scoped3A = tpu.sem_alloc : memref<!tpu.dma_semaphore, #tpu.memory_space<semaphore_mem>>
      %dma_start3A_263 = tpu.memref_slice %arg5[%add3A_247] : memref<245760xi32, #tpu.memory_space<hbm>> -> memref<480xi32, #tpu.memory_space<hbm>>
      %dma_start3A_264 = tpu.memref_slice %arg5[%add3A_247] : memref<245760xi32, #tpu.memory_space<hbm>> -> memref<480xi32, #tpu.memory_space<hbm>>
      tpu.enqueue_dma source(%dma_start3A_264 : memref<480xi32, #tpu.memory_space<hbm>>) target(%arg10 : memref<480xi32, #tpu.memory_space<vmem>>) target_semaphore(%run_scoped3A : memref<!tpu.dma_semaphore, #tpu.memory_space<semaphore_mem>>)
      %dma_wait3A_265 = tpu.memref_slice %arg5[%add3A_247] : memref<245760xi32, #tpu.memory_space<hbm>> -> memref<480xi32, #tpu.memory_space<hbm>>
      %dma_wait3A_266 = tpu.memref_slice %arg5[%add3A_247] : memref<245760xi32, #tpu.memory_space<hbm>> -> memref<480xi32, #tpu.memory_space<hbm>>
      tpu.wait_dma2 semaphore(%run_scoped3A : memref<!tpu.dma_semaphore, #tpu.memory_space<semaphore_mem>>) src(%dma_wait3A_266 : memref<480xi32, #tpu.memory_space<hbm>>) dst(%arg10 : memref<480xi32, #tpu.memory_space<vmem>>)
      tpu.yield
    }) : () -> ()
    "tpu.region"() ({
      %run_scoped3A = tpu.sem_alloc : memref<!tpu.dma_semaphore, #tpu.memory_space<semaphore_mem>>
      %dma_start3A_263 = tpu.memref_slice %arg6[%add3A_247] : memref<245760xi32, #tpu.memory_space<hbm>> -> memref<480xi32, #tpu.memory_space<hbm>>
      %dma_start3A_264 = tpu.memref_slice %arg6[%add3A_247] : memref<245760xi32, #tpu.memory_space<hbm>> -> memref<480xi32, #tpu.memory_space<hbm>>
      tpu.enqueue_dma source(%dma_start3A_264 : memref<480xi32, #tpu.memory_space<hbm>>) target(%arg11 : memref<480xi32, #tpu.memory_space<vmem>>) target_semaphore(%run_scoped3A : memref<!tpu.dma_semaphore, #tpu.memory_space<semaphore_mem>>)
      %dma_wait3A_265 = tpu.memref_slice %arg6[%add3A_247] : memref<245760xi32, #tpu.memory_space<hbm>> -> memref<480xi32, #tpu.memory_space<hbm>>
      %dma_wait3A_266 = tpu.memref_slice %arg6[%add3A_247] : memref<245760xi32, #tpu.memory_space<hbm>> -> memref<480xi32, #tpu.memory_space<hbm>>
      tpu.wait_dma2 semaphore(%run_scoped3A : memref<!tpu.dma_semaphore, #tpu.memory_space<semaphore_mem>>) src(%dma_wait3A_266 : memref<480xi32, #tpu.memory_space<hbm>>) dst(%arg11 : memref<480xi32, #tpu.memory_space<vmem>>)
      tpu.yield
    }) : () -> ()
    %dma_start3A_248 = arith.constant 0 : i32
    %dma_start3A_249 = arith.constant 0 : i32
    %dma_start3A_250 = tpu.memref_slice %arg2[%dma_start3A_248, %dma_start3A_249] : memref<10000x64xi32, #tpu.memory_space<hbm>> -> memref<10000x64xi32, #tpu.memory_space<hbm>>
    tpu.enqueue_indirect_dma source(%dma_start3A_250 : memref<10000x64xi32, #tpu.memory_space<hbm>>) target(%arg12 : memref<480x64xi32, #tpu.memory_space<vmem>>) offsets(%arg10 : memref<480xi32, #tpu.memory_space<vmem>>) semaphore(%arg16 : memref<!tpu.dma_semaphore, #tpu.memory_space<semaphore_mem>>)
    %dma_start3A_251 = arith.constant 0 : i32
    %dma_start3A_252 = arith.constant 0 : i32
    %dma_start3A_253 = tpu.memref_slice %arg3[%dma_start3A_251, %dma_start3A_252] : memref<320000x8xi32, #tpu.memory_space<hbm>> -> memref<320000x8xi32, #tpu.memory_space<hbm>>
    tpu.enqueue_indirect_dma source(%dma_start3A_253 : memref<320000x8xi32, #tpu.memory_space<hbm>>) target(%arg13 : memref<480x8xi32, #tpu.memory_space<vmem>>) offsets(%arg11 : memref<480xi32, #tpu.memory_space<vmem>>) semaphore(%arg16 : memref<!tpu.dma_semaphore, #tpu.memory_space<semaphore_mem>>)
    %dma_wait3A_254 = arith.constant 0 : i32
    %dma_wait3A_255 = arith.constant 0 : i32
    %dma_wait3A_256 = tpu.memref_slice %arg2[%dma_wait3A_254, %dma_wait3A_255] : memref<10000x64xi32, #tpu.memory_space<hbm>> -> memref<10000x64xi32, #tpu.memory_space<hbm>>
    tpu.wait_indirect_dma semaphore(%arg16 : memref<!tpu.dma_semaphore, #tpu.memory_space<semaphore_mem>>) src(%dma_wait3A_256 : memref<10000x64xi32, #tpu.memory_space<hbm>>) dst(%arg12 : memref<480x64xi32, #tpu.memory_space<vmem>>)
    %dma_wait3A_257 = arith.constant 0 : i32
    %dma_wait3A_258 = arith.constant 0 : i32
    %dma_wait3A_259 = tpu.memref_slice %arg3[%dma_wait3A_257, %dma_wait3A_258] : memref<320000x8xi32, #tpu.memory_space<hbm>> -> memref<320000x8xi32, #tpu.memory_space<hbm>>
    tpu.wait_indirect_dma semaphore(%arg16 : memref<!tpu.dma_semaphore, #tpu.memory_space<semaphore_mem>>) src(%dma_wait3A_259 : memref<320000x8xi32, #tpu.memory_space<hbm>>) dst(%arg13 : memref<480x8xi32, #tpu.memory_space<vmem>>)
    "tpu.region"() ({
      %run_scoped3A = tpu.sem_alloc : memref<!tpu.dma_semaphore, #tpu.memory_space<semaphore_mem>>
      %dma_start3A_263 = arith.constant 0 : i32
      %dma_start3A_264 = tpu.memref_slice %arg8[%add3A_247, %dma_start3A_263] : memref<245760x128xi32, #tpu.memory_space<hbm>> -> memref<480x64xi32, #tpu.memory_space<hbm>>
      %dma_start3A_265 = arith.constant 0 : i32
      %dma_start3A_266 = tpu.memref_slice %arg8[%add3A_247, %dma_start3A_265] : memref<245760x128xi32, #tpu.memory_space<hbm>> -> memref<480x64xi32, #tpu.memory_space<hbm>>
      tpu.enqueue_dma source(%arg12 : memref<480x64xi32, #tpu.memory_space<vmem>>) target(%dma_start3A_266 : memref<480x64xi32, #tpu.memory_space<hbm>>) target_semaphore(%run_scoped3A : memref<!tpu.dma_semaphore, #tpu.memory_space<semaphore_mem>>)
      %dma_wait3A_267 = arith.constant 0 : i32
      %dma_wait3A_268 = tpu.memref_slice %arg8[%add3A_247, %dma_wait3A_267] : memref<245760x128xi32, #tpu.memory_space<hbm>> -> memref<480x64xi32, #tpu.memory_space<hbm>>
      %dma_wait3A_269 = arith.constant 0 : i32
      %dma_wait3A_270 = tpu.memref_slice %arg8[%add3A_247, %dma_wait3A_269] : memref<245760x128xi32, #tpu.memory_space<hbm>> -> memref<480x64xi32, #tpu.memory_space<hbm>>
      tpu.wait_dma2 semaphore(%run_scoped3A : memref<!tpu.dma_semaphore, #tpu.memory_space<semaphore_mem>>) src(%arg12 : memref<480x64xi32, #tpu.memory_space<vmem>>) dst(%dma_wait3A_270 : memref<480x64xi32, #tpu.memory_space<hbm>>)
      tpu.yield
    }) : () -> ()
    "tpu.region"() ({
      %run_scoped3A = tpu.sem_alloc : memref<!tpu.dma_semaphore, #tpu.memory_space<semaphore_mem>>
      %dma_start3A_263 = arith.constant 64 : i32
      %dma_start3A_264 = tpu.memref_slice %arg8[%add3A_247, %dma_start3A_263] : memref<245760x128xi32, #tpu.memory_space<hbm>> -> memref<480x8xi32, #tpu.memory_space<hbm>>
      %dma_start3A_265 = arith.constant 64 : i32
      %dma_start3A_266 = tpu.memref_slice %arg8[%add3A_247, %dma_start3A_265] : memref<245760x128xi32, #tpu.memory_space<hbm>> -> memref<480x8xi32, #tpu.memory_space<hbm>>
      tpu.enqueue_dma source(%arg13 : memref<480x8xi32, #tpu.memory_space<vmem>>) target(%dma_start3A_266 : memref<480x8xi32, #tpu.memory_space<hbm>>) target_semaphore(%run_scoped3A : memref<!tpu.dma_semaphore, #tpu.memory_space<semaphore_mem>>)
      %dma_wait3A_267 = arith.constant 64 : i32
      %dma_wait3A_268 = tpu.memref_slice %arg8[%add3A_247, %dma_wait3A_267] : memref<245760x128xi32, #tpu.memory_space<hbm>> -> memref<480x8xi32, #tpu.memory_space<hbm>>
      %dma_wait3A_269 = arith.constant 64 : i32
      %dma_wait3A_270 = tpu.memref_slice %arg8[%add3A_247, %dma_wait3A_269] : memref<245760x128xi32, #tpu.memory_space<hbm>> -> memref<480x8xi32, #tpu.memory_space<hbm>>
      tpu.wait_dma2 semaphore(%run_scoped3A : memref<!tpu.dma_semaphore, #tpu.memory_space<semaphore_mem>>) src(%arg13 : memref<480x8xi32, #tpu.memory_space<vmem>>) dst(%dma_wait3A_270 : memref<480x8xi32, #tpu.memory_space<hbm>>)
      tpu.yield
    }) : () -> ()
    %dma_wait3A_260 = arith.constant 0 : i32
    %dma_wait3A_261 = arith.constant 0 : i32
    %dma_wait3A_262 = tpu.memref_slice %arg4[%dma_wait3A_260, %dma_wait3A_261] : memref<10000x128xf32, #tpu.memory_space<hbm>> -> memref<10000x128xf32, #tpu.memory_space<hbm>>
    tpu.wait_indirect_dma semaphore(%arg17 : memref<!tpu.dma_semaphore, #tpu.memory_space<semaphore_mem>>) src(%dma_wait3A_262 : memref<10000x128xf32, #tpu.memory_space<hbm>>) dst(%arg15 : memref<384x128xf32, #tpu.memory_space<vmem>>)
    "tpu.region"() ({
      %run_scoped3A = tpu.sem_alloc : memref<!tpu.dma_semaphore, #tpu.memory_space<semaphore_mem>>
      %dma_start3A_263 = arith.constant 0 : i32
      %dma_start3A_264 = tpu.memref_slice %arg9[%mul3A_2, %dma_start3A_263] : memref<12288x128xf32, #tpu.memory_space<hbm>> -> memref<384x128xf32, #tpu.memory_space<hbm>>
      %dma_start3A_265 = arith.constant 0 : i32
      %dma_start3A_266 = tpu.memref_slice %arg9[%mul3A_2, %dma_start3A_265] : memref<12288x128xf32, #tpu.memory_space<hbm>> -> memref<384x128xf32, #tpu.memory_space<hbm>>
      tpu.enqueue_dma source(%arg15 : memref<384x128xf32, #tpu.memory_space<vmem>>) target(%dma_start3A_266 : memref<384x128xf32, #tpu.memory_space<hbm>>) target_semaphore(%run_scoped3A : memref<!tpu.dma_semaphore, #tpu.memory_space<semaphore_mem>>)
      %dma_wait3A_267 = arith.constant 0 : i32
      %dma_wait3A_268 = tpu.memref_slice %arg9[%mul3A_2, %dma_wait3A_267] : memref<12288x128xf32, #tpu.memory_space<hbm>> -> memref<384x128xf32, #tpu.memory_space<hbm>>
      %dma_wait3A_269 = arith.constant 0 : i32
      %dma_wait3A_270 = tpu.memref_slice %arg9[%mul3A_2, %dma_wait3A_269] : memref<12288x128xf32, #tpu.memory_space<hbm>> -> memref<384x128xf32, #tpu.memory_space<hbm>>
      tpu.wait_dma2 semaphore(%run_scoped3A : memref<!tpu.dma_semaphore, #tpu.memory_space<semaphore_mem>>) src(%arg15 : memref<384x128xf32, #tpu.memory_space<vmem>>) dst(%dma_wait3A_270 : memref<384x128xf32, #tpu.memory_space<hbm>>)
      tpu.yield
    }) : () -> ()
    return
  }
}

module attributes {stable_mosaic.version = 14 : i64} {
  func.func @_dense_body(%arg0: i32, %arg1: memref<20x1x256xf32, #tpu.memory_space<vmem>>, %arg2: memref<256x128xf32, #tpu.memory_space<vmem>>, %arg3: memref<20x256x128xi32, #tpu.memory_space<vmem>>, %arg4: memref<1x10x1xf32, #tpu.memory_space<vmem>>, %arg5: memref<1x10x1xf32, #tpu.memory_space<vmem>>, %arg6: memref<1x10x1xf32, #tpu.memory_space<vmem>>, %arg7: memref<1x10xf32, #tpu.memory_space<vmem>>, %arg8: memref<138x128xf32, #tpu.memory_space<vmem>>, %arg9: memref<154x256xf32, #tpu.memory_space<vmem>>, %arg10: memref<256x128xf32, #tpu.memory_space<vmem>>, %arg11: memref<1x128xf32, #tpu.memory_space<vmem>>, %arg12: memref<128x128xf32, #tpu.memory_space<vmem>>, %arg13: memref<1x128xf32, #tpu.memory_space<vmem>>, %arg14: memref<128x128xf32, #tpu.memory_space<vmem>>, %arg15: memref<256x128xf32, #tpu.memory_space<vmem>>) attributes {dimension_semantics = [#tpu.dimension_semantics<arbitrary>], iteration_bounds = array<i64: 48>, scalar_prefetch = 0 : i64, scratch_operands = 0 : i64, tpu.core_type = #tpu.core_type<tc>, window_params = [{transform_indices = @transform_0, window_bounds = array<i64: 20, 1, 256>}, {transform_indices = @transform_1, window_bounds = array<i64: 256, 128>}, {transform_indices = @transform_2, window_bounds = array<i64: 20, 256, 128>}, {pipeline_mode = #tpu.pipeline_mode<synchronous>, transform_indices = @transform_3, window_bounds = array<i64: 1, 10, 1>}, {pipeline_mode = #tpu.pipeline_mode<synchronous>, transform_indices = @transform_4, window_bounds = array<i64: 1, 10, 1>}, {pipeline_mode = #tpu.pipeline_mode<synchronous>, transform_indices = @transform_5, window_bounds = array<i64: 1, 10, 1>}, {pipeline_mode = #tpu.pipeline_mode<synchronous>, transform_indices = @transform_6, window_bounds = array<i64: 1, 10>}, {pipeline_mode = #tpu.pipeline_mode<synchronous>, transform_indices = @transform_7, window_bounds = array<i64: 138, 128>}, {pipeline_mode = #tpu.pipeline_mode<synchronous>, transform_indices = @transform_8, window_bounds = array<i64: 154, 256>}, {pipeline_mode = #tpu.pipeline_mode<synchronous>, transform_indices = @transform_9, window_bounds = array<i64: 256, 128>}, {pipeline_mode = #tpu.pipeline_mode<synchronous>, transform_indices = @transform_10, window_bounds = array<i64: 1, 128>}, {pipeline_mode = #tpu.pipeline_mode<synchronous>, transform_indices = @transform_11, window_bounds = array<i64: 128, 128>}, {pipeline_mode = #tpu.pipeline_mode<synchronous>, transform_indices = @transform_12, window_bounds = array<i64: 1, 128>}, {pipeline_mode = #tpu.pipeline_mode<synchronous>, transform_indices = @transform_13, window_bounds = array<i64: 128, 128>}, {transform_indices = @transform_14, window_bounds = array<i64: 256, 128>}]} {
    %get3A = arith.constant 0 : index
    %get3A_0 = arith.constant 0 : index
    %get3A_1 = arith.constant 0 : index
    %get3A_2 = vector.load %arg3[%get3A, %get3A_0, %get3A_1] : memref<20x256x128xi32, #tpu.memory_space<vmem>>, vector<20x256x128xi32>
    %slice3A = vector.extract_strided_slice %get3A_2 {offsets = [0, 0, 0], sizes = [20, 256, 64], strides = [1, 1, 1]} : vector<20x256x128xi32> to vector<20x256x64xi32>
    %shift_left3A = arith.constant 16 : i32
    %shift_left3A_3 = vector.broadcast %shift_left3A : i32 to vector<20x256x64xi32>
    %shift_left3A_4 = arith.shli %slice3A, %shift_left3A_3 : vector<20x256x64xi32>
    %bitcast_convert_type3A = tpu.bitcast %shift_left3A_4 : vector<20x256x64xi32> -> vector<20x256x64xf32>
    %and3A = arith.constant -65536 : i32
    %and3A_5 = vector.broadcast %and3A : i32 to vector<20x256x64xi32>
    %and3A_6 = arith.andi %slice3A, %and3A_5 : vector<20x256x64xi32>
    %bitcast_convert_type3A_7 = tpu.bitcast %and3A_6 : vector<20x256x64xi32> -> vector<20x256x64xf32>
    %convert_element_type3A = arith.truncf %bitcast_convert_type3A : vector<20x256x64xf32> to vector<20x256x64xbf16>
    %reshape3A = vector.shape_cast %convert_element_type3A : vector<20x256x64xbf16> to vector<5120x64xbf16>
    %convert_element_type3A_8 = arith.truncf %bitcast_convert_type3A_7 : vector<20x256x64xf32> to vector<20x256x64xbf16>
    %reshape3A_9 = vector.shape_cast %convert_element_type3A_8 : vector<20x256x64xbf16> to vector<5120x64xbf16>
    %slice3A_10 = vector.extract_strided_slice %get3A_2 {offsets = [0, 0, 64], sizes = [20, 256, 8], strides = [1, 1, 1]} : vector<20x256x128xi32> to vector<20x256x8xi32>
    %shift_left3A_11 = arith.constant 16 : i32
    %shift_left3A_12 = vector.broadcast %shift_left3A_11 : i32 to vector<20x256x8xi32>
    %shift_left3A_13 = arith.shli %slice3A_10, %shift_left3A_12 : vector<20x256x8xi32>
    %bitcast_convert_type3A_14 = tpu.bitcast %shift_left3A_13 : vector<20x256x8xi32> -> vector<20x256x8xf32>
    %and3A_15 = arith.constant -65536 : i32
    %and3A_16 = vector.broadcast %and3A_15 : i32 to vector<20x256x8xi32>
    %and3A_17 = arith.andi %slice3A_10, %and3A_16 : vector<20x256x8xi32>
    %bitcast_convert_type3A_18 = tpu.bitcast %and3A_17 : vector<20x256x8xi32> -> vector<20x256x8xf32>
    %convert_element_type3A_19 = arith.truncf %bitcast_convert_type3A_14 : vector<20x256x8xf32> to vector<20x256x8xbf16>
    %reshape3A_20 = vector.shape_cast %convert_element_type3A_19 : vector<20x256x8xbf16> to vector<5120x8xbf16>
    %convert_element_type3A_21 = arith.truncf %bitcast_convert_type3A_18 : vector<20x256x8xf32> to vector<20x256x8xbf16>
    %reshape3A_22 = vector.shape_cast %convert_element_type3A_21 : vector<20x256x8xbf16> to vector<5120x8xbf16>
    %get3A_23 = arith.constant 0 : index
    %get3A_24 = arith.constant 0 : index
    %get3A_25 = arith.constant 0 : index
    %get3A_26 = vector.load %arg1[%get3A_23, %get3A_24, %get3A_25] : memref<20x1x256xf32, #tpu.memory_space<vmem>>, vector<20x1x256xf32>
    %bitcast_convert_type3A_27 = tpu.bitcast %get3A_26 : vector<20x1x256xf32> -> vector<20x1x256xi32>
    %and3A_28 = arith.constant -4096 : i32
    %and3A_29 = vector.broadcast %and3A_28 : i32 to vector<20x1x256xi32>
    %and3A_30 = arith.andi %bitcast_convert_type3A_27, %and3A_29 : vector<20x1x256xi32>
    %bitcast_convert_type3A_31 = tpu.bitcast %and3A_30 : vector<20x1x256xi32> -> vector<20x1x256xf32>
    %sub3A = arith.subf %get3A_26, %bitcast_convert_type3A_31 : vector<20x1x256xf32>
    %get3A_32 = arith.constant 0 : index
    %get3A_33 = arith.constant 0 : index
    %get3A_34 = arith.constant 0 : index
    %get3A_35 = vector.load %arg4[%get3A_32, %get3A_33, %get3A_34] : memref<1x10x1xf32, #tpu.memory_space<vmem>>, vector<1x10x1xf32>
    %get3A_36 = arith.constant 0 : index
    %get3A_37 = arith.constant 0 : index
    %get3A_38 = arith.constant 0 : index
    %get3A_39 = vector.load %arg5[%get3A_36, %get3A_37, %get3A_38] : memref<1x10x1xf32, #tpu.memory_space<vmem>>, vector<1x10x1xf32>
    %mul3A = vector.broadcast %bitcast_convert_type3A_31 : vector<20x1x256xf32> to vector<20x10x256xf32>
    %mul3A_40 = vector.broadcast %get3A_35 : vector<1x10x1xf32> to vector<20x10x256xf32>
    %mul3A_41 = arith.mulf %mul3A, %mul3A_40 : vector<20x10x256xf32>
    %ge3A = arith.constant 0.000000e+00 : f32
    %ge3A_42 = vector.broadcast %ge3A : f32 to vector<20x10x256xf32>
    %ge3A_43 = arith.cmpf oge, %mul3A_41, %ge3A_42 : vector<20x10x256xf32>
    %jit3A = arith.constant 5.000000e-01 : f32
    %jit3A_44 = arith.constant -5.000000e-01 : f32
    %broadcast_in_dim3A = vector.broadcast %jit3A : f32 to vector<20x10x256xf32>
    %broadcast_in_dim3A_45 = vector.broadcast %jit3A_44 : f32 to vector<20x10x256xf32>
    %select_n3A = arith.select %ge3A_43, %broadcast_in_dim3A, %broadcast_in_dim3A_45 : vector<20x10x256xi1>, vector<20x10x256xf32>
    %add3A = arith.addf %mul3A_41, %select_n3A : vector<20x10x256xf32>
    %convert_element_type3A_46 = arith.fptosi %add3A : vector<20x10x256xf32> to vector<20x10x256xi32>
    %convert_element_type3A_47 = arith.sitofp %convert_element_type3A_46 : vector<20x10x256xi32> to vector<20x10x256xf32>
    %sub3A_48 = arith.subf %mul3A_41, %convert_element_type3A_47 : vector<20x10x256xf32>
    %mul3A_49 = vector.broadcast %bitcast_convert_type3A_31 : vector<20x1x256xf32> to vector<20x10x256xf32>
    %mul3A_50 = vector.broadcast %get3A_39 : vector<1x10x1xf32> to vector<20x10x256xf32>
    %mul3A_51 = arith.mulf %mul3A_49, %mul3A_50 : vector<20x10x256xf32>
    %add3A_52 = arith.addf %get3A_35, %get3A_39 : vector<1x10x1xf32>
    %mul3A_53 = vector.broadcast %sub3A : vector<20x1x256xf32> to vector<20x10x256xf32>
    %mul3A_54 = vector.broadcast %add3A_52 : vector<1x10x1xf32> to vector<20x10x256xf32>
    %mul3A_55 = arith.mulf %mul3A_53, %mul3A_54 : vector<20x10x256xf32>
    %add3A_56 = arith.addf %mul3A_51, %mul3A_55 : vector<20x10x256xf32>
    %ge3A_57 = arith.constant 0.000000e+00 : f32
    %ge3A_58 = vector.broadcast %ge3A_57 : f32 to vector<20x10x256xf32>
    %ge3A_59 = arith.cmpf oge, %add3A_56, %ge3A_58 : vector<20x10x256xf32>
    %jit3A_60 = arith.constant 5.000000e-01 : f32
    %jit3A_61 = arith.constant -5.000000e-01 : f32
    %broadcast_in_dim3A_62 = vector.broadcast %jit3A_60 : f32 to vector<20x10x256xf32>
    %broadcast_in_dim3A_63 = vector.broadcast %jit3A_61 : f32 to vector<20x10x256xf32>
    %select_n3A_64 = arith.select %ge3A_59, %broadcast_in_dim3A_62, %broadcast_in_dim3A_63 : vector<20x10x256xi1>, vector<20x10x256xf32>
    %add3A_65 = arith.addf %add3A_56, %select_n3A_64 : vector<20x10x256xf32>
    %convert_element_type3A_66 = arith.fptosi %add3A_65 : vector<20x10x256xf32> to vector<20x10x256xi32>
    %convert_element_type3A_67 = arith.sitofp %convert_element_type3A_66 : vector<20x10x256xi32> to vector<20x10x256xf32>
    %sub3A_68 = arith.subf %add3A_56, %convert_element_type3A_67 : vector<20x10x256xf32>
    %add3A_69 = arith.addf %sub3A_48, %sub3A_68 : vector<20x10x256xf32>
    %get3A_70 = arith.constant 0 : index
    %get3A_71 = arith.constant 0 : index
    %get3A_72 = arith.constant 0 : index
    %get3A_73 = vector.load %arg6[%get3A_70, %get3A_71, %get3A_72] : memref<1x10x1xf32, #tpu.memory_space<vmem>>, vector<1x10x1xf32>
    %add3A_74 = vector.broadcast %get3A_73 : vector<1x10x1xf32> to vector<20x10x256xf32>
    %add3A_75 = arith.addf %add3A_69, %add3A_74 : vector<20x10x256xf32>
    %ge3A_76 = arith.constant 0.000000e+00 : f32
    %ge3A_77 = vector.broadcast %ge3A_76 : f32 to vector<20x10x256xf32>
    %ge3A_78 = arith.cmpf oge, %add3A_75, %ge3A_77 : vector<20x10x256xf32>
    %jit3A_79 = arith.constant 5.000000e-01 : f32
    %jit3A_80 = arith.constant -5.000000e-01 : f32
    %broadcast_in_dim3A_81 = vector.broadcast %jit3A_79 : f32 to vector<20x10x256xf32>
    %broadcast_in_dim3A_82 = vector.broadcast %jit3A_80 : f32 to vector<20x10x256xf32>
    %select_n3A_83 = arith.select %ge3A_78, %broadcast_in_dim3A_81, %broadcast_in_dim3A_82 : vector<20x10x256xi1>, vector<20x10x256xf32>
    %add3A_84 = arith.addf %add3A_75, %select_n3A_83 : vector<20x10x256xf32>
    %convert_element_type3A_85 = arith.fptosi %add3A_84 : vector<20x10x256xf32> to vector<20x10x256xi32>
    %convert_element_type3A_86 = arith.sitofp %convert_element_type3A_85 : vector<20x10x256xi32> to vector<20x10x256xf32>
    %sub3A_87 = arith.subf %add3A_75, %convert_element_type3A_86 : vector<20x10x256xf32>
    %mul3A_88 = arith.mulf %sub3A_87, %sub3A_87 : vector<20x10x256xf32>
    %mul3A_89 = arith.constant -1.45311236 : f32
    %mul3A_90 = vector.broadcast %mul3A_89 : f32 to vector<20x10x256xf32>
    %mul3A_91 = arith.mulf %mul3A_90, %mul3A_88 : vector<20x10x256xf32>
    %add3A_92 = arith.constant 7.80013132 : f32
    %add3A_93 = vector.broadcast %add3A_92 : f32 to vector<20x10x256xf32>
    %add3A_94 = arith.addf %mul3A_91, %add3A_93 : vector<20x10x256xf32>
    %mul3A_95 = arith.mulf %add3A_94, %mul3A_88 : vector<20x10x256xf32>
    %add3A_96 = arith.constant -26.4046688 : f32
    %add3A_97 = vector.broadcast %add3A_96 : f32 to vector<20x10x256xf32>
    %add3A_98 = arith.addf %mul3A_95, %add3A_97 : vector<20x10x256xf32>
    %mul3A_99 = arith.mulf %add3A_98, %mul3A_88 : vector<20x10x256xf32>
    %add3A_100 = arith.constant 60.2421303 : f32
    %add3A_101 = vector.broadcast %add3A_100 : f32 to vector<20x10x256xf32>
    %add3A_102 = arith.addf %mul3A_99, %add3A_101 : vector<20x10x256xf32>
    %mul3A_103 = arith.mulf %add3A_102, %mul3A_88 : vector<20x10x256xf32>
    %add3A_104 = arith.constant -85.4566574 : f32
    %add3A_105 = vector.broadcast %add3A_104 : f32 to vector<20x10x256xf32>
    %add3A_106 = arith.addf %mul3A_103, %add3A_105 : vector<20x10x256xf32>
    %mul3A_107 = arith.mulf %add3A_106, %mul3A_88 : vector<20x10x256xf32>
    %add3A_108 = arith.constant 64.9393921 : f32
    %add3A_109 = vector.broadcast %add3A_108 : f32 to vector<20x10x256xf32>
    %add3A_110 = arith.addf %mul3A_107, %add3A_109 : vector<20x10x256xf32>
    %mul3A_111 = arith.mulf %add3A_110, %mul3A_88 : vector<20x10x256xf32>
    %add3A_112 = arith.constant -19.7392082 : f32
    %add3A_113 = vector.broadcast %add3A_112 : f32 to vector<20x10x256xf32>
    %add3A_114 = arith.addf %mul3A_111, %add3A_113 : vector<20x10x256xf32>
    %mul3A_115 = arith.mulf %add3A_114, %mul3A_88 : vector<20x10x256xf32>
    %add3A_116 = arith.constant 1.000000e+00 : f32
    %add3A_117 = vector.broadcast %add3A_116 : f32 to vector<20x10x256xf32>
    %add3A_118 = arith.addf %mul3A_115, %add3A_117 : vector<20x10x256xf32>
    %convert_element_type3A_119 = arith.truncf %add3A_118 : vector<20x10x256xf32> to vector<20x10x256xbf16>
    %get3A_120 = arith.constant 0 : index
    %get3A_121 = arith.constant 0 : index
    %get3A_122 = vector.load %arg9[%get3A_120, %get3A_121] : memref<154x256xf32, #tpu.memory_space<vmem>>, vector<154x256xf32>
    %convert_element_type3A_123 = arith.truncf %get3A_122 : vector<154x256xf32> to vector<154x256xbf16>
    %slice3A_124 = vector.extract_strided_slice %convert_element_type3A_123 {offsets = [0, 0], sizes = [64, 256], strides = [1, 1]} : vector<154x256xbf16> to vector<64x256xbf16>
    %dot_general3A = arith.constant dense<0.000000e+00> : vector<5120x256xf32>
    %dot_general3A_125 = tpu.matmul %reshape3A, %slice3A_124, %dot_general3A {dimension_numbers = #tpu.dot_dimension_numbers<[1], [0], [0], [1], [0, 0, 1, 1], [], []>, transpose_lhs_hint = false} : vector<5120x64xbf16>, vector<64x256xbf16>, vector<5120x256xf32> -> vector<5120x256xf32>
    %slice3A_126 = vector.extract_strided_slice %convert_element_type3A_123 {offsets = [64, 0], sizes = [64, 256], strides = [1, 1]} : vector<154x256xbf16> to vector<64x256xbf16>
    %dot_general3A_127 = arith.constant dense<0.000000e+00> : vector<5120x256xf32>
    %dot_general3A_128 = tpu.matmul %reshape3A_9, %slice3A_126, %dot_general3A_127 {dimension_numbers = #tpu.dot_dimension_numbers<[1], [0], [0], [1], [0, 0, 1, 1], [], []>, transpose_lhs_hint = false} : vector<5120x64xbf16>, vector<64x256xbf16>, vector<5120x256xf32> -> vector<5120x256xf32>
    %add3A_129 = arith.addf %dot_general3A_125, %dot_general3A_128 : vector<5120x256xf32>
    %slice3A_130 = vector.extract_strided_slice %convert_element_type3A_123 {offsets = [128, 0], sizes = [8, 256], strides = [1, 1]} : vector<154x256xbf16> to vector<8x256xbf16>
    %dot_general3A_131 = arith.constant dense<0.000000e+00> : vector<5120x256xf32>
    %dot_general3A_132 = tpu.matmul %reshape3A_20, %slice3A_130, %dot_general3A_131 {dimension_numbers = #tpu.dot_dimension_numbers<[1], [0], [0], [1], [0, 0, 1, 1], [], []>, transpose_lhs_hint = false} : vector<5120x8xbf16>, vector<8x256xbf16>, vector<5120x256xf32> -> vector<5120x256xf32>
    %add3A_133 = arith.addf %add3A_129, %dot_general3A_132 : vector<5120x256xf32>
    %slice3A_134 = vector.extract_strided_slice %convert_element_type3A_123 {offsets = [136, 0], sizes = [8, 256], strides = [1, 1]} : vector<154x256xbf16> to vector<8x256xbf16>
    %dot_general3A_135 = arith.constant dense<0.000000e+00> : vector<5120x256xf32>
    %dot_general3A_136 = tpu.matmul %reshape3A_22, %slice3A_134, %dot_general3A_135 {dimension_numbers = #tpu.dot_dimension_numbers<[1], [0], [0], [1], [0, 0, 1, 1], [], []>, transpose_lhs_hint = false} : vector<5120x8xbf16>, vector<8x256xbf16>, vector<5120x256xf32> -> vector<5120x256xf32>
    %add3A_137 = arith.addf %add3A_133, %dot_general3A_136 : vector<5120x256xf32>
    %slice3A_138 = vector.extract_strided_slice %convert_element_type3A_123 {offsets = [144, 0], sizes = [10, 256], strides = [1, 1]} : vector<154x256xbf16> to vector<10x256xbf16>
    %slice3A_139 = vector.extract_strided_slice %convert_element_type3A_119 {offsets = [0, 0, 0], sizes = [1, 10, 256], strides = [1, 1, 1]} : vector<20x10x256xbf16> to vector<1x10x256xbf16>
    %squeeze3A = vector.shape_cast %slice3A_139 : vector<1x10x256xbf16> to vector<10x256xbf16>
    %dot_general3A_140 = arith.constant dense<0.000000e+00> : vector<256x256xf32>
    %dot_general3A_141 = tpu.matmul %squeeze3A, %slice3A_138, %dot_general3A_140 {dimension_numbers = #tpu.dot_dimension_numbers<[0], [0], [1], [1], [0, 1, 1, 1], [], []>, transpose_lhs_hint = false} : vector<10x256xbf16>, vector<10x256xbf16>, vector<256x256xf32> -> vector<256x256xf32>
    %slice3A_142 = vector.extract_strided_slice %convert_element_type3A_119 {offsets = [1, 0, 0], sizes = [1, 10, 256], strides = [1, 1, 1]} : vector<20x10x256xbf16> to vector<1x10x256xbf16>
    %squeeze3A_143 = vector.shape_cast %slice3A_142 : vector<1x10x256xbf16> to vector<10x256xbf16>
    %dot_general3A_144 = arith.constant dense<0.000000e+00> : vector<256x256xf32>
    %dot_general3A_145 = tpu.matmul %squeeze3A_143, %slice3A_138, %dot_general3A_144 {dimension_numbers = #tpu.dot_dimension_numbers<[0], [0], [1], [1], [0, 1, 1, 1], [], []>, transpose_lhs_hint = false} : vector<10x256xbf16>, vector<10x256xbf16>, vector<256x256xf32> -> vector<256x256xf32>
    %slice3A_146 = vector.extract_strided_slice %convert_element_type3A_119 {offsets = [2, 0, 0], sizes = [1, 10, 256], strides = [1, 1, 1]} : vector<20x10x256xbf16> to vector<1x10x256xbf16>
    %squeeze3A_147 = vector.shape_cast %slice3A_146 : vector<1x10x256xbf16> to vector<10x256xbf16>
    %dot_general3A_148 = arith.constant dense<0.000000e+00> : vector<256x256xf32>
    %dot_general3A_149 = tpu.matmul %squeeze3A_147, %slice3A_138, %dot_general3A_148 {dimension_numbers = #tpu.dot_dimension_numbers<[0], [0], [1], [1], [0, 1, 1, 1], [], []>, transpose_lhs_hint = false} : vector<10x256xbf16>, vector<10x256xbf16>, vector<256x256xf32> -> vector<256x256xf32>
    %slice3A_150 = vector.extract_strided_slice %convert_element_type3A_119 {offsets = [3, 0, 0], sizes = [1, 10, 256], strides = [1, 1, 1]} : vector<20x10x256xbf16> to vector<1x10x256xbf16>
    %squeeze3A_151 = vector.shape_cast %slice3A_150 : vector<1x10x256xbf16> to vector<10x256xbf16>
    %dot_general3A_152 = arith.constant dense<0.000000e+00> : vector<256x256xf32>
    %dot_general3A_153 = tpu.matmul %squeeze3A_151, %slice3A_138, %dot_general3A_152 {dimension_numbers = #tpu.dot_dimension_numbers<[0], [0], [1], [1], [0, 1, 1, 1], [], []>, transpose_lhs_hint = false} : vector<10x256xbf16>, vector<10x256xbf16>, vector<256x256xf32> -> vector<256x256xf32>
    %slice3A_154 = vector.extract_strided_slice %convert_element_type3A_119 {offsets = [4, 0, 0], sizes = [1, 10, 256], strides = [1, 1, 1]} : vector<20x10x256xbf16> to vector<1x10x256xbf16>
    %squeeze3A_155 = vector.shape_cast %slice3A_154 : vector<1x10x256xbf16> to vector<10x256xbf16>
    %dot_general3A_156 = arith.constant dense<0.000000e+00> : vector<256x256xf32>
    %dot_general3A_157 = tpu.matmul %squeeze3A_155, %slice3A_138, %dot_general3A_156 {dimension_numbers = #tpu.dot_dimension_numbers<[0], [0], [1], [1], [0, 1, 1, 1], [], []>, transpose_lhs_hint = false} : vector<10x256xbf16>, vector<10x256xbf16>, vector<256x256xf32> -> vector<256x256xf32>
    %slice3A_158 = vector.extract_strided_slice %convert_element_type3A_119 {offsets = [5, 0, 0], sizes = [1, 10, 256], strides = [1, 1, 1]} : vector<20x10x256xbf16> to vector<1x10x256xbf16>
    %squeeze3A_159 = vector.shape_cast %slice3A_158 : vector<1x10x256xbf16> to vector<10x256xbf16>
    %dot_general3A_160 = arith.constant dense<0.000000e+00> : vector<256x256xf32>
    %dot_general3A_161 = tpu.matmul %squeeze3A_159, %slice3A_138, %dot_general3A_160 {dimension_numbers = #tpu.dot_dimension_numbers<[0], [0], [1], [1], [0, 1, 1, 1], [], []>, transpose_lhs_hint = false} : vector<10x256xbf16>, vector<10x256xbf16>, vector<256x256xf32> -> vector<256x256xf32>
    %slice3A_162 = vector.extract_strided_slice %convert_element_type3A_119 {offsets = [6, 0, 0], sizes = [1, 10, 256], strides = [1, 1, 1]} : vector<20x10x256xbf16> to vector<1x10x256xbf16>
    %squeeze3A_163 = vector.shape_cast %slice3A_162 : vector<1x10x256xbf16> to vector<10x256xbf16>
    %dot_general3A_164 = arith.constant dense<0.000000e+00> : vector<256x256xf32>
    %dot_general3A_165 = tpu.matmul %squeeze3A_163, %slice3A_138, %dot_general3A_164 {dimension_numbers = #tpu.dot_dimension_numbers<[0], [0], [1], [1], [0, 1, 1, 1], [], []>, transpose_lhs_hint = false} : vector<10x256xbf16>, vector<10x256xbf16>, vector<256x256xf32> -> vector<256x256xf32>
    %slice3A_166 = vector.extract_strided_slice %convert_element_type3A_119 {offsets = [7, 0, 0], sizes = [1, 10, 256], strides = [1, 1, 1]} : vector<20x10x256xbf16> to vector<1x10x256xbf16>
    %squeeze3A_167 = vector.shape_cast %slice3A_166 : vector<1x10x256xbf16> to vector<10x256xbf16>
    %dot_general3A_168 = arith.constant dense<0.000000e+00> : vector<256x256xf32>
    %dot_general3A_169 = tpu.matmul %squeeze3A_167, %slice3A_138, %dot_general3A_168 {dimension_numbers = #tpu.dot_dimension_numbers<[0], [0], [1], [1], [0, 1, 1, 1], [], []>, transpose_lhs_hint = false} : vector<10x256xbf16>, vector<10x256xbf16>, vector<256x256xf32> -> vector<256x256xf32>
    %slice3A_170 = vector.extract_strided_slice %convert_element_type3A_119 {offsets = [8, 0, 0], sizes = [1, 10, 256], strides = [1, 1, 1]} : vector<20x10x256xbf16> to vector<1x10x256xbf16>
    %squeeze3A_171 = vector.shape_cast %slice3A_170 : vector<1x10x256xbf16> to vector<10x256xbf16>
    %dot_general3A_172 = arith.constant dense<0.000000e+00> : vector<256x256xf32>
    %dot_general3A_173 = tpu.matmul %squeeze3A_171, %slice3A_138, %dot_general3A_172 {dimension_numbers = #tpu.dot_dimension_numbers<[0], [0], [1], [1], [0, 1, 1, 1], [], []>, transpose_lhs_hint = false} : vector<10x256xbf16>, vector<10x256xbf16>, vector<256x256xf32> -> vector<256x256xf32>
    %slice3A_174 = vector.extract_strided_slice %convert_element_type3A_119 {offsets = [9, 0, 0], sizes = [1, 10, 256], strides = [1, 1, 1]} : vector<20x10x256xbf16> to vector<1x10x256xbf16>
    %squeeze3A_175 = vector.shape_cast %slice3A_174 : vector<1x10x256xbf16> to vector<10x256xbf16>
    %dot_general3A_176 = arith.constant dense<0.000000e+00> : vector<256x256xf32>
    %dot_general3A_177 = tpu.matmul %squeeze3A_175, %slice3A_138, %dot_general3A_176 {dimension_numbers = #tpu.dot_dimension_numbers<[0], [0], [1], [1], [0, 1, 1, 1], [], []>, transpose_lhs_hint = false} : vector<10x256xbf16>, vector<10x256xbf16>, vector<256x256xf32> -> vector<256x256xf32>
    %slice3A_178 = vector.extract_strided_slice %convert_element_type3A_119 {offsets = [10, 0, 0], sizes = [1, 10, 256], strides = [1, 1, 1]} : vector<20x10x256xbf16> to vector<1x10x256xbf16>
    %squeeze3A_179 = vector.shape_cast %slice3A_178 : vector<1x10x256xbf16> to vector<10x256xbf16>
    %dot_general3A_180 = arith.constant dense<0.000000e+00> : vector<256x256xf32>
    %dot_general3A_181 = tpu.matmul %squeeze3A_179, %slice3A_138, %dot_general3A_180 {dimension_numbers = #tpu.dot_dimension_numbers<[0], [0], [1], [1], [0, 1, 1, 1], [], []>, transpose_lhs_hint = false} : vector<10x256xbf16>, vector<10x256xbf16>, vector<256x256xf32> -> vector<256x256xf32>
    %slice3A_182 = vector.extract_strided_slice %convert_element_type3A_119 {offsets = [11, 0, 0], sizes = [1, 10, 256], strides = [1, 1, 1]} : vector<20x10x256xbf16> to vector<1x10x256xbf16>
    %squeeze3A_183 = vector.shape_cast %slice3A_182 : vector<1x10x256xbf16> to vector<10x256xbf16>
    %dot_general3A_184 = arith.constant dense<0.000000e+00> : vector<256x256xf32>
    %dot_general3A_185 = tpu.matmul %squeeze3A_183, %slice3A_138, %dot_general3A_184 {dimension_numbers = #tpu.dot_dimension_numbers<[0], [0], [1], [1], [0, 1, 1, 1], [], []>, transpose_lhs_hint = false} : vector<10x256xbf16>, vector<10x256xbf16>, vector<256x256xf32> -> vector<256x256xf32>
    %slice3A_186 = vector.extract_strided_slice %convert_element_type3A_119 {offsets = [12, 0, 0], sizes = [1, 10, 256], strides = [1, 1, 1]} : vector<20x10x256xbf16> to vector<1x10x256xbf16>
    %squeeze3A_187 = vector.shape_cast %slice3A_186 : vector<1x10x256xbf16> to vector<10x256xbf16>
    %dot_general3A_188 = arith.constant dense<0.000000e+00> : vector<256x256xf32>
    %dot_general3A_189 = tpu.matmul %squeeze3A_187, %slice3A_138, %dot_general3A_188 {dimension_numbers = #tpu.dot_dimension_numbers<[0], [0], [1], [1], [0, 1, 1, 1], [], []>, transpose_lhs_hint = false} : vector<10x256xbf16>, vector<10x256xbf16>, vector<256x256xf32> -> vector<256x256xf32>
    %slice3A_190 = vector.extract_strided_slice %convert_element_type3A_119 {offsets = [13, 0, 0], sizes = [1, 10, 256], strides = [1, 1, 1]} : vector<20x10x256xbf16> to vector<1x10x256xbf16>
    %squeeze3A_191 = vector.shape_cast %slice3A_190 : vector<1x10x256xbf16> to vector<10x256xbf16>
    %dot_general3A_192 = arith.constant dense<0.000000e+00> : vector<256x256xf32>
    %dot_general3A_193 = tpu.matmul %squeeze3A_191, %slice3A_138, %dot_general3A_192 {dimension_numbers = #tpu.dot_dimension_numbers<[0], [0], [1], [1], [0, 1, 1, 1], [], []>, transpose_lhs_hint = false} : vector<10x256xbf16>, vector<10x256xbf16>, vector<256x256xf32> -> vector<256x256xf32>
    %slice3A_194 = vector.extract_strided_slice %convert_element_type3A_119 {offsets = [14, 0, 0], sizes = [1, 10, 256], strides = [1, 1, 1]} : vector<20x10x256xbf16> to vector<1x10x256xbf16>
    %squeeze3A_195 = vector.shape_cast %slice3A_194 : vector<1x10x256xbf16> to vector<10x256xbf16>
    %dot_general3A_196 = arith.constant dense<0.000000e+00> : vector<256x256xf32>
    %dot_general3A_197 = tpu.matmul %squeeze3A_195, %slice3A_138, %dot_general3A_196 {dimension_numbers = #tpu.dot_dimension_numbers<[0], [0], [1], [1], [0, 1, 1, 1], [], []>, transpose_lhs_hint = false} : vector<10x256xbf16>, vector<10x256xbf16>, vector<256x256xf32> -> vector<256x256xf32>
    %slice3A_198 = vector.extract_strided_slice %convert_element_type3A_119 {offsets = [15, 0, 0], sizes = [1, 10, 256], strides = [1, 1, 1]} : vector<20x10x256xbf16> to vector<1x10x256xbf16>
    %squeeze3A_199 = vector.shape_cast %slice3A_198 : vector<1x10x256xbf16> to vector<10x256xbf16>
    %dot_general3A_200 = arith.constant dense<0.000000e+00> : vector<256x256xf32>
    %dot_general3A_201 = tpu.matmul %squeeze3A_199, %slice3A_138, %dot_general3A_200 {dimension_numbers = #tpu.dot_dimension_numbers<[0], [0], [1], [1], [0, 1, 1, 1], [], []>, transpose_lhs_hint = false} : vector<10x256xbf16>, vector<10x256xbf16>, vector<256x256xf32> -> vector<256x256xf32>
    %slice3A_202 = vector.extract_strided_slice %convert_element_type3A_119 {offsets = [16, 0, 0], sizes = [1, 10, 256], strides = [1, 1, 1]} : vector<20x10x256xbf16> to vector<1x10x256xbf16>
    %squeeze3A_203 = vector.shape_cast %slice3A_202 : vector<1x10x256xbf16> to vector<10x256xbf16>
    %dot_general3A_204 = arith.constant dense<0.000000e+00> : vector<256x256xf32>
    %dot_general3A_205 = tpu.matmul %squeeze3A_203, %slice3A_138, %dot_general3A_204 {dimension_numbers = #tpu.dot_dimension_numbers<[0], [0], [1], [1], [0, 1, 1, 1], [], []>, transpose_lhs_hint = false} : vector<10x256xbf16>, vector<10x256xbf16>, vector<256x256xf32> -> vector<256x256xf32>
    %slice3A_206 = vector.extract_strided_slice %convert_element_type3A_119 {offsets = [17, 0, 0], sizes = [1, 10, 256], strides = [1, 1, 1]} : vector<20x10x256xbf16> to vector<1x10x256xbf16>
    %squeeze3A_207 = vector.shape_cast %slice3A_206 : vector<1x10x256xbf16> to vector<10x256xbf16>
    %dot_general3A_208 = arith.constant dense<0.000000e+00> : vector<256x256xf32>
    %dot_general3A_209 = tpu.matmul %squeeze3A_207, %slice3A_138, %dot_general3A_208 {dimension_numbers = #tpu.dot_dimension_numbers<[0], [0], [1], [1], [0, 1, 1, 1], [], []>, transpose_lhs_hint = false} : vector<10x256xbf16>, vector<10x256xbf16>, vector<256x256xf32> -> vector<256x256xf32>
    %slice3A_210 = vector.extract_strided_slice %convert_element_type3A_119 {offsets = [18, 0, 0], sizes = [1, 10, 256], strides = [1, 1, 1]} : vector<20x10x256xbf16> to vector<1x10x256xbf16>
    %squeeze3A_211 = vector.shape_cast %slice3A_210 : vector<1x10x256xbf16> to vector<10x256xbf16>
    %dot_general3A_212 = arith.constant dense<0.000000e+00> : vector<256x256xf32>
    %dot_general3A_213 = tpu.matmul %squeeze3A_211, %slice3A_138, %dot_general3A_212 {dimension_numbers = #tpu.dot_dimension_numbers<[0], [0], [1], [1], [0, 1, 1, 1], [], []>, transpose_lhs_hint = false} : vector<10x256xbf16>, vector<10x256xbf16>, vector<256x256xf32> -> vector<256x256xf32>
    %slice3A_214 = vector.extract_strided_slice %convert_element_type3A_119 {offsets = [19, 0, 0], sizes = [1, 10, 256], strides = [1, 1, 1]} : vector<20x10x256xbf16> to vector<1x10x256xbf16>
    %squeeze3A_215 = vector.shape_cast %slice3A_214 : vector<1x10x256xbf16> to vector<10x256xbf16>
    %dot_general3A_216 = arith.constant dense<0.000000e+00> : vector<256x256xf32>
    %dot_general3A_217 = tpu.matmul %squeeze3A_215, %slice3A_138, %dot_general3A_216 {dimension_numbers = #tpu.dot_dimension_numbers<[0], [0], [1], [1], [0, 1, 1, 1], [], []>, transpose_lhs_hint = false} : vector<10x256xbf16>, vector<10x256xbf16>, vector<256x256xf32> -> vector<256x256xf32>
    %concatenate3A = tpu.concatenate %dot_general3A_141, %dot_general3A_145, %dot_general3A_149, %dot_general3A_153, %dot_general3A_157, %dot_general3A_161, %dot_general3A_165, %dot_general3A_169, %dot_general3A_173, %dot_general3A_177, %dot_general3A_181, %dot_general3A_185, %dot_general3A_189, %dot_general3A_193, %dot_general3A_197, %dot_general3A_201, %dot_general3A_205, %dot_general3A_209, %dot_general3A_213, %dot_general3A_217 in 0 : vector<256x256xf32>, vector<256x256xf32>, vector<256x256xf32>, vector<256x256xf32>, vector<256x256xf32>, vector<256x256xf32>, vector<256x256xf32>, vector<256x256xf32>, vector<256x256xf32>, vector<256x256xf32>, vector<256x256xf32>, vector<256x256xf32>, vector<256x256xf32>, vector<256x256xf32>, vector<256x256xf32>, vector<256x256xf32>, vector<256x256xf32>, vector<256x256xf32>, vector<256x256xf32>, vector<256x256xf32> -> vector<5120x256xf32>
    %add3A_218 = arith.addf %add3A_137, %concatenate3A : vector<5120x256xf32>
    %get3A_219 = arith.constant 0 : index
    %get3A_220 = arith.constant 0 : index
    %get3A_221 = vector.load %arg2[%get3A_219, %get3A_220] : memref<256x128xf32, #tpu.memory_space<vmem>>, vector<256x128xf32>
    %get3A_222 = arith.constant 0 : index
    %get3A_223 = arith.constant 0 : index
    %get3A_224 = vector.load %arg8[%get3A_222, %get3A_223] : memref<138x128xf32, #tpu.memory_space<vmem>>, vector<128x128xf32>
    %dot_general3A_225 = arith.constant dense<0.000000e+00> : vector<256x128xf32>
    %dot_general3A_226 = tpu.matmul %get3A_221, %get3A_224, %dot_general3A_225 {dimension_numbers = #tpu.dot_dimension_numbers<[1], [0], [0], [1], [0, 0, 1, 1], [], []>, transpose_lhs_hint = false} : vector<256x128xf32>, vector<128x128xf32>, vector<256x128xf32> -> vector<256x128xf32>
    %get3A_227 = arith.constant 0 : index
    %get3A_228 = arith.constant 0 : index
    %get3A_229 = vector.load %arg7[%get3A_227, %get3A_228] : memref<1x10xf32, #tpu.memory_space<vmem>>, vector<1x10xf32>
    %mul3A_230 = arith.mulf %get3A_229, %get3A_229 : vector<1x10xf32>
    %mul3A_231 = arith.constant -1.45311236 : f32
    %mul3A_232 = vector.broadcast %mul3A_231 : f32 to vector<1x10xf32>
    %mul3A_233 = arith.mulf %mul3A_232, %mul3A_230 : vector<1x10xf32>
    %add3A_234 = arith.constant 7.80013132 : f32
    %add3A_235 = vector.broadcast %add3A_234 : f32 to vector<1x10xf32>
    %add3A_236 = arith.addf %mul3A_233, %add3A_235 : vector<1x10xf32>
    %mul3A_237 = arith.mulf %add3A_236, %mul3A_230 : vector<1x10xf32>
    %add3A_238 = arith.constant -26.4046688 : f32
    %add3A_239 = vector.broadcast %add3A_238 : f32 to vector<1x10xf32>
    %add3A_240 = arith.addf %mul3A_237, %add3A_239 : vector<1x10xf32>
    %mul3A_241 = arith.mulf %add3A_240, %mul3A_230 : vector<1x10xf32>
    %add3A_242 = arith.constant 60.2421303 : f32
    %add3A_243 = vector.broadcast %add3A_242 : f32 to vector<1x10xf32>
    %add3A_244 = arith.addf %mul3A_241, %add3A_243 : vector<1x10xf32>
    %mul3A_245 = arith.mulf %add3A_244, %mul3A_230 : vector<1x10xf32>
    %add3A_246 = arith.constant -85.4566574 : f32
    %add3A_247 = vector.broadcast %add3A_246 : f32 to vector<1x10xf32>
    %add3A_248 = arith.addf %mul3A_245, %add3A_247 : vector<1x10xf32>
    %mul3A_249 = arith.mulf %add3A_248, %mul3A_230 : vector<1x10xf32>
    %add3A_250 = arith.constant 64.9393921 : f32
    %add3A_251 = vector.broadcast %add3A_250 : f32 to vector<1x10xf32>
    %add3A_252 = arith.addf %mul3A_249, %add3A_251 : vector<1x10xf32>
    %mul3A_253 = arith.mulf %add3A_252, %mul3A_230 : vector<1x10xf32>
    %add3A_254 = arith.constant -19.7392082 : f32
    %add3A_255 = vector.broadcast %add3A_254 : f32 to vector<1x10xf32>
    %add3A_256 = arith.addf %mul3A_253, %add3A_255 : vector<1x10xf32>
    %mul3A_257 = arith.mulf %add3A_256, %mul3A_230 : vector<1x10xf32>
    %add3A_258 = arith.constant 1.000000e+00 : f32
    %add3A_259 = vector.broadcast %add3A_258 : f32 to vector<1x10xf32>
    %add3A_260 = arith.addf %mul3A_257, %add3A_259 : vector<1x10xf32>
    %get3A_261 = arith.constant 128 : index
    %get3A_262 = arith.constant 0 : index
    %get3A_263 = vector.load %arg8[%get3A_261, %get3A_262] : memref<138x128xf32, #tpu.memory_space<vmem>>, vector<10x128xf32>
    %dot_general3A_264 = arith.constant dense<0.000000e+00> : vector<1x128xf32>
    %dot_general3A_265 = tpu.matmul %add3A_260, %get3A_263, %dot_general3A_264 {dimension_numbers = #tpu.dot_dimension_numbers<[1], [0], [0], [1], [0, 0, 1, 1], [], []>, transpose_lhs_hint = false} : vector<1x10xf32>, vector<10x128xf32>, vector<1x128xf32> -> vector<1x128xf32>
    %add3A_266 = vector.broadcast %dot_general3A_265 : vector<1x128xf32> to vector<256x128xf32>
    %add3A_267 = arith.addf %dot_general3A_226, %add3A_266 : vector<256x128xf32>
    %slice3A_268 = vector.extract_strided_slice %add3A_218 {offsets = [0, 0], sizes = [5120, 128], strides = [1, 1]} : vector<5120x256xf32> to vector<5120x128xf32>
    %reshape3A_269 = vector.shape_cast %slice3A_268 : vector<5120x128xf32> to vector<20x256x128xf32>
    %slice3A_270 = vector.extract_strided_slice %add3A_218 {offsets = [0, 128], sizes = [5120, 128], strides = [1, 1]} : vector<5120x256xf32> to vector<5120x128xf32>
    %reshape3A_271 = vector.shape_cast %slice3A_270 : vector<5120x128xf32> to vector<20x256x128xf32>
    %broadcast_in_dim3A_272 = vector.shape_cast %add3A_267 : vector<256x128xf32> to vector<1x256x128xf32>
    %mul3A_273 = vector.broadcast %broadcast_in_dim3A_272 : vector<1x256x128xf32> to vector<20x256x128xf32>
    %mul3A_274 = arith.mulf %reshape3A_269, %mul3A_273 : vector<20x256x128xf32>
    %reshape3A_275 = vector.shape_cast %mul3A_274 : vector<20x256x128xf32> to vector<5120x128xf32>
    %get3A_276 = arith.constant 0 : index
    %get3A_277 = arith.constant 0 : index
    %get3A_278 = vector.load %arg14[%get3A_276, %get3A_277] : memref<128x128xf32, #tpu.memory_space<vmem>>, vector<128x128xf32>
    %dot_general3A_279 = arith.constant dense<0.000000e+00> : vector<5120x128xf32>
    %dot_general3A_280 = tpu.matmul %reshape3A_275, %get3A_278, %dot_general3A_279 {dimension_numbers = #tpu.dot_dimension_numbers<[1], [0], [0], [1], [0, 0, 1, 1], [], []>, transpose_lhs_hint = false} : vector<5120x128xf32>, vector<128x128xf32>, vector<5120x128xf32> -> vector<5120x128xf32>
    %reshape3A_281 = vector.shape_cast %dot_general3A_280 : vector<5120x128xf32> to vector<20x256x128xf32>
    %mul3A_282 = arith.constant 1.250000e-01 : f32
    %mul3A_283 = vector.broadcast %mul3A_282 : f32 to vector<20x256x128xf32>
    %mul3A_284 = arith.mulf %reshape3A_281, %mul3A_283 : vector<20x256x128xf32>
    %reduce_max3A = arith.constant dense<0xFF800000> : vector<256x128xf32>
    %reduce_max3A_285 = vector.multi_reduction <maximumf>, %mul3A_284, %reduce_max3A [0] : vector<20x256x128xf32> to vector<256x128xf32>
    %broadcast_in_dim3A_286 = vector.shape_cast %reduce_max3A_285 : vector<256x128xf32> to vector<1x256x128xf32>
    %sub3A_287 = vector.broadcast %broadcast_in_dim3A_286 : vector<1x256x128xf32> to vector<20x256x128xf32>
    %sub3A_288 = arith.subf %mul3A_284, %sub3A_287 : vector<20x256x128xf32>
    %exp3A = math.exp %sub3A_288 : vector<20x256x128xf32>
    %reduce_sum3A = arith.constant dense<0.000000e+00> : vector<256x128xf32>
    %reduce_sum3A_289 = vector.multi_reduction <add>, %exp3A, %reduce_sum3A [0] : vector<20x256x128xf32> to vector<256x128xf32>
    %mul3A_290 = arith.mulf %exp3A, %reshape3A_271 : vector<20x256x128xf32>
    %reduce_sum3A_291 = arith.constant dense<0.000000e+00> : vector<256x128xf32>
    %reduce_sum3A_292 = vector.multi_reduction <add>, %mul3A_290, %reduce_sum3A_291 [0] : vector<20x256x128xf32> to vector<256x128xf32>
    %div3A = arith.divf %reduce_sum3A_292, %reduce_sum3A_289 : vector<256x128xf32>
    %get3A_293 = arith.constant 0 : index
    %get3A_294 = arith.constant 0 : index
    %get3A_295 = vector.load %arg10[%get3A_293, %get3A_294] : memref<256x128xf32, #tpu.memory_space<vmem>>, vector<256x128xf32>
    %slice3A_296 = vector.extract_strided_slice %get3A_295 {offsets = [128, 0], sizes = [128, 128], strides = [1, 1]} : vector<256x128xf32> to vector<128x128xf32>
    %dot_general3A_297 = arith.constant dense<0.000000e+00> : vector<256x128xf32>
    %dot_general3A_298 = tpu.matmul %get3A_221, %slice3A_296, %dot_general3A_297 {dimension_numbers = #tpu.dot_dimension_numbers<[1], [0], [0], [1], [0, 0, 1, 1], [], []>, transpose_lhs_hint = false} : vector<256x128xf32>, vector<128x128xf32>, vector<256x128xf32> -> vector<256x128xf32>
    %get3A_299 = arith.constant 0 : index
    %get3A_300 = arith.constant 0 : index
    %get3A_301 = vector.load %arg11[%get3A_299, %get3A_300] : memref<1x128xf32, #tpu.memory_space<vmem>>, vector<1x128xf32>
    %add3A_302 = vector.broadcast %get3A_301 : vector<1x128xf32> to vector<256x128xf32>
    %add3A_303 = arith.addf %dot_general3A_298, %add3A_302 : vector<256x128xf32>
    %slice3A_304 = vector.extract_strided_slice %get3A_295 {offsets = [0, 0], sizes = [128, 128], strides = [1, 1]} : vector<256x128xf32> to vector<128x128xf32>
    %dot_general3A_305 = arith.constant dense<0.000000e+00> : vector<256x128xf32>
    %dot_general3A_306 = tpu.matmul %div3A, %slice3A_304, %dot_general3A_305 {dimension_numbers = #tpu.dot_dimension_numbers<[1], [0], [0], [1], [0, 0, 1, 1], [], []>, transpose_lhs_hint = false} : vector<256x128xf32>, vector<128x128xf32>, vector<256x128xf32> -> vector<256x128xf32>
    %add3A_307 = arith.addf %add3A_303, %dot_general3A_306 : vector<256x128xf32>
    %max3A = arith.constant 0.000000e+00 : f32
    %max3A_308 = vector.broadcast %max3A : f32 to vector<256x128xf32>
    %max3A_309 = arith.maximumf %add3A_307, %max3A_308 : vector<256x128xf32>
    %get3A_310 = arith.constant 0 : index
    %get3A_311 = arith.constant 0 : index
    %get3A_312 = vector.load %arg12[%get3A_310, %get3A_311] : memref<128x128xf32, #tpu.memory_space<vmem>>, vector<128x128xf32>
    %dot_general3A_313 = arith.constant dense<0.000000e+00> : vector<256x128xf32>
    %dot_general3A_314 = tpu.matmul %max3A_309, %get3A_312, %dot_general3A_313 {dimension_numbers = #tpu.dot_dimension_numbers<[1], [0], [0], [1], [0, 0, 1, 1], [], []>, transpose_lhs_hint = false} : vector<256x128xf32>, vector<128x128xf32>, vector<256x128xf32> -> vector<256x128xf32>
    %get3A_315 = arith.constant 0 : index
    %get3A_316 = arith.constant 0 : index
    %get3A_317 = vector.load %arg13[%get3A_315, %get3A_316] : memref<1x128xf32, #tpu.memory_space<vmem>>, vector<1x128xf32>
    %add3A_318 = vector.broadcast %get3A_317 : vector<1x128xf32> to vector<256x128xf32>
    %add3A_319 = arith.addf %dot_general3A_314, %add3A_318 : vector<256x128xf32>
    %swap3A = arith.constant 0 : index
    %swap3A_320 = arith.constant 0 : index
    %swap3A_321 = vector.load %arg15[%swap3A, %swap3A_320] : memref<256x128xf32, #tpu.memory_space<vmem>>, vector<256x128xf32>
    tpu.vector_store %arg15[%swap3A, %swap3A_320], %add3A_319 {strides = array<i32>} : memref<256x128xf32, #tpu.memory_space<vmem>>, vector<256x128xf32>,
    return
  }
  func.func @transform_0(%arg0: i32) -> (i32, i32, i32) {
    %c0_i32 = arith.constant 0 : i32
    %c0_i32_0 = arith.constant 0 : i32
    %c0_i32_1 = arith.constant 0 : i32
    return %c0_i32, %c0_i32_0, %arg0 : i32, i32, i32
  }
  func.func @transform_1(%arg0: i32) -> (i32, i32) {
    %c0_i32 = arith.constant 0 : i32
    %c0_i32_0 = arith.constant 0 : i32
    return %arg0, %c0_i32 : i32, i32
  }
  func.func @transform_2(%arg0: i32) -> (i32, i32, i32) {
    %c0_i32 = arith.constant 0 : i32
    %c0_i32_0 = arith.constant 0 : i32
    %c0_i32_1 = arith.constant 0 : i32
    return %c0_i32, %arg0, %c0_i32_0 : i32, i32, i32
  }
  func.func @transform_3(%arg0: i32) -> (i32, i32, i32) {
    %c0_i32 = arith.constant 0 : i32
    %c0_i32_0 = arith.constant 0 : i32
    %c0_i32_1 = arith.constant 0 : i32
    %c0_i32_2 = arith.constant 0 : i32
    return %c0_i32, %c0_i32_0, %c0_i32_1 : i32, i32, i32
  }
  func.func @transform_4(%arg0: i32) -> (i32, i32, i32) {
    %c0_i32 = arith.constant 0 : i32
    %c0_i32_0 = arith.constant 0 : i32
    %c0_i32_1 = arith.constant 0 : i32
    %c0_i32_2 = arith.constant 0 : i32
    return %c0_i32, %c0_i32_0, %c0_i32_1 : i32, i32, i32
  }
  func.func @transform_5(%arg0: i32) -> (i32, i32, i32) {
    %c0_i32 = arith.constant 0 : i32
    %c0_i32_0 = arith.constant 0 : i32
    %c0_i32_1 = arith.constant 0 : i32
    %c0_i32_2 = arith.constant 0 : i32
    return %c0_i32, %c0_i32_0, %c0_i32_1 : i32, i32, i32
  }
  func.func @transform_6(%arg0: i32) -> (i32, i32) {
    %c0_i32 = arith.constant 0 : i32
    %c0_i32_0 = arith.constant 0 : i32
    %c0_i32_1 = arith.constant 0 : i32
    return %c0_i32, %c0_i32_0 : i32, i32
  }
  func.func @transform_7(%arg0: i32) -> (i32, i32) {
    %c0_i32 = arith.constant 0 : i32
    %c0_i32_0 = arith.constant 0 : i32
    %c0_i32_1 = arith.constant 0 : i32
    return %c0_i32, %c0_i32_0 : i32, i32
  }
  func.func @transform_8(%arg0: i32) -> (i32, i32) {
    %c0_i32 = arith.constant 0 : i32
    %c0_i32_0 = arith.constant 0 : i32
    %c0_i32_1 = arith.constant 0 : i32
    return %c0_i32, %c0_i32_0 : i32, i32
  }
  func.func @transform_9(%arg0: i32) -> (i32, i32) {
    %c0_i32 = arith.constant 0 : i32
    %c0_i32_0 = arith.constant 0 : i32
    %c0_i32_1 = arith.constant 0 : i32
    return %c0_i32, %c0_i32_0 : i32, i32
  }
  func.func @transform_10(%arg0: i32) -> (i32, i32) {
    %c0_i32 = arith.constant 0 : i32
    %c0_i32_0 = arith.constant 0 : i32
    %c0_i32_1 = arith.constant 0 : i32
    return %c0_i32, %c0_i32_0 : i32, i32
  }
  func.func @transform_11(%arg0: i32) -> (i32, i32) {
    %c0_i32 = arith.constant 0 : i32
    %c0_i32_0 = arith.constant 0 : i32
    %c0_i32_1 = arith.constant 0 : i32
    return %c0_i32, %c0_i32_0 : i32, i32
  }
  func.func @transform_12(%arg0: i32) -> (i32, i32) {
    %c0_i32 = arith.constant 0 : i32
    %c0_i32_0 = arith.constant 0 : i32
    %c0_i32_1 = arith.constant 0 : i32
    return %c0_i32, %c0_i32_0 : i32, i32
  }
  func.func @transform_13(%arg0: i32) -> (i32, i32) {
    %c0_i32 = arith.constant 0 : i32
    %c0_i32_0 = arith.constant 0 : i32
    %c0_i32_1 = arith.constant 0 : i32
    return %c0_i32, %c0_i32_0 : i32, i32
  }
  func.func @transform_14(%arg0: i32) -> (i32, i32) {
    %c0_i32 = arith.constant 0 : i32
    %c0_i32_0 = arith.constant 0 : i32
    return %arg0, %c0_i32 : i32, i32
  }
}

</mosaic_0001>

<sc_bundles>
// kernel: kernel.4.cloned.1.call-start
scs
__scs_entry_jumppad:
0x0: {  	(pc) =	sbr.rel $0x88, $3  }
0x1: {  	(tag) =	ssettag $0x0;
	lr =	simm.s32 $0x1  }
0x2: {  	[smem:$0x3F8F] =	sst lr;
	_ =	strace $0xD0000000  }
0x3: {  	_ = 	snop  }
0x4: {  	_ = 	snop  }
0x5: {  	_ = 	snop  }
0x6: {  	_ = 	snop  }
0x7: {  	_ = 	snop  }
__scs_overlays_trampoline_lowered:
0x8: {  	[smem:$0x3F9E] =	sst s0  }
0x9: {  	[smem:$0x3F9F] =	sst s1  }
0xa: {  	[smem:$0x3FA0] =	sst s2  }
0xb: {  	[smem:$0x3FA1] =	sst s3  }
0xc: {  	[smem:$0x3FA2] =	sst s4  }
0xd: {  	[smem:$0x3FA3] =	sst s5  }
0xe: {  	[smem:$0x3FA4] =	sst s6  }
0xf: {  	[smem:$0x3FA5] =	sst s7  }
0x10: {  	[smem:$0x3FA6] =	sst s8  }
0x11: {  	[smem:$0x3FA7] =	sst s9;
	s0 =	simm.s32 @!p0 $0x0  }
0x12: {  	s1 =	sld [smem:$0x3F8D];
	s0 =	simm.s32 @p0 $0x1  }
0x13: {  	[smem:$0x3FA8] =	sst s0;
	s0 =	simm.s32 @!p1 $0x0  }
0x14: {  	s2 =	sld [smem:$0x3F8C];
	s0 =	simm.s32 @p1 $0x1  }
0x15: {  	[smem:$0x3FA9] =	sst s0;
	s0 =	simm.s32 @!p2 $0x0  }
0x16: {  	s3 =	sld [smem:$0x3FDB];
	s0 =	simm.s32 @p2 $0x1  }
0x17: {  	s4 =	simm.s32 $0x1BF5;
	[smem:$0x3FAB] =	sst s0  }
0x18: {  	s0 =	sld [smem:$0x3F8E];
	_ =	swait.ge [sflag:s4], $0x0  }
0x19: {  	s7 =	sld [smem:$0x3F8F]  }
0x1a: {  	s8 =	sadd.s32 $0xFFFFE003, lr  }
0x1b: {  	s9 =	sadd.s32 $0xFFFFFEF7, lr;
	s5 =	simm.s32 $0xFFFFFFFF;
	p2 =	slt.u32 s8, $0xFFFFF086  }
0x1c: {  	p1 =	slt.u32 s9, $0xF7A;
	s5 =	simm.s32 @!p2 $0x0  }
0x1d: {  	s5 =	simm.s32 @p1 $0x1;
	p0 =	seq.s32 s7, s2  }
0x1e: {  	s7 =	smul.u32 @!p0 $0xF7A, s2;
	p2 =	seq.s32 @!p0 s5, $0x0  }
0x1f: {  	s9 =	smul.u32 $0xF7A, s1;
	s8 =	simm.s32 @!p0 $0x1BF5;
	p2 =	por !p2, p0  }
0x20: {  	[sflag:s8] =	ssyncset.s32 @!p0 $0xFFFFF086;
	s6 =	sadd.s32 @!p0 s3, s7;
	s7 =	simm.s32 @!p0 $0x108  }
0x21: {  	s3 =	sadd.s32 s3, s9;
	s6 =	sadd.s32 @!p0 $0x88, s6;
	s7 =	simm.s32 @p2 $0x1082  }
0x22: {  	[simem:s7], [sflag:s8] =	dma.local @!p0 [hbm:s6], $0xF7A  }
0x23: {  	s9 =	sor.u32 $0xD0000000, s2;
	s6 =	simm.s32 $0x108;
	_ =	swait.ge @!p0 [sflag:s8], $0x0  }
0x24: {  	s3 =	sadd.s32 $0x88, s3;
	s6 =	simm.s32 @!p1 $0x1082;
	[sflag:s4] =	ssyncset.s32 $0xFFFFF086  }
0x25: {  	[simem:s6], [sflag:s4] =	dma.local [hbm:s3], $0xF7A  }
0x26: {  	[smem:$0x3F8F] =	sst s1;
	(tag) =	ssettag s2;
	_ =	strace s9  }
0x27: {  	s1 =	sld [smem:$0x3F9F]  }
0x28: {  	s2 =	sld [smem:$0x3FA0]  }
0x29: {  	s4 =	sld [smem:$0x3FA2]  }
0x2a: {  	p0 =	seq.s32 s5, $0x0;
	s5 =	sld [smem:$0x3FA3]  }
0x2b: {  	s6 =	sld [smem:$0x3FA4]  }
0x2c: {  	s7 =	sld [smem:$0x3FA5]  }
0x2d: {  	s3 =	simm.s32 $0x108;
	s8 =	sld [smem:$0x3FA6]  }
0x2e: {  	s3 =	simm.s32 @!p0 $0x1082;
	s9 =	sld [smem:$0x3FA7]  }
0x2f: {  	lr =	sadd.s32 s0, s3;
	s0 =	sld [smem:$0x3F9E]  }
0x30: {  	s3 =	sld [smem:$0x3FA1]  }
0x31: {  	[smem:$0x3FAA] =	sst s10  }
0x32: {  	s10 =	sld [smem:$0x3FA8];
	_ =	sdelay $0x3  }
0x33: {  	p0 =	seq.s32 s10, $0x1;
	s10 =	sld [smem:$0x3FAA];
	_ =	sdelay $0x3  }
0x34: {  	[smem:$0x3FAA] =	sst s10  }
0x35: {  	s10 =	sld [smem:$0x3FA9];
	_ =	sdelay $0x3  }
0x36: {  	p1 =	seq.s32 s10, $0x1;
	s10 =	sld [smem:$0x3FAA];
	_ =	sdelay $0x3  }
0x37: {  	[smem:$0x3FAA] =	sst s10  }
0x38: {  	s10 =	sld [smem:$0x3FAB]  }
0x39: {  	_ = 	snop;
	(pc) =	sbr.ind lr, $3  }
0x3a: {  	_ = 	snop  }
0x3b: {  	_ = 	snop  }
0x3c: {  	p2 =	seq.s32 s10, $0x1;
	s10 =	sld [smem:$0x3FAA]  }
0x3d: {  	_ =	shalt  }
0x3e: {  	_ =	shalt  }
0x3f: {  	_ =	shalt  }
0x40: {  	_ =	shalt  }
0x41: {  	_ =	shalt  }
0x42: {  	_ =	shalt  }
0x43: {  	_ =	shalt  }
0x44: {  	_ =	shalt  }
0x45: {  	_ =	shalt  }
0x46: {  	_ =	shalt  }
0x47: {  	_ =	shalt  }
0x48: {  	_ =	shalt  }
0x49: {  	_ =	shalt  }
0x4a: {  	_ =	shalt  }
0x4b: {  	_ =	shalt  }
0x4c: {  	_ =	shalt  }
0x4d: {  	_ =	shalt  }
0x4e: {  	_ =	shalt  }
0x4f: {  	_ =	shalt  }
0x50: {  	_ =	shalt  }
0x51: {  	_ =	shalt  }
0x52: {  	_ =	shalt  }
0x53: {  	_ =	shalt  }
0x54: {  	_ =	shalt  }
0x55: {  	_ =	shalt  }
0x56: {  	_ =	shalt  }
0x57: {  	_ =	shalt  }
0x58: {  	_ =	shalt  }
0x59: {  	_ =	shalt  }
0x5a: {  	_ =	shalt  }
0x5b: {  	_ =	shalt  }
0x5c: {  	_ =	shalt  }
0x5d: {  	_ =	shalt  }
0x5e: {  	_ =	shalt  }
0x5f: {  	_ =	shalt  }
0x60: {  	_ =	shalt  }
0x61: {  	_ =	shalt  }
0x62: {  	_ =	shalt  }
0x63: {  	_ =	shalt  }
0x64: {  	_ =	shalt  }
0x65: {  	_ =	shalt  }
0x66: {  	_ =	shalt  }
0x67: {  	_ =	shalt  }
0x68: {  	_ =	shalt  }
0x69: {  	_ =	shalt  }
0x6a: {  	_ =	shalt  }
0x6b: {  	_ =	shalt  }
0x6c: {  	_ =	shalt  }
0x6d: {  	_ =	shalt  }
0x6e: {  	_ =	shalt  }
0x6f: {  	_ =	shalt  }
0x70: {  	_ =	shalt  }
0x71: {  	_ =	shalt  }
0x72: {  	_ =	shalt  }
0x73: {  	_ =	shalt  }
0x74: {  	_ =	shalt  }
0x75: {  	_ =	shalt  }
0x76: {  	_ =	shalt  }
0x77: {  	_ =	shalt  }
0x78: {  	_ =	shalt  }
0x79: {  	_ =	shalt  }
0x7a: {  	_ =	shalt  }
0x7b: {  	_ =	shalt  }
0x7c: {  	_ =	shalt  }
0x7d: {  	_ =	shalt  }
0x7e: {  	_ =	shalt  }
0x7f: {  	_ =	shalt  }
0x80: {  	_ =	shalt  }
0x81: {  	_ =	shalt  }
0x82: {  	_ =	shalt  }
0x83: {  	_ =	shalt  }
0x84: {  	_ =	shalt  }
0x85: {  	_ =	shalt  }
0x86: {  	_ =	shalt  }
0x87: {  	_ =	shalt  }
.Lfunc_end0:
.L_simem_size_0:
called_computation_lowered:
.L_overlay_start_0:
0x88: {  	s2 =	sld [smem:$0x3FD9]  }
0x89: {  	s3 =	sld [smem:$0x3FFE];
	_ =	sdelay $0x1  }
0x8a: {  	s1 =	srdreg.scid  }
0x8b: {  	s0 =	sand.u32 $0x1, s1  }
0x8c: {  	s17 =	sshll.u32 s0, $0xA;
	s2 =	sadd.s32 s3, s2  }
0x8d: {  	s2 =	sadd.s32 s2, s17  }
0x8e: {  	[smem:$0x3FB6] =	sst s2  }
0x8f: {  	_ = 	snop  }
0x90: {  	s2 =	sld [smem:$0x3FC2]  }
0x91: {  	s18 =	sld [smem:$0x3FD0];
	(tm) =	ssettm $0x1  }
0x92: {  	s4 =	sld [smem:$0x3FFB];
	_ =	sdelay $0x3  }
0x93: {  	_ =	strace s4  }
0x94: {  	s4 =	sld [smem:$0x3FFC];
	_ =	sdelay $0x3  }
0x95: {  	_ =	strace s4  }
0x96: {  	s4 =	sld [smem:$0x3FFD];
	_ =	sdelay $0x3  }
0x97: {  	_ =	strace s4  }
0x98: {  	_ =	strace $0x8FFFFFFF  }
0x99: {  	s19 =	sld [smem:$0x3FDB];
	_ =	sdelay $0x1  }
0x9a: {  	s5 =	simm.s32 $_scs_section_size  }
0x9b: {  	s6 =	simm.s32 $_size__tile_overlayer_lowered;
	s7 =	simm.s32 $_tile_overlayer_lowered  }
0x9c: {  	s22 =	simm.s32 $0x1BFF;
	s21 =	sshll.u32 s7, $0x1;
	s4 =	sadd.s32 s5, s19  }
0x9d: {  	s8 =	simm.s32 $0x0;
	s20 =	sshll.u32 s6, $0x1;
	s6 =	sadd.s32 s21, s4  }
0x9e: {  	[timem:s8], [sflag:s22] =	dma.local [hbm:s6], s20  }
0x9f: {  	_ =	swait.ge [sflag:s22], s20  }
0xa0: {  	s5 =	ssub.s32 $0x0, s20;
	[sflag:s22] =	ssyncset.done $0x0  }
0xa1: {  	[sflag:s22] =	ssyncadd.s32 s5;
	_ =	sdelay $0x1  }
0xa2: {  	s23 =	simm.s32 $0x1B8B  }
0xa3: {  	_ =	swait.ge [sflag:s23], $0x1  }
0xa4: {  	[sflag:s23] =	ssyncset.done $0x0  }
0xa5: {  	s25 =	simm.s32 $0x1B8E;
	s24 =	sld [smem:$0x3FFE];
	[sflag:s23] =	ssyncadd.s32 $0xFFFFFFFF  }
0xa6: {  	s26 =	simm.s32 $execute0_lowered;
	[smem:$0x3FD2] =	sst s25  }
0xa7: {  	s6 =	sshll.u32 s26, $0x1;
	_ =	strace $0x80000046;
	[dreg:$0x1] =	wrdreg $0xFFFFFFFF  }
0xa8: {  	s28 =	simm.s32 $_size_execute0_lowered;
	s4 =	sadd.s32 s4, s6;
	[dreg:$0x0] =	wrdreg $0x0  }
0xa9: {  	s6 =	sshll.u32 s28, $0x1;
	[dreg:$0x2] =	wrdreg s4  }
0xaa: {  	[dreg:$0x3] =	wrdreg s6  }
0xab: {  	[dreg:$0x4] =	wrdreg $0xC0  }
0xac: {  	_ =	task [dreg:s8], $0x5FFFF  }
0xad: {  	[dreg:$0x1] =	wrdreg $0xFFFFFFFF  }
0xae: {  	[dreg:$0x0] =	wrdreg $0x60  }
0xaf: {  	[dreg:$0x2] =	wrdreg s24  }
0xb0: {  	[dreg:$0x3] =	wrdreg s2  }
0xb1: {  	[dreg:$0x4] =	wrdreg s18  }
0xb2: {  	[dreg:$0x5] =	wrdreg $0x9  }
0xb3: {  	_ =	task.clear_ibuf [dreg:s8], $0x6FFFF;
	_ =	strace $0x90000046  }
0xb4: {  	s29 =	simm.s32 $0x9;
	_ =	strace $0x80000048  }
0xb5: {  	_ =	swait.ge [sflag:s29], $0x1  }
0xb6: {  	[sflag:s29] =	ssyncadd.s32 $0xFFFFFFFF  }
0xb7: {  	_ =	strace $0x90000048  }
0xb8: {  	_ =	sfence  }
0xb9: {  	s30 =	sld [smem:$0x0];
	_ =	sdelay $0x2  }
0xba: {  	s31 =	sshll.u32 s1, $0xD;
	s1 =	sshrl.u32 s1, $0x2  }
0xbb: {  	s3 =	sand.u32 $0x4000, s31;
	s1 =	sadd.s32 s1, s30  }
0xbc: {  	s0 =	sor.u32 s3, s0;
	s1 =	sshll.u32 s1, $0x11  }
0xbd: {  	s0 =	sor.u32 s1, s0  }
0xbe: {  	s0 =	sadd.s32 $0x8F2B, s0  }
0xbf: {  	[sflag:s0] =	ssyncadd.remote.s32 $0x1  }
0xc0: {  	_ =	sfence.sel $0xFFFF  }
0xc1: {  	[dreg:$0x0] =	wrdreg $0xFFFFFFFF;
	(pc) =	sbr.abs _section_cstart, $3  }
0xc2: {  	[dreg:$0x1] =	wrdreg $0xFFFFFFFF  }
0xc3: {  	_ =	task.clear_ibuf [dreg:s8], $0x2FFFF;
	_ =	strace $0x9FFFFFFF  }
0xc4: {  	(tm) =	ssettm $0x7FFFFFFF  }
0xc5: {  	_ =	shalt  }
tec
execute0_lowered:
.L_overlay_start_1:
0x0: {  	(tag) =	ssettag $0x1  }
0x1: {  	s4 =	rddreg [dreg:$0x0]  }
0x2: {  	s0 =	rddreg [dreg:$0x1];
	s1 =	srdreg.scid  }
0x3: {  	s2 =	stileid.u32;
	[dreg:$0x4] =	wrdreg s0  }
0x4: {  	s11 =	sand.u32 $0x1, s1;
	s18 =	sshll.u32 s2, $0x1;
	s1 =	rddreg [dreg:$0x2]  }
0x5: {  	s2 =	simm.s32 $0x0;
	s6 =	sadd.s32 $0x6C400, s4;
	s5 =	sor.u32 s11, s18  }
0x6: {  	s7 =	sadd.s32 $0x64C00, s4;
	s9 =	sadd.s32 $0x74200, s4;
	s21 =	smul.u32 $0x1E000, s5  }
0x7: {  	s10 =	sadd.s32 $0x74208, s4;
	[smem:$0x7FF] =	sst s2;
	s0 =	smul.u32 $0x30, s5  }
0x8: {  	s8 =	smul.u32 $0x1E00, s5;
	_ =	strace $0x80000047;
	s22 =	sadd.s32 s9, s21  }
0x9: {  	s0 =	sadd.s32 s0, s4;
	s23 =	sadd.s32 s21, s10;
	[dreg:$0x8] =	wrdreg s22  }
0xa: {  	s3 =	sshrl.u32 s8, $0x3;
	s0 =	sadd.s32 $0x73C00, s0;
	[dreg:$0x9] =	wrdreg s23  }
0xb: {  	s12 =	sor.u32 $0x1E0, s8;
	s19 =	sadd.s32 s6, s3;
	[dreg:$0x5] =	wrdreg s0  }
0xc: {  	s20 =	sadd.s32 s7, s3;
	s24 =	sshrl.u32 s12, $0x3;
	[dreg:$0x6] =	wrdreg s19  }
0xd: {  	[dreg:$0x7] =	wrdreg s20;
	s25 =	sadd.s32 s6, s24  }
0xe: {  	s31 =	sshll.u32 s12, $0x4;
	s26 =	sadd.s32 s7, s24;
	[dreg:$0xa] =	wrdreg s25  }
0xf: {  	s13 =	sadd.s32 $0x3C0, s8;
	s12 =	sadd.s32 s9, s31;
	[dreg:$0xb] =	wrdreg s26  }
0x10: {  	s15 =	sshrl.u32 s13, $0x3;
	s14 =	sadd.s32 s31, s10;
	[dreg:$0xc] =	wrdreg s12  }
0x11: {  	s16 =	sadd.s32 s6, s15;
	[dreg:$0xd] =	wrdreg s14  }
0x12: {  	s18 =	sshll.u32 s13, $0x4;
	s17 =	sadd.s32 s7, s15;
	[dreg:$0xe] =	wrdreg s16  }
0x13: {  	s19 =	sadd.s32 s9, s18;
	[dreg:$0xf] =	wrdreg s17  }
0x14: {  	s20 =	sadd.s32 $0x5A0, s8;
	s21 =	sadd.s32 s18, s10;
	[dreg:$0x10] =	wrdreg s19  }
0x15: {  	s22 =	sshrl.u32 s20, $0x3;
	[dreg:$0x11] =	wrdreg s21  }
0x16: {  	s0 =	rddreg [dreg:$0x5];
	s23 =	sadd.s32 s6, s22  }
0x17: {  	s25 =	sshll.u32 s20, $0x4;
	s24 =	sadd.s32 s7, s22;
	[dreg:$0x12] =	wrdreg s23  }
0x18: {  	s31 =	sadd.s32 $0x780, s8;
	s26 =	sadd.s32 s9, s25;
	[dreg:$0x13] =	wrdreg s24  }
0x19: {  	s13 =	sshrl.u32 s31, $0x3;
	s3 =	sadd.s32 s25, s10;
	[dreg:$0x14] =	wrdreg s26  }
0x1a: {  	p0 =	por $0x0, $0x0;
	s14 =	sadd.s32 s6, s13;
	[dreg:$0x15] =	wrdreg s3  }
0x1b: {  	s16 =	sshll.u32 s31, $0x4;
	s15 =	sadd.s32 s7, s13;
	[dreg:$0x16] =	wrdreg s14  }
0x1c: {  	s18 =	sadd.s32 $0x960, s8;
	s17 =	sadd.s32 s9, s16;
	[dreg:$0x17] =	wrdreg s15  }
0x1d: {  	s20 =	sshrl.u32 s18, $0x3;
	s19 =	sadd.s32 s16, s10;
	[dreg:$0x18] =	wrdreg s17  }
0x1e: {  	s11 =	ssub.s32 $0x2, s11;
	s21 =	sadd.s32 s6, s20;
	[dreg:$0x19] =	wrdreg s19  }
0x1f: {  	s22 =	sadd.s32 s7, s20;
	[dreg:$0x1a] =	wrdreg s21;
	s23 =	sshll.u32 s18, $0x4  }
0x20: {  	s25 =	sadd.s32 $0xB40, s8;
	[dreg:$0x1b] =	wrdreg s22;
	s24 =	sadd.s32 s9, s23  }
0x21: {  	s31 =	sshrl.u32 s25, $0x3;
	s26 =	sadd.s32 s23, s10;
	[dreg:$0x1c] =	wrdreg s24  }
0x22: {  	s5 =	smul.u32 $0x1800, s5;
	s13 =	sadd.s32 s6, s31;
	[dreg:$0x1d] =	wrdreg s26  }
0x23: {  	s15 =	sshll.u32 s25, $0x4;
	s14 =	sadd.s32 s7, s31;
	[dreg:$0x1e] =	wrdreg s13  }
0x24: {  	s17 =	sadd.s32 $0xD20, s8;
	s16 =	sadd.s32 s9, s15;
	[dreg:$0x1f] =	wrdreg s14  }
0x25: {  	s18 =	sadd.s32 s15, s10;
	s19 =	sshrl.u32 s17, $0x3;
	[smem:$0x7E5] =	sst s16  }
0x26: {  	s5 =	sadd.s32 s1, s5;
	[smem:$0x7E6] =	sst s18;
	s20 =	sadd.s32 s6, s19  }
0x27: {  	s22 =	sshll.u32 s17, $0x4;
	s21 =	sadd.s32 s7, s19;
	[smem:$0x7E7] =	sst s20  }
0x28: {  	s15 =	sadd.s32 $0x10E0, s8;
	s23 =	sadd.s32 s9, s22;
	[smem:$0x7E8] =	sst s21  }
0x29: {  	s24 =	sadd.s32 $0xF00, s8;
	s25 =	sadd.s32 s22, s10;
	[smem:$0x7E9] =	sst s23  }
0x2a: {  	s12 =	sshll.u32 s15, $0x4;
	s26 =	sshrl.u32 s24, $0x3;
	[smem:$0x7EA] =	sst s25  }
0x2b: {  	s13 =	sshll.u32 s24, $0x4;
	s19 =	sadd.s32 s9, s12;
	s20 =	sadd.s32 $0x12C0, s8  }
0x2c: {  	s21 =	sadd.s32 s12, s10;
	s12 =	simm.s32 $0x7BC0;
	[smem:$0x7F1] =	sst s19  }
0x2d: {  	s31 =	sadd.s32 s6, s26;
	s3 =	sadd.s32 s7, s26;
	[smem:$0x7F2] =	sst s21  }
0x2e: {  	s14 =	sadd.s32 s9, s13;
	s16 =	sadd.s32 s13, s10;
	[smem:$0x7EB] =	sst s31  }
0x2f: {  	s13 =	sshrl.u32 s15, $0x3;
	s22 =	sshrl.u32 s20, $0x3;
	[smem:$0x7EC] =	sst s3  }
0x30: {  	s25 =	sshll.u32 s20, $0x4;
	s20 =	sadd.s32 $0x1680, s8;
	[smem:$0x7ED] =	sst s14  }
0x31: {  	s3 =	sadd.s32 $0x51200, s4;
	[smem:$0x7EE] =	sst s16;
	s17 =	sadd.s32 s6, s13  }
0x32: {  	s18 =	sadd.s32 s7, s13;
	s4 =	sadd.s32 $0x3000, s4;
	[smem:$0x7EF] =	sst s17  }
0x33: {  	s23 =	sadd.s32 s6, s22;
	s24 =	sadd.s32 s7, s22;
	[smem:$0x7F0] =	sst s18  }
0x34: {  	s26 =	sadd.s32 s9, s25;
	s31 =	sadd.s32 $0x14A0, s8;
	[smem:$0x7F3] =	sst s23  }
0x35: {  	s14 =	sadd.s32 s25, s10;
	s22 =	sshrl.u32 s20, $0x3;
	[smem:$0x7F4] =	sst s24  }
0x36: {  	s25 =	sshll.u32 s20, $0x4;
	[smem:$0x7F5] =	sst s26;
	s15 =	sshrl.u32 s31, $0x3  }
0x37: {  	[smem:$0x7F6] =	sst s14;
	s18 =	sshll.u32 s31, $0x4;
	s23 =	sadd.s32 s6, s22  }
0x38: {  	s14 =	sshrl.u32 s11, $0x1;
	s24 =	sadd.s32 s7, s22;
	[smem:$0x7FB] =	sst s23  }
0x39: {  	s26 =	sadd.s32 s9, s25;
	s31 =	sadd.s32 $0x1860, s8;
	[smem:$0x7FC] =	sst s24  }
0x3a: {  	s30 =	sadd.s32 s25, s10;
	s16 =	sadd.s32 s6, s15;
	[smem:$0x7FD] =	sst s26  }
0x3b: {  	s17 =	sadd.s32 s7, s15;
	s19 =	sadd.s32 s9, s18;
	[smem:$0x7F7] =	sst s16  }
0x3c: {  	s21 =	sadd.s32 s18, s10;
	s11 =	ssub.s32 s11, s14;
	[smem:$0x7F8] =	sst s17  }
0x3d: {  	s14 =	sshrl.u32 s31, $0x3;
	s15 =	sadd.s32 $0x1A40, s8;
	[smem:$0x7F9] =	sst s19  }
0x3e: {  	s8 =	sadd.s32 $0x1C20, s8;
	[smem:$0x7FA] =	sst s21;
	s29 =	sadd.s32 s6, s14  }
0x3f: {  	s28 =	sadd.s32 s7, s14;
	s16 =	sshll.u32 s31, $0x4;
	s17 =	sshrl.u32 s15, $0x3  }
0x40: {  	s18 =	sshll.u32 s15, $0x4;
	s19 =	sshrl.u32 s8, $0x3;
	s20 =	sshll.u32 s8, $0x4  }
0x41: {  	s31 =	smax.u32 s11, $0x1;
	s8 =	simm.s32 $0x8AC0;
	s11 =	simm.s32 $0x3C0  }
0x42: {  	s15 =	simm.s32 $0x80;
	s26 =	sadd.s32 s9, s16;
	s25 =	sadd.s32 s16, s10  }
0x43: {  	s24 =	sadd.s32 s6, s17;
	s23 =	sadd.s32 s7, s17;
	p1 =	sne.s32 s31, $0x1  }
.Ltmp0:
0x44: {  	s22 =	sadd.s32 s9, s18;
	s21 =	sadd.s32 s18, s10;
	(pc) =	sbr.rel @!p1 .LBB2_1-.Ltmp0, $4  }
0x45: {  	s17 =	sadd.s32 s6, s19;
	s14 =	sadd.s32 s7, s19;
	s13 =	sadd.s32 s9, s20  }
0x46: {  	s9 =	sadd.s32 s20, s10;
	s6 =	simm.s32 $0x3;
	s7 =	simm.s32 $0x8C40  }
0x47: {  	s18 =	simm.s32 $0x1E0;
	s1 =	sadd.s32 $0xFFFFFFFF, s31;
	s19 =	simm.s32 $0x1  }
0x48: {  	s20 =	simm.s32 $0x40;
	s16 =	simm.s32 $0x8;
	s10 =	simm.s32 $0x2  }
0x49: {  	[tilespmem:s8], [sflag:$0x3] =	stream.linear.gather [hbm4b:s0+s2], $0x180, $0x38;
	[tilespmem:$0x14C40] =	vst v63  }
0x4a: {  	s31 =	simm.s32 $0x8AC0;
	_ =	swait.ge [sflag:s6], $0x180  }
0x4b: {  	s8 =	simm.s32 $0x8C40;
	s0 =	rddreg [dreg:$0x4];
	[sflag:s6] =	ssyncset.done $0x0  }
0x4c: {  	[smem:$0x7E4] =	sst s5;
	s5 =	simm.s32 $0x180;
	[sflag:s6] =	ssyncadd.s32 $0xFFFFFE80  }
0x4d: {  	[tilespmem:s8], [sflag:$0x2] =	stream.indirect.gather [hbm4b:s0+s5], $0x80, s31, s5, $0xb8;
	[tilespmem:$0x14C40] =	vst v63  }
0x4e: {  	s7 =	smov.u32 s1;
	s1 =	rddreg [dreg:$0x6]  }
0x4f: {  	[tilespmem:s2], [sflag:$0x3] =	stream.linear.gather [hbm4b:s1+s2], $0x1E0, $0x38;
	[tilespmem:$0x14C40] =	vst v63  }
0x50: {  	s5 =	sld [smem:$0x7E4];
	_ =	swait.ge [sflag:s6], $0x1E0  }
0x51: {  	[sflag:s6] =	ssyncset.done $0x0  }
0x52: {  	s1 =	rddreg [dreg:$0x7];
	[sflag:s6] =	ssyncadd.s32 $0xFFFFFE20  }
0x53: {  	[tilespmem:s18], [sflag:$0x3] =	stream.linear.gather [hbm4b:s1+s2], $0x1E0, $0x38;
	[tilespmem:$0x14C40] =	vst v63  }
0x54: {  	_ =	swait.ge [sflag:s6], $0x1E0  }
0x55: {  	[sflag:s6] =	ssyncset.done $0x0  }
0x56: {  	[sflag:s6] =	ssyncadd.s32 $0xFFFFFE20  }
0x57: {  	[tilespmem:s11], [sflag:$0x1] =	stream.indirect.gather [hbm4b:s3+s18], $0x40, s2, s18, $0xb8;
	[tilespmem:$0x14C40] =	vst v63  }
0x58: {  	_ = 	snop  }
0x59: {  	[tilespmem:s12], [sflag:$0x1] =	stream.indirect.gather [hbm4b:s4+s18], $0x8, s18, s18, $0xb8;
	[tilespmem:$0x14C40] =	vst v63  }
0x5a: {  	_ =	swait.ge [sflag:s19], $0x7800  }
0x5b: {  	[sflag:s19] =	ssyncset.done $0x0  }
0x5c: {  	[sflag:s19] =	ssyncadd.s32 $0xFFFF8800  }
0x5d: {  	_ =	swait.ge [sflag:s19], $0xF00  }
0x5e: {  	[sflag:s19] =	ssyncset.done $0x0  }
0x5f: {  	s31 =	rddreg [dreg:$0x8];
	[sflag:s19] =	ssyncadd.s32 $0xFFFFF100  }
0x60: {  	[hbm4b:s31+s20] =	stream.strided.scatter [tilespmem:s11], [sflag:$0x3], $0x7800, s15, s20, $0x38;
	[tilespmem:$0x14C40] =	vst v63  }
0x61: {  	_ =	swait.ge [sflag:s6], $0x7800  }
0x62: {  	[sflag:s6] =	ssyncset.done $0x0  }
0x63: {  	s1 =	rddreg [dreg:$0x9];
	[sflag:s6] =	ssyncadd.s32 $0xFFFF8800  }
0x64: {  	[hbm4b:s1+s16] =	stream.strided.scatter [tilespmem:s12], [sflag:$0x3], $0xF00, s15, s16, $0x38;
	[tilespmem:$0x14C40] =	vst v63  }
0x65: {  	_ =	swait.ge [sflag:s6], $0xF00  }
0x66: {  	[sflag:s6] =	ssyncset.done $0x0  }
0x67: {  	s31 =	rddreg [dreg:$0xa];
	[sflag:s6] =	ssyncadd.s32 $0xFFFFF100  }
0x68: {  	[tilespmem:s2], [sflag:$0x3] =	stream.linear.gather [hbm4b:s31+s2], $0x1E0, $0x38;
	[tilespmem:$0x14C40] =	vst v63  }
0x69: {  	_ =	swait.ge [sflag:s6], $0x1E0  }
0x6a: {  	[sflag:s6] =	ssyncset.done $0x0  }
0x6b: {  	s1 =	rddreg [dreg:$0xb];
	[sflag:s6] =	ssyncadd.s32 $0xFFFFFE20  }
0x6c: {  	[tilespmem:s18], [sflag:$0x3] =	stream.linear.gather [hbm4b:s1+s2], $0x1E0, $0x38;
	[tilespmem:$0x14C40] =	vst v63  }
0x6d: {  	_ =	swait.ge [sflag:s6], $0x1E0  }
0x6e: {  	[sflag:s6] =	ssyncset.done $0x0  }
0x6f: {  	[sflag:s6] =	ssyncadd.s32 $0xFFFFFE20  }
0x70: {  	[tilespmem:s11], [sflag:$0x1] =	stream.indirect.gather [hbm4b:s3+s18], $0x40, s2, s18, $0xb8;
	[tilespmem:$0x14C40] =	vst v63  }
0x71: {  	_ = 	snop  }
0x72: {  	[tilespmem:s12], [sflag:$0x1] =	stream.indirect.gather [hbm4b:s4+s18], $0x8, s18, s18, $0xb8;
	[tilespmem:$0x14C40] =	vst v63  }
0x73: {  	_ =	swait.ge [sflag:s19], $0x7800  }
0x74: {  	[sflag:s19] =	ssyncset.done $0x0  }
0x75: {  	[sflag:s19] =	ssyncadd.s32 $0xFFFF8800  }
0x76: {  	_ =	swait.ge [sflag:s19], $0xF00  }
0x77: {  	[sflag:s19] =	ssyncset.done $0x0  }
0x78: {  	s31 =	rddreg [dreg:$0xc];
	[sflag:s19] =	ssyncadd.s32 $0xFFFFF100  }
0x79: {  	[hbm4b:s31+s20] =	stream.strided.scatter [tilespmem:s11], [sflag:$0x3], $0x7800, s15, s20, $0x38;
	[tilespmem:$0x14C40] =	vst v63  }
0x7a: {  	_ =	swait.ge [sflag:s6], $0x7800  }
0x7b: {  	[sflag:s6] =	ssyncset.done $0x0  }
0x7c: {  	s1 =	rddreg [dreg:$0xd];
	[sflag:s6] =	ssyncadd.s32 $0xFFFF8800  }
0x7d: {  	[hbm4b:s1+s16] =	stream.strided.scatter [tilespmem:s12], [sflag:$0x3], $0xF00, s15, s16, $0x38;
	[tilespmem:$0x14C40] =	vst v63  }
0x7e: {  	_ =	swait.ge [sflag:s6], $0xF00  }
0x7f: {  	[sflag:s6] =	ssyncset.done $0x0  }
0x80: {  	s31 =	rddreg [dreg:$0xe];
	[sflag:s6] =	ssyncadd.s32 $0xFFFFF100  }
0x81: {  	[tilespmem:s2], [sflag:$0x3] =	stream.linear.gather [hbm4b:s31+s2], $0x1E0, $0x38;
	[tilespmem:$0x14C40] =	vst v63  }
0x82: {  	_ =	swait.ge [sflag:s6], $0x1E0  }
0x83: {  	[sflag:s6] =	ssyncset.done $0x0  }
0x84: {  	s1 =	rddreg [dreg:$0xf];
	[sflag:s6] =	ssyncadd.s32 $0xFFFFFE20  }
0x85: {  	[tilespmem:s18], [sflag:$0x3] =	stream.linear.gather [hbm4b:s1+s2], $0x1E0, $0x38;
	[tilespmem:$0x14C40] =	vst v63  }
0x86: {  	_ =	swait.ge [sflag:s6], $0x1E0  }
0x87: {  	[sflag:s6] =	ssyncset.done $0x0  }
0x88: {  	[sflag:s6] =	ssyncadd.s32 $0xFFFFFE20  }
0x89: {  	[tilespmem:s11], [sflag:$0x1] =	stream.indirect.gather [hbm4b:s3+s18], $0x40, s2, s18, $0xb8;
	[tilespmem:$0x14C40] =	vst v63  }
0x8a: {  	_ = 	snop  }
0x8b: {  	[tilespmem:s12], [sflag:$0x1] =	stream.indirect.gather [hbm4b:s4+s18], $0x8, s18, s18, $0xb8;
	[tilespmem:$0x14C40] =	vst v63  }
0x8c: {  	_ =	swait.ge [sflag:s19], $0x7800  }
0x8d: {  	[sflag:s19] =	ssyncset.done $0x0  }
0x8e: {  	[sflag:s19] =	ssyncadd.s32 $0xFFFF8800  }
0x8f: {  	_ =	swait.ge [sflag:s19], $0xF00  }
0x90: {  	[sflag:s19] =	ssyncset.done $0x0  }
0x91: {  	s31 =	rddreg [dreg:$0x10];
	[sflag:s19] =	ssyncadd.s32 $0xFFFFF100  }
0x92: {  	[hbm4b:s31+s20] =	stream.strided.scatter [tilespmem:s11], [sflag:$0x3], $0x7800, s15, s20, $0x38;
	[tilespmem:$0x14C40] =	vst v63  }
0x93: {  	_ =	swait.ge [sflag:s6], $0x7800  }
0x94: {  	[sflag:s6] =	ssyncset.done $0x0  }
0x95: {  	s1 =	rddreg [dreg:$0x11];
	[sflag:s6] =	ssyncadd.s32 $0xFFFF8800  }
0x96: {  	[hbm4b:s1+s16] =	stream.strided.scatter [tilespmem:s12], [sflag:$0x3], $0xF00, s15, s16, $0x38;
	[tilespmem:$0x14C40] =	vst v63  }
0x97: {  	_ =	swait.ge [sflag:s6], $0xF00  }
0x98: {  	[sflag:s6] =	ssyncset.done $0x0  }
0x99: {  	s31 =	rddreg [dreg:$0x12];
	[sflag:s6] =	ssyncadd.s32 $0xFFFFF100  }
0x9a: {  	[tilespmem:s2], [sflag:$0x3] =	stream.linear.gather [hbm4b:s31+s2], $0x1E0, $0x38;
	[tilespmem:$0x14C40] =	vst v63  }
0x9b: {  	_ =	swait.ge [sflag:s6], $0x1E0  }
0x9c: {  	[sflag:s6] =	ssyncset.done $0x0  }
0x9d: {  	s1 =	rddreg [dreg:$0x13];
	[sflag:s6] =	ssyncadd.s32 $0xFFFFFE20  }
0x9e: {  	[tilespmem:s18], [sflag:$0x3] =	stream.linear.gather [hbm4b:s1+s2], $0x1E0, $0x38;
	[tilespmem:$0x14C40] =	vst v63  }
0x9f: {  	_ =	swait.ge [sflag:s6], $0x1E0  }
0xa0: {  	[sflag:s6] =	ssyncset.done $0x0  }
0xa1: {  	[sflag:s6] =	ssyncadd.s32 $0xFFFFFE20  }
0xa2: {  	[tilespmem:s11], [sflag:$0x1] =	stream.indirect.gather [hbm4b:s3+s18], $0x40, s2, s18, $0xb8;
	[tilespmem:$0x14C40] =	vst v63  }
0xa3: {  	_ = 	snop  }
0xa4: {  	[tilespmem:s12], [sflag:$0x1] =	stream.indirect.gather [hbm4b:s4+s18], $0x8, s18, s18, $0xb8;
	[tilespmem:$0x14C40] =	vst v63  }
0xa5: {  	_ =	swait.ge [sflag:s19], $0x7800  }
0xa6: {  	[sflag:s19] =	ssyncset.done $0x0  }
0xa7: {  	[sflag:s19] =	ssyncadd.s32 $0xFFFF8800  }
0xa8: {  	_ =	swait.ge [sflag:s19], $0xF00  }
0xa9: {  	[sflag:s19] =	ssyncset.done $0x0  }
0xaa: {  	s31 =	rddreg [dreg:$0x14];
	[sflag:s19] =	ssyncadd.s32 $0xFFFFF100  }
0xab: {  	[hbm4b:s31+s20] =	stream.strided.scatter [tilespmem:s11], [sflag:$0x3], $0x7800, s15, s20, $0x38;
	[tilespmem:$0x14C40] =	vst v63  }
0xac: {  	_ =	swait.ge [sflag:s6], $0x7800  }
0xad: {  	[sflag:s6] =	ssyncset.done $0x0  }
0xae: {  	s1 =	rddreg [dreg:$0x15];
	[sflag:s6] =	ssyncadd.s32 $0xFFFF8800  }
0xaf: {  	[hbm4b:s1+s16] =	stream.strided.scatter [tilespmem:s12], [sflag:$0x3], $0xF00, s15, s16, $0x38;
	[tilespmem:$0x14C40] =	vst v63  }
0xb0: {  	_ =	swait.ge [sflag:s6], $0xF00  }
0xb1: {  	[sflag:s6] =	ssyncset.done $0x0  }
0xb2: {  	s31 =	rddreg [dreg:$0x16];
	[sflag:s6] =	ssyncadd.s32 $0xFFFFF100  }
0xb3: {  	[tilespmem:s2], [sflag:$0x3] =	stream.linear.gather [hbm4b:s31+s2], $0x1E0, $0x38;
	[tilespmem:$0x14C40] =	vst v63  }
0xb4: {  	_ =	swait.ge [sflag:s6], $0x1E0  }
0xb5: {  	[sflag:s6] =	ssyncset.done $0x0  }
0xb6: {  	s1 =	rddreg [dreg:$0x17];
	[sflag:s6] =	ssyncadd.s32 $0xFFFFFE20  }
0xb7: {  	[tilespmem:s18], [sflag:$0x3] =	stream.linear.gather [hbm4b:s1+s2], $0x1E0, $0x38;
	[tilespmem:$0x14C40] =	vst v63  }
0xb8: {  	_ =	swait.ge [sflag:s6], $0x1E0  }
0xb9: {  	[sflag:s6] =	ssyncset.done $0x0  }
0xba: {  	[sflag:s6] =	ssyncadd.s32 $0xFFFFFE20  }
0xbb: {  	[tilespmem:s11], [sflag:$0x1] =	stream.indirect.gather [hbm4b:s3+s18], $0x40, s2, s18, $0xb8;
	[tilespmem:$0x14C40] =	vst v63  }
0xbc: {  	_ = 	snop  }
0xbd: {  	[tilespmem:s12], [sflag:$0x1] =	stream.indirect.gather [hbm4b:s4+s18], $0x8, s18, s18, $0xb8;
	[tilespmem:$0x14C40] =	vst v63  }
0xbe: {  	_ =	swait.ge [sflag:s19], $0x7800  }
0xbf: {  	[sflag:s19] =	ssyncset.done $0x0  }
0xc0: {  	[sflag:s19] =	ssyncadd.s32 $0xFFFF8800  }
0xc1: {  	_ =	swait.ge [sflag:s19], $0xF00  }
0xc2: {  	[sflag:s19] =	ssyncset.done $0x0  }
0xc3: {  	s31 =	rddreg [dreg:$0x18];
	[sflag:s19] =	ssyncadd.s32 $0xFFFFF100  }
0xc4: {  	[hbm4b:s31+s20] =	stream.strided.scatter [tilespmem:s11], [sflag:$0x3], $0x7800, s15, s20, $0x38;
	[tilespmem:$0x14C40] =	vst v63  }
0xc5: {  	_ =	swait.ge [sflag:s6], $0x7800  }
0xc6: {  	[sflag:s6] =	ssyncset.done $0x0  }
0xc7: {  	s1 =	rddreg [dreg:$0x19];
	[sflag:s6] =	ssyncadd.s32 $0xFFFF8800  }
0xc8: {  	[hbm4b:s1+s16] =	stream.strided.scatter [tilespmem:s12], [sflag:$0x3], $0xF00, s15, s16, $0x38;
	[tilespmem:$0x14C40] =	vst v63  }
0xc9: {  	_ =	swait.ge [sflag:s6], $0xF00  }
0xca: {  	[sflag:s6] =	ssyncset.done $0x0  }
0xcb: {  	s31 =	rddreg [dreg:$0x1a];
	[sflag:s6] =	ssyncadd.s32 $0xFFFFF100  }
0xcc: {  	[tilespmem:s2], [sflag:$0x3] =	stream.linear.gather [hbm4b:s31+s2], $0x1E0, $0x38;
	[tilespmem:$0x14C40] =	vst v63  }
0xcd: {  	_ =	swait.ge [sflag:s6], $0x1E0  }
0xce: {  	[sflag:s6] =	ssyncset.done $0x0  }
0xcf: {  	s1 =	rddreg [dreg:$0x1b];
	[sflag:s6] =	ssyncadd.s32 $0xFFFFFE20  }
0xd0: {  	[tilespmem:s18], [sflag:$0x3] =	stream.linear.gather [hbm4b:s1+s2], $0x1E0, $0x38;
	[tilespmem:$0x14C40] =	vst v63  }
0xd1: {  	_ =	swait.ge [sflag:s6], $0x1E0  }
0xd2: {  	[sflag:s6] =	ssyncset.done $0x0  }
0xd3: {  	[sflag:s6] =	ssyncadd.s32 $0xFFFFFE20  }
0xd4: {  	[tilespmem:s11], [sflag:$0x1] =	stream.indirect.gather [hbm4b:s3+s18], $0x40, s2, s18, $0xb8;
	[tilespmem:$0x14C40] =	vst v63  }
0xd5: {  	_ = 	snop  }
0xd6: {  	[tilespmem:s12], [sflag:$0x1] =	stream.indirect.gather [hbm4b:s4+s18], $0x8, s18, s18, $0xb8;
	[tilespmem:$0x14C40] =	vst v63  }
0xd7: {  	_ =	swait.ge [sflag:s19], $0x7800  }
0xd8: {  	[sflag:s19] =	ssyncset.done $0x0  }
0xd9: {  	[sflag:s19] =	ssyncadd.s32 $0xFFFF8800  }
0xda: {  	_ =	swait.ge [sflag:s19], $0xF00  }
0xdb: {  	[sflag:s19] =	ssyncset.done $0x0  }
0xdc: {  	s31 =	rddreg [dreg:$0x1c];
	[sflag:s19] =	ssyncadd.s32 $0xFFFFF100  }
0xdd: {  	[hbm4b:s31+s20] =	stream.strided.scatter [tilespmem:s11], [sflag:$0x3], $0x7800, s15, s20, $0x38;
	[tilespmem:$0x14C40] =	vst v63  }
0xde: {  	_ =	swait.ge [sflag:s6], $0x7800  }
0xdf: {  	[sflag:s6] =	ssyncset.done $0x0  }
0xe0: {  	s1 =	rddreg [dreg:$0x1d];
	[sflag:s6] =	ssyncadd.s32 $0xFFFF8800  }
0xe1: {  	[hbm4b:s1+s16] =	stream.strided.scatter [tilespmem:s12], [sflag:$0x3], $0xF00, s15, s16, $0x38;
	[tilespmem:$0x14C40] =	vst v63  }
0xe2: {  	_ =	swait.ge [sflag:s6], $0xF00  }
0xe3: {  	[sflag:s6] =	ssyncset.done $0x0  }
0xe4: {  	s31 =	rddreg [dreg:$0x1e];
	[sflag:s6] =	ssyncadd.s32 $0xFFFFF100  }
0xe5: {  	[tilespmem:s2], [sflag:$0x3] =	stream.linear.gather [hbm4b:s31+s2], $0x1E0, $0x38;
	[tilespmem:$0x14C40] =	vst v63  }
0xe6: {  	_ =	swait.ge [sflag:s6], $0x1E0  }
0xe7: {  	[sflag:s6] =	ssyncset.done $0x0  }
0xe8: {  	s1 =	rddreg [dreg:$0x1f];
	[sflag:s6] =	ssyncadd.s32 $0xFFFFFE20  }
0xe9: {  	[tilespmem:s18], [sflag:$0x3] =	stream.linear.gather [hbm4b:s1+s2], $0x1E0, $0x38;
	[tilespmem:$0x14C40] =	vst v63  }
0xea: {  	_ =	swait.ge [sflag:s6], $0x1E0  }
0xeb: {  	[sflag:s6] =	ssyncset.done $0x0  }
0xec: {  	[sflag:s6] =	ssyncadd.s32 $0xFFFFFE20  }
0xed: {  	[tilespmem:s11], [sflag:$0x1] =	stream.indirect.gather [hbm4b:s3+s18], $0x40, s2, s18, $0xb8;
	[tilespmem:$0x14C40] =	vst v63  }
0xee: {  	_ = 	snop  }
0xef: {  	[tilespmem:s12], [sflag:$0x1] =	stream.indirect.gather [hbm4b:s4+s18], $0x8, s18, s18, $0xb8;
	[tilespmem:$0x14C40] =	vst v63  }
0xf0: {  	_ =	swait.ge [sflag:s19], $0x7800  }
0xf1: {  	[sflag:s19] =	ssyncset.done $0x0  }
0xf2: {  	[sflag:s19] =	ssyncadd.s32 $0xFFFF8800  }
0xf3: {  	_ =	swait.ge [sflag:s19], $0xF00  }
0xf4: {  	s31 =	sld [smem:$0x7E5]  }
0xf5: {  	[sflag:s19] =	ssyncset.done $0x0  }
0xf6: {  	[sflag:s19] =	ssyncadd.s32 $0xFFFFF100  }
0xf7: {  	[hbm4b:s31+s20] =	stream.strided.scatter [tilespmem:s11], [sflag:$0x3], $0x7800, s15, s20, $0x38;
	[tilespmem:$0x14C40] =	vst v63  }
0xf8: {  	_ =	swait.ge [sflag:s6], $0x7800  }
0xf9: {  	s1 =	sld [smem:$0x7E6]  }
0xfa: {  	[sflag:s6] =	ssyncset.done $0x0  }
0xfb: {  	[sflag:s6] =	ssyncadd.s32 $0xFFFF8800  }
0xfc: {  	[hbm4b:s1+s16] =	stream.strided.scatter [tilespmem:s12], [sflag:$0x3], $0xF00, s15, s16, $0x38;
	[tilespmem:$0x14C40] =	vst v63  }
0xfd: {  	_ =	swait.ge [sflag:s6], $0xF00  }
0xfe: {  	s31 =	sld [smem:$0x7E7]  }
0xff: {  	[sflag:s6] =	ssyncset.done $0x0  }
0x100: {  	[sflag:s6] =	ssyncadd.s32 $0xFFFFF100  }
0x101: {  	[tilespmem:s2], [sflag:$0x3] =	stream.linear.gather [hbm4b:s31+s2], $0x1E0, $0x38;
	[tilespmem:$0x14C40] =	vst v63  }
0x102: {  	_ =	swait.ge [sflag:s6], $0x1E0  }
0x103: {  	s1 =	sld [smem:$0x7E8]  }
0x104: {  	[sflag:s6] =	ssyncset.done $0x0  }
0x105: {  	[sflag:s6] =	ssyncadd.s32 $0xFFFFFE20  }
0x106: {  	[tilespmem:s18], [sflag:$0x3] =	stream.linear.gather [hbm4b:s1+s2], $0x1E0, $0x38;
	[tilespmem:$0x14C40] =	vst v63  }
0x107: {  	_ =	swait.ge [sflag:s6], $0x1E0  }
0x108: {  	[sflag:s6] =	ssyncset.done $0x0  }
0x109: {  	[sflag:s6] =	ssyncadd.s32 $0xFFFFFE20  }
0x10a: {  	[tilespmem:s11], [sflag:$0x1] =	stream.indirect.gather [hbm4b:s3+s18], $0x40, s2, s18, $0xb8;
	[tilespmem:$0x14C40] =	vst v63  }
0x10b: {  	_ = 	snop  }
0x10c: {  	[tilespmem:s12], [sflag:$0x1] =	stream.indirect.gather [hbm4b:s4+s18], $0x8, s18, s18, $0xb8;
	[tilespmem:$0x14C40] =	vst v63  }
0x10d: {  	_ =	swait.ge [sflag:s19], $0x7800  }
0x10e: {  	[sflag:s19] =	ssyncset.done $0x0  }
0x10f: {  	[sflag:s19] =	ssyncadd.s32 $0xFFFF8800  }
0x110: {  	_ =	swait.ge [sflag:s19], $0xF00  }
0x111: {  	s31 =	sld [smem:$0x7E9]  }
0x112: {  	[sflag:s19] =	ssyncset.done $0x0  }
0x113: {  	[sflag:s19] =	ssyncadd.s32 $0xFFFFF100  }
0x114: {  	[hbm4b:s31+s20] =	stream.strided.scatter [tilespmem:s11], [sflag:$0x3], $0x7800, s15, s20, $0x38;
	[tilespmem:$0x14C40] =	vst v63  }
0x115: {  	_ =	swait.ge [sflag:s6], $0x7800  }
0x116: {  	s1 =	sld [smem:$0x7EA]  }
0x117: {  	[sflag:s6] =	ssyncset.done $0x0  }
0x118: {  	[sflag:s6] =	ssyncadd.s32 $0xFFFF8800  }
0x119: {  	[hbm4b:s1+s16] =	stream.strided.scatter [tilespmem:s12], [sflag:$0x3], $0xF00, s15, s16, $0x38;
	[tilespmem:$0x14C40] =	vst v63  }
0x11a: {  	_ =	swait.ge [sflag:s6], $0xF00  }
0x11b: {  	s31 =	sld [smem:$0x7EB]  }
0x11c: {  	[sflag:s6] =	ssyncset.done $0x0  }
0x11d: {  	[sflag:s6] =	ssyncadd.s32 $0xFFFFF100  }
0x11e: {  	[tilespmem:s2], [sflag:$0x3] =	stream.linear.gather [hbm4b:s31+s2], $0x1E0, $0x38;
	[tilespmem:$0x14C40] =	vst v63  }
0x11f: {  	_ =	swait.ge [sflag:s6], $0x1E0  }
0x120: {  	s1 =	sld [smem:$0x7EC]  }
0x121: {  	[sflag:s6] =	ssyncset.done $0x0  }
0x122: {  	[sflag:s6] =	ssyncadd.s32 $0xFFFFFE20  }
0x123: {  	[tilespmem:s18], [sflag:$0x3] =	stream.linear.gather [hbm4b:s1+s2], $0x1E0, $0x38;
	[tilespmem:$0x14C40] =	vst v63  }
0x124: {  	_ =	swait.ge [sflag:s6], $0x1E0  }
0x125: {  	[sflag:s6] =	ssyncset.done $0x0  }
0x126: {  	[sflag:s6] =	ssyncadd.s32 $0xFFFFFE20  }
0x127: {  	[tilespmem:s11], [sflag:$0x1] =	stream.indirect.gather [hbm4b:s3+s18], $0x40, s2, s18, $0xb8;
	[tilespmem:$0x14C40] =	vst v63  }
0x128: {  	_ = 	snop  }
0x129: {  	[tilespmem:s12], [sflag:$0x1] =	stream.indirect.gather [hbm4b:s4+s18], $0x8, s18, s18, $0xb8;
	[tilespmem:$0x14C40] =	vst v63  }
0x12a: {  	_ =	swait.ge [sflag:s19], $0x7800  }
0x12b: {  	[sflag:s19] =	ssyncset.done $0x0  }
0x12c: {  	[sflag:s19] =	ssyncadd.s32 $0xFFFF8800  }
0x12d: {  	_ =	swait.ge [sflag:s19], $0xF00  }
0x12e: {  	s31 =	sld [smem:$0x7ED]  }
0x12f: {  	[sflag:s19] =	ssyncset.done $0x0  }
0x130: {  	[sflag:s19] =	ssyncadd.s32 $0xFFFFF100  }
0x131: {  	[hbm4b:s31+s20] =	stream.strided.scatter [tilespmem:s11], [sflag:$0x3], $0x7800, s15, s20, $0x38;
	[tilespmem:$0x14C40] =	vst v63  }
0x132: {  	_ =	swait.ge [sflag:s6], $0x7800  }
0x133: {  	s1 =	sld [smem:$0x7EE]  }
0x134: {  	[sflag:s6] =	ssyncset.done $0x0  }
0x135: {  	[sflag:s6] =	ssyncadd.s32 $0xFFFF8800  }
0x136: {  	[hbm4b:s1+s16] =	stream.strided.scatter [tilespmem:s12], [sflag:$0x3], $0xF00, s15, s16, $0x38;
	[tilespmem:$0x14C40] =	vst v63  }
0x137: {  	_ =	swait.ge [sflag:s6], $0xF00  }
0x138: {  	s31 =	sld [smem:$0x7EF]  }
0x139: {  	[sflag:s6] =	ssyncset.done $0x0  }
0x13a: {  	[sflag:s6] =	ssyncadd.s32 $0xFFFFF100  }
0x13b: {  	[tilespmem:s2], [sflag:$0x3] =	stream.linear.gather [hbm4b:s31+s2], $0x1E0, $0x38;
	[tilespmem:$0x14C40] =	vst v63  }
0x13c: {  	_ =	swait.ge [sflag:s6], $0x1E0  }
0x13d: {  	s1 =	sld [smem:$0x7F0]  }
0x13e: {  	[sflag:s6] =	ssyncset.done $0x0  }
0x13f: {  	[sflag:s6] =	ssyncadd.s32 $0xFFFFFE20  }
0x140: {  	[tilespmem:s18], [sflag:$0x3] =	stream.linear.gather [hbm4b:s1+s2], $0x1E0, $0x38;
	[tilespmem:$0x14C40] =	vst v63  }
0x141: {  	_ =	swait.ge [sflag:s6], $0x1E0  }
0x142: {  	[sflag:s6] =	ssyncset.done $0x0  }
0x143: {  	[sflag:s6] =	ssyncadd.s32 $0xFFFFFE20  }
0x144: {  	[tilespmem:s11], [sflag:$0x1] =	stream.indirect.gather [hbm4b:s3+s18], $0x40, s2, s18, $0xb8;
	[tilespmem:$0x14C40] =	vst v63  }
0x145: {  	_ = 	snop  }
0x146: {  	[tilespmem:s12], [sflag:$0x1] =	stream.indirect.gather [hbm4b:s4+s18], $0x8, s18, s18, $0xb8;
	[tilespmem:$0x14C40] =	vst v63  }
0x147: {  	_ =	swait.ge [sflag:s19], $0x7800  }
0x148: {  	[sflag:s19] =	ssyncset.done $0x0  }
0x149: {  	[sflag:s19] =	ssyncadd.s32 $0xFFFF8800  }
0x14a: {  	_ =	swait.ge [sflag:s19], $0xF00  }
0x14b: {  	s31 =	sld [smem:$0x7F1]  }
0x14c: {  	[sflag:s19] =	ssyncset.done $0x0  }
0x14d: {  	[sflag:s19] =	ssyncadd.s32 $0xFFFFF100  }
0x14e: {  	[hbm4b:s31+s20] =	stream.strided.scatter [tilespmem:s11], [sflag:$0x3], $0x7800, s15, s20, $0x38;
	[tilespmem:$0x14C40] =	vst v63  }
0x14f: {  	_ =	swait.ge [sflag:s6], $0x7800  }
0x150: {  	s1 =	sld [smem:$0x7F2]  }
0x151: {  	[sflag:s6] =	ssyncset.done $0x0  }
0x152: {  	[sflag:s6] =	ssyncadd.s32 $0xFFFF8800  }
0x153: {  	[hbm4b:s1+s16] =	stream.strided.scatter [tilespmem:s12], [sflag:$0x3], $0xF00, s15, s16, $0x38;
	[tilespmem:$0x14C40] =	vst v63  }
0x154: {  	_ =	swait.ge [sflag:s6], $0xF00  }
0x155: {  	s31 =	sld [smem:$0x7F3]  }
0x156: {  	[sflag:s6] =	ssyncset.done $0x0  }
0x157: {  	[sflag:s6] =	ssyncadd.s32 $0xFFFFF100  }
0x158: {  	[tilespmem:s2], [sflag:$0x3] =	stream.linear.gather [hbm4b:s31+s2], $0x1E0, $0x38;
	[tilespmem:$0x14C40] =	vst v63  }
0x159: {  	_ =	swait.ge [sflag:s6], $0x1E0  }
0x15a: {  	s1 =	sld [smem:$0x7F4]  }
0x15b: {  	[sflag:s6] =	ssyncset.done $0x0  }
0x15c: {  	[sflag:s6] =	ssyncadd.s32 $0xFFFFFE20  }
0x15d: {  	[tilespmem:s18], [sflag:$0x3] =	stream.linear.gather [hbm4b:s1+s2], $0x1E0, $0x38;
	[tilespmem:$0x14C40] =	vst v63  }
0x15e: {  	_ =	swait.ge [sflag:s6], $0x1E0  }
0x15f: {  	[sflag:s6] =	ssyncset.done $0x0  }
0x160: {  	[sflag:s6] =	ssyncadd.s32 $0xFFFFFE20  }
0x161: {  	[tilespmem:s11], [sflag:$0x1] =	stream.indirect.gather [hbm4b:s3+s18], $0x40, s2, s18, $0xb8;
	[tilespmem:$0x14C40] =	vst v63  }
0x162: {  	_ = 	snop  }
0x163: {  	[tilespmem:s12], [sflag:$0x1] =	stream.indirect.gather [hbm4b:s4+s18], $0x8, s18, s18, $0xb8;
	[tilespmem:$0x14C40] =	vst v63  }
0x164: {  	_ =	swait.ge [sflag:s19], $0x7800  }
0x165: {  	[sflag:s19] =	ssyncset.done $0x0  }
0x166: {  	[sflag:s19] =	ssyncadd.s32 $0xFFFF8800  }
0x167: {  	_ =	swait.ge [sflag:s19], $0xF00  }
0x168: {  	s31 =	sld [smem:$0x7F5]  }
0x169: {  	[sflag:s19] =	ssyncset.done $0x0  }
0x16a: {  	[sflag:s19] =	ssyncadd.s32 $0xFFFFF100  }
0x16b: {  	[hbm4b:s31+s20] =	stream.strided.scatter [tilespmem:s11], [sflag:$0x3], $0x7800, s15, s20, $0x38;
	[tilespmem:$0x14C40] =	vst v63  }
0x16c: {  	_ =	swait.ge [sflag:s6], $0x7800  }
0x16d: {  	s1 =	sld [smem:$0x7F6]  }
0x16e: {  	[sflag:s6] =	ssyncset.done $0x0  }
0x16f: {  	[sflag:s6] =	ssyncadd.s32 $0xFFFF8800  }
0x170: {  	[hbm4b:s1+s16] =	stream.strided.scatter [tilespmem:s12], [sflag:$0x3], $0xF00, s15, s16, $0x38;
	[tilespmem:$0x14C40] =	vst v63  }
0x171: {  	_ =	swait.ge [sflag:s6], $0xF00  }
0x172: {  	s31 =	sld [smem:$0x7F7]  }
0x173: {  	[sflag:s6] =	ssyncset.done $0x0  }
0x174: {  	[sflag:s6] =	ssyncadd.s32 $0xFFFFF100  }
0x175: {  	[tilespmem:s2], [sflag:$0x3] =	stream.linear.gather [hbm4b:s31+s2], $0x1E0, $0x38;
	[tilespmem:$0x14C40] =	vst v63  }
0x176: {  	_ =	swait.ge [sflag:s6], $0x1E0  }
0x177: {  	s1 =	sld [smem:$0x7F8]  }
0x178: {  	[sflag:s6] =	ssyncset.done $0x0  }
0x179: {  	[sflag:s6] =	ssyncadd.s32 $0xFFFFFE20  }
0x17a: {  	[tilespmem:s18], [sflag:$0x3] =	stream.linear.gather [hbm4b:s1+s2], $0x1E0, $0x38;
	[tilespmem:$0x14C40] =	vst v63  }
0x17b: {  	_ =	swait.ge [sflag:s6], $0x1E0  }
0x17c: {  	[sflag:s6] =	ssyncset.done $0x0  }
0x17d: {  	[sflag:s6] =	ssyncadd.s32 $0xFFFFFE20  }
0x17e: {  	[tilespmem:s11], [sflag:$0x1] =	stream.indirect.gather [hbm4b:s3+s18], $0x40, s2, s18, $0xb8;
	[tilespmem:$0x14C40] =	vst v63  }
0x17f: {  	_ = 	snop  }
0x180: {  	[tilespmem:s12], [sflag:$0x1] =	stream.indirect.gather [hbm4b:s4+s18], $0x8, s18, s18, $0xb8;
	[tilespmem:$0x14C40] =	vst v63  }
0x181: {  	_ =	swait.ge [sflag:s19], $0x7800  }
0x182: {  	[sflag:s19] =	ssyncset.done $0x0  }
0x183: {  	[sflag:s19] =	ssyncadd.s32 $0xFFFF8800  }
0x184: {  	_ =	swait.ge [sflag:s19], $0xF00  }
0x185: {  	s31 =	sld [smem:$0x7F9]  }
0x186: {  	[sflag:s19] =	ssyncset.done $0x0  }
0x187: {  	[sflag:s19] =	ssyncadd.s32 $0xFFFFF100  }
0x188: {  	[hbm4b:s31+s20] =	stream.strided.scatter [tilespmem:s11], [sflag:$0x3], $0x7800, s15, s20, $0x38;
	[tilespmem:$0x14C40] =	vst v63  }
0x189: {  	_ =	swait.ge [sflag:s6], $0x7800  }
0x18a: {  	s1 =	sld [smem:$0x7FA]  }
0x18b: {  	[sflag:s6] =	ssyncset.done $0x0  }
0x18c: {  	[sflag:s6] =	ssyncadd.s32 $0xFFFF8800  }
0x18d: {  	[hbm4b:s1+s16] =	stream.strided.scatter [tilespmem:s12], [sflag:$0x3], $0xF00, s15, s16, $0x38;
	[tilespmem:$0x14C40] =	vst v63  }
0x18e: {  	_ =	swait.ge [sflag:s6], $0xF00  }
0x18f: {  	s31 =	sld [smem:$0x7FB]  }
0x190: {  	[sflag:s6] =	ssyncset.done $0x0  }
0x191: {  	[sflag:s6] =	ssyncadd.s32 $0xFFFFF100  }
0x192: {  	[tilespmem:s2], [sflag:$0x3] =	stream.linear.gather [hbm4b:s31+s2], $0x1E0, $0x38;
	[tilespmem:$0x14C40] =	vst v63  }
0x193: {  	_ =	swait.ge [sflag:s6], $0x1E0  }
0x194: {  	s1 =	sld [smem:$0x7FC]  }
0x195: {  	[sflag:s6] =	ssyncset.done $0x0  }
0x196: {  	[sflag:s6] =	ssyncadd.s32 $0xFFFFFE20  }
0x197: {  	[tilespmem:s18], [sflag:$0x3] =	stream.linear.gather [hbm4b:s1+s2], $0x1E0, $0x38;
	[tilespmem:$0x14C40] =	vst v63  }
0x198: {  	_ =	swait.ge [sflag:s6], $0x1E0  }
0x199: {  	[sflag:s6] =	ssyncset.done $0x0  }
0x19a: {  	[sflag:s6] =	ssyncadd.s32 $0xFFFFFE20  }
0x19b: {  	[tilespmem:s11], [sflag:$0x1] =	stream.indirect.gather [hbm4b:s3+s18], $0x40, s2, s18, $0xb8;
	[tilespmem:$0x14C40] =	vst v63  }
0x19c: {  	_ = 	snop  }
0x19d: {  	[tilespmem:s12], [sflag:$0x1] =	stream.indirect.gather [hbm4b:s4+s18], $0x8, s18, s18, $0xb8;
	[tilespmem:$0x14C40] =	vst v63  }
0x19e: {  	_ =	swait.ge [sflag:s19], $0x7800  }
0x19f: {  	[sflag:s19] =	ssyncset.done $0x0  }
0x1a0: {  	[sflag:s19] =	ssyncadd.s32 $0xFFFF8800  }
0x1a1: {  	_ =	swait.ge [sflag:s19], $0xF00  }
0x1a2: {  	s31 =	sld [smem:$0x7FD]  }
0x1a3: {  	[sflag:s19] =	ssyncset.done $0x0  }
0x1a4: {  	[sflag:s19] =	ssyncadd.s32 $0xFFFFF100  }
0x1a5: {  	[hbm4b:s31+s20] =	stream.strided.scatter [tilespmem:s11], [sflag:$0x3], $0x7800, s15, s20, $0x38;
	[tilespmem:$0x14C40] =	vst v63  }
0x1a6: {  	_ =	swait.ge [sflag:s6], $0x7800  }
0x1a7: {  	[sflag:s6] =	ssyncset.done $0x0  }
0x1a8: {  	[sflag:s6] =	ssyncadd.s32 $0xFFFF8800  }
0x1a9: {  	[hbm4b:s30+s16] =	stream.strided.scatter [tilespmem:s12], [sflag:$0x3], $0xF00, s15, s16, $0x38;
	[tilespmem:$0x14C40] =	vst v63  }
0x1aa: {  	_ =	swait.ge [sflag:s6], $0xF00  }
0x1ab: {  	[sflag:s6] =	ssyncset.done $0x0  }
0x1ac: {  	[sflag:s6] =	ssyncadd.s32 $0xFFFFF100  }
0x1ad: {  	[tilespmem:s2], [sflag:$0x3] =	stream.linear.gather [hbm4b:s29+s2], $0x1E0, $0x38;
	[tilespmem:$0x14C40] =	vst v63  }
0x1ae: {  	_ =	swait.ge [sflag:s6], $0x1E0  }
0x1af: {  	[sflag:s6] =	ssyncset.done $0x0  }
0x1b0: {  	[sflag:s6] =	ssyncadd.s32 $0xFFFFFE20  }
0x1b1: {  	[tilespmem:s18], [sflag:$0x3] =	stream.linear.gather [hbm4b:s28+s2], $0x1E0, $0x38;
	[tilespmem:$0x14C40] =	vst v63  }
0x1b2: {  	_ =	swait.ge [sflag:s6], $0x1E0  }
0x1b3: {  	[sflag:s6] =	ssyncset.done $0x0  }
0x1b4: {  	[sflag:s6] =	ssyncadd.s32 $0xFFFFFE20  }
0x1b5: {  	[tilespmem:s11], [sflag:$0x1] =	stream.indirect.gather [hbm4b:s3+s18], $0x40, s2, s18, $0xb8;
	[tilespmem:$0x14C40] =	vst v63  }
0x1b6: {  	_ = 	snop  }
0x1b7: {  	[tilespmem:s12], [sflag:$0x1] =	stream.indirect.gather [hbm4b:s4+s18], $0x8, s18, s18, $0xb8;
	[tilespmem:$0x14C40] =	vst v63  }
0x1b8: {  	_ =	swait.ge [sflag:s19], $0x7800  }
0x1b9: {  	[sflag:s19] =	ssyncset.done $0x0  }
0x1ba: {  	[sflag:s19] =	ssyncadd.s32 $0xFFFF8800  }
0x1bb: {  	_ =	swait.ge [sflag:s19], $0xF00  }
0x1bc: {  	[sflag:s19] =	ssyncset.done $0x0  }
0x1bd: {  	[sflag:s19] =	ssyncadd.s32 $0xFFFFF100  }
0x1be: {  	[hbm4b:s26+s20] =	stream.strided.scatter [tilespmem:s11], [sflag:$0x3], $0x7800, s15, s20, $0x38;
	[tilespmem:$0x14C40] =	vst v63  }
0x1bf: {  	_ =	swait.ge [sflag:s6], $0x7800  }
0x1c0: {  	[sflag:s6] =	ssyncset.done $0x0  }
0x1c1: {  	[sflag:s6] =	ssyncadd.s32 $0xFFFF8800  }
0x1c2: {  	[hbm4b:s25+s16] =	stream.strided.scatter [tilespmem:s12], [sflag:$0x3], $0xF00, s15, s16, $0x38;
	[tilespmem:$0x14C40] =	vst v63  }
0x1c3: {  	_ =	swait.ge [sflag:s6], $0xF00  }
0x1c4: {  	[sflag:s6] =	ssyncset.done $0x0  }
0x1c5: {  	[sflag:s6] =	ssyncadd.s32 $0xFFFFF100  }
0x1c6: {  	[tilespmem:s2], [sflag:$0x3] =	stream.linear.gather [hbm4b:s24+s2], $0x1E0, $0x38;
	[tilespmem:$0x14C40] =	vst v63  }
0x1c7: {  	_ =	swait.ge [sflag:s6], $0x1E0  }
0x1c8: {  	[sflag:s6] =	ssyncset.done $0x0  }
0x1c9: {  	[sflag:s6] =	ssyncadd.s32 $0xFFFFFE20  }
0x1ca: {  	[tilespmem:s18], [sflag:$0x3] =	stream.linear.gather [hbm4b:s23+s2], $0x1E0, $0x38;
	[tilespmem:$0x14C40] =	vst v63  }
0x1cb: {  	_ =	swait.ge [sflag:s6], $0x1E0  }
0x1cc: {  	[sflag:s6] =	ssyncset.done $0x0  }
0x1cd: {  	[sflag:s6] =	ssyncadd.s32 $0xFFFFFE20  }
0x1ce: {  	[tilespmem:s11], [sflag:$0x1] =	stream.indirect.gather [hbm4b:s3+s18], $0x40, s2, s18, $0xb8;
	[tilespmem:$0x14C40] =	vst v63  }
0x1cf: {  	_ = 	snop  }
0x1d0: {  	[tilespmem:s12], [sflag:$0x1] =	stream.indirect.gather [hbm4b:s4+s18], $0x8, s18, s18, $0xb8;
	[tilespmem:$0x14C40] =	vst v63  }
0x1d1: {  	_ =	swait.ge [sflag:s19], $0x7800  }
0x1d2: {  	[sflag:s19] =	ssyncset.done $0x0  }
0x1d3: {  	[sflag:s19] =	ssyncadd.s32 $0xFFFF8800  }
0x1d4: {  	_ =	swait.ge [sflag:s19], $0xF00  }
0x1d5: {  	[sflag:s19] =	ssyncset.done $0x0  }
0x1d6: {  	[sflag:s19] =	ssyncadd.s32 $0xFFFFF100  }
0x1d7: {  	[hbm4b:s22+s20] =	stream.strided.scatter [tilespmem:s11], [sflag:$0x3], $0x7800, s15, s20, $0x38;
	[tilespmem:$0x14C40] =	vst v63  }
0x1d8: {  	_ =	swait.ge [sflag:s6], $0x7800  }
0x1d9: {  	[sflag:s6] =	ssyncset.done $0x0  }
0x1da: {  	[sflag:s6] =	ssyncadd.s32 $0xFFFF8800  }
0x1db: {  	[hbm4b:s21+s16] =	stream.strided.scatter [tilespmem:s12], [sflag:$0x3], $0xF00, s15, s16, $0x38;
	[tilespmem:$0x14C40] =	vst v63  }
0x1dc: {  	_ =	swait.ge [sflag:s6], $0xF00  }
0x1dd: {  	[sflag:s6] =	ssyncset.done $0x0  }
0x1de: {  	[sflag:s6] =	ssyncadd.s32 $0xFFFFF100  }
0x1df: {  	[tilespmem:s2], [sflag:$0x3] =	stream.linear.gather [hbm4b:s17+s2], $0x1E0, $0x38;
	[tilespmem:$0x14C40] =	vst v63  }
0x1e0: {  	_ =	swait.ge [sflag:s6], $0x1E0  }
0x1e1: {  	[sflag:s6] =	ssyncset.done $0x0  }
0x1e2: {  	[sflag:s6] =	ssyncadd.s32 $0xFFFFFE20  }
0x1e3: {  	[tilespmem:s18], [sflag:$0x3] =	stream.linear.gather [hbm4b:s14+s2], $0x1E0, $0x38;
	[tilespmem:$0x14C40] =	vst v63  }
0x1e4: {  	_ =	swait.ge [sflag:s6], $0x1E0  }
0x1e5: {  	[sflag:s6] =	ssyncset.done $0x0  }
0x1e6: {  	[sflag:s6] =	ssyncadd.s32 $0xFFFFFE20  }
0x1e7: {  	[tilespmem:s11], [sflag:$0x1] =	stream.indirect.gather [hbm4b:s3+s18], $0x40, s2, s18, $0xb8;
	[tilespmem:$0x14C40] =	vst v63  }
0x1e8: {  	_ = 	snop  }
0x1e9: {  	[tilespmem:s12], [sflag:$0x1] =	stream.indirect.gather [hbm4b:s4+s18], $0x8, s18, s18, $0xb8;
	[tilespmem:$0x14C40] =	vst v63  }
0x1ea: {  	_ =	swait.ge [sflag:s19], $0x7800  }
0x1eb: {  	[sflag:s19] =	ssyncset.done $0x0  }
0x1ec: {  	[sflag:s19] =	ssyncadd.s32 $0xFFFF8800  }
0x1ed: {  	_ =	swait.ge [sflag:s19], $0xF00  }
0x1ee: {  	[sflag:s19] =	ssyncset.done $0x0  }
0x1ef: {  	[sflag:s19] =	ssyncadd.s32 $0xFFFFF100  }
0x1f0: {  	[hbm4b:s13+s20] =	stream.strided.scatter [tilespmem:s11], [sflag:$0x3], $0x7800, s15, s20, $0x38;
	[tilespmem:$0x14C40] =	vst v63  }
0x1f1: {  	_ =	swait.ge [sflag:s6], $0x7800  }
0x1f2: {  	[sflag:s6] =	ssyncset.done $0x0  }
0x1f3: {  	[sflag:s6] =	ssyncadd.s32 $0xFFFF8800  }
0x1f4: {  	[hbm4b:s9+s16] =	stream.strided.scatter [tilespmem:s12], [sflag:$0x3], $0xF00, s15, s16, $0x38;
	[tilespmem:$0x14C40] =	vst v63  }
0x1f5: {  	_ =	swait.ge [sflag:s6], $0xF00  }
0x1f6: {  	[sflag:s6] =	ssyncset.done $0x0  }
0x1f7: {  	[sflag:s6] =	ssyncadd.s32 $0xFFFFF100  }
0x1f8: {  	p1 =	sne.s32 s7, $0x1;
	_ =	swait.ge [sflag:s10], $0xC000  }
.Ltmp1:
0x1f9: {  	[sflag:s10] =	ssyncset.done $0x0;
	(pc) =	sbr.rel @!p1 .LBB2_7-.Ltmp1, $4  }
0x1fa: {  	[sflag:s10] =	ssyncadd.s32 $0xFFFF4000  }
0x1fb: {  	[hbm4b:s5+s2] =	stream.linear.scatter [tilespmem:s8], [sflag:$0x3], $0xC000, $0x38;
	[tilespmem:$0x14C40] =	vst v63  }
0x1fc: {  	p0 =	por $0x1, $0x1;
	_ =	swait.ge [sflag:s6], $0xC000  }
0x1fd: {  	s1 =	sadd.s32 $0xFFFFFFFF, s7;
	s0 =	rddreg [dreg:$0x5];
	[sflag:s6] =	ssyncset.done $0x0  }
0x1fe: {  	s7 =	simm.s32 $0x8AC0;
	s8 =	simm.s32 $0x8C40  }
.LBB2_4:
0x1ff: {  	[sflag:s6] =	ssyncadd.s32 $0xFFFF4000  }
0x200: {  	[tilespmem:s7], [sflag:$0x3] =	stream.linear.gather [hbm4b:s0+s2], $0x180, $0x38;
	[tilespmem:$0x14C40] =	vst v63  }
0x201: {  	_ =	swait.ge [sflag:s6], $0x180  }
0x202: {  	[sflag:s6] =	ssyncset.done $0x0  }
0x203: {  	s5 =	simm.s32 $0x180;
	s0 =	rddreg [dreg:$0x4];
	[sflag:s6] =	ssyncadd.s32 $0xFFFFFE80  }
0x204: {  	[tilespmem:s8], [sflag:$0x2] =	stream.indirect.gather [hbm4b:s0+s5], $0x80, s7, s5, $0xb8;
	[tilespmem:$0x14C40] =	vst v63  }
0x205: {  	s31 =	rddreg [dreg:$0x6]  }
0x206: {  	[tilespmem:s2], [sflag:$0x3] =	stream.linear.gather [hbm4b:s31+s2], $0x1E0, $0x38;
	[tilespmem:$0x14C40] =	vst v63  }
0x207: {  	s5 =	sld [smem:$0x7E4];
	_ =	swait.ge [sflag:s6], $0x1E0  }
0x208: {  	[sflag:s6] =	ssyncset.done $0x0  }
0x209: {  	s31 =	rddreg [dreg:$0x7];
	[sflag:s6] =	ssyncadd.s32 $0xFFFFFE20  }
0x20a: {  	[tilespmem:s18], [sflag:$0x3] =	stream.linear.gather [hbm4b:s31+s2], $0x1E0, $0x38;
	[tilespmem:$0x14C40] =	vst v63  }
0x20b: {  	_ =	swait.ge [sflag:s6], $0x1E0  }
0x20c: {  	[sflag:s6] =	ssyncset.done $0x0  }
0x20d: {  	[sflag:s6] =	ssyncadd.s32 $0xFFFFFE20  }
0x20e: {  	[tilespmem:s11], [sflag:$0x1] =	stream.indirect.gather [hbm4b:s3+s18], $0x40, s2, s18, $0xb8;
	[tilespmem:$0x14C40] =	vst v63  }
0x20f: {  	_ = 	snop  }
0x210: {  	[tilespmem:s12], [sflag:$0x1] =	stream.indirect.gather [hbm4b:s4+s18], $0x8, s18, s18, $0xb8;
	[tilespmem:$0x14C40] =	vst v63  }
0x211: {  	_ =	swait.ge [sflag:s19], $0x7800  }
0x212: {  	[sflag:s19] =	ssyncset.done $0x0  }
0x213: {  	[sflag:s19] =	ssyncadd.s32 $0xFFFF8800  }
0x214: {  	_ =	swait.ge [sflag:s19], $0xF00  }
0x215: {  	[sflag:s19] =	ssyncset.done $0x0  }
0x216: {  	s31 =	rddreg [dreg:$0x8];
	[sflag:s19] =	ssyncadd.s32 $0xFFFFF100  }
0x217: {  	[hbm4b:s31+s20] =	stream.strided.scatter [tilespmem:s11], [sflag:$0x3], $0x7800, s15, s20, $0x38;
	[tilespmem:$0x14C40] =	vst v63  }
0x218: {  	_ =	swait.ge [sflag:s6], $0x7800  }
0x219: {  	[sflag:s6] =	ssyncset.done $0x0  }
0x21a: {  	s31 =	rddreg [dreg:$0x9];
	[sflag:s6] =	ssyncadd.s32 $0xFFFF8800  }
0x21b: {  	[hbm4b:s31+s16] =	stream.strided.scatter [tilespmem:s12], [sflag:$0x3], $0xF00, s15, s16, $0x38;
	[tilespmem:$0x14C40] =	vst v63  }
0x21c: {  	_ =	swait.ge [sflag:s6], $0xF00  }
0x21d: {  	[sflag:s6] =	ssyncset.done $0x0  }
0x21e: {  	s31 =	rddreg [dreg:$0xa];
	[sflag:s6] =	ssyncadd.s32 $0xFFFFF100  }
0x21f: {  	[tilespmem:s2], [sflag:$0x3] =	stream.linear.gather [hbm4b:s31+s2], $0x1E0, $0x38;
	[tilespmem:$0x14C40] =	vst v63  }
0x220: {  	_ =	swait.ge [sflag:s6], $0x1E0  }
0x221: {  	[sflag:s6] =	ssyncset.done $0x0  }
0x222: {  	s31 =	rddreg [dreg:$0xb];
	[sflag:s6] =	ssyncadd.s32 $0xFFFFFE20  }
0x223: {  	[tilespmem:s18], [sflag:$0x3] =	stream.linear.gather [hbm4b:s31+s2], $0x1E0, $0x38;
	[tilespmem:$0x14C40] =	vst v63  }
0x224: {  	_ =	swait.ge [sflag:s6], $0x1E0  }
0x225: {  	[sflag:s6] =	ssyncset.done $0x0  }
0x226: {  	[sflag:s6] =	ssyncadd.s32 $0xFFFFFE20  }
0x227: {  	[tilespmem:s11], [sflag:$0x1] =	stream.indirect.gather [hbm4b:s3+s18], $0x40, s2, s18, $0xb8;
	[tilespmem:$0x14C40] =	vst v63  }
0x228: {  	_ = 	snop  }
0x229: {  	[tilespmem:s12], [sflag:$0x1] =	stream.indirect.gather [hbm4b:s4+s18], $0x8, s18, s18, $0xb8;
	[tilespmem:$0x14C40] =	vst v63  }
0x22a: {  	_ =	swait.ge [sflag:s19], $0x7800  }
0x22b: {  	[sflag:s19] =	ssyncset.done $0x0  }
0x22c: {  	[sflag:s19] =	ssyncadd.s32 $0xFFFF8800  }
0x22d: {  	_ =	swait.ge [sflag:s19], $0xF00  }
0x22e: {  	[sflag:s19] =	ssyncset.done $0x0  }
0x22f: {  	s31 =	rddreg [dreg:$0xc];
	[sflag:s19] =	ssyncadd.s32 $0xFFFFF100  }
0x230: {  	[hbm4b:s31+s20] =	stream.strided.scatter [tilespmem:s11], [sflag:$0x3], $0x7800, s15, s20, $0x38;
	[tilespmem:$0x14C40] =	vst v63  }
0x231: {  	_ =	swait.ge [sflag:s6], $0x7800  }
0x232: {  	[sflag:s6] =	ssyncset.done $0x0  }
0x233: {  	s31 =	rddreg [dreg:$0xd];
	[sflag:s6] =	ssyncadd.s32 $0xFFFF8800  }
0x234: {  	[hbm4b:s31+s16] =	stream.strided.scatter [tilespmem:s12], [sflag:$0x3], $0xF00, s15, s16, $0x38;
	[tilespmem:$0x14C40] =	vst v63  }
0x235: {  	_ =	swait.ge [sflag:s6], $0xF00  }
0x236: {  	[sflag:s6] =	ssyncset.done $0x0  }
0x237: {  	s31 =	rddreg [dreg:$0xe];
	[sflag:s6] =	ssyncadd.s32 $0xFFFFF100  }
0x238: {  	[tilespmem:s2], [sflag:$0x3] =	stream.linear.gather [hbm4b:s31+s2], $0x1E0, $0x38;
	[tilespmem:$0x14C40] =	vst v63  }
0x239: {  	_ =	swait.ge [sflag:s6], $0x1E0  }
0x23a: {  	[sflag:s6] =	ssyncset.done $0x0  }
0x23b: {  	s31 =	rddreg [dreg:$0xf];
	[sflag:s6] =	ssyncadd.s32 $0xFFFFFE20  }
0x23c: {  	[tilespmem:s18], [sflag:$0x3] =	stream.linear.gather [hbm4b:s31+s2], $0x1E0, $0x38;
	[tilespmem:$0x14C40] =	vst v63  }
0x23d: {  	_ =	swait.ge [sflag:s6], $0x1E0  }
0x23e: {  	[sflag:s6] =	ssyncset.done $0x0  }
0x23f: {  	[sflag:s6] =	ssyncadd.s32 $0xFFFFFE20  }
0x240: {  	[tilespmem:s11], [sflag:$0x1] =	stream.indirect.gather [hbm4b:s3+s18], $0x40, s2, s18, $0xb8;
	[tilespmem:$0x14C40] =	vst v63  }
0x241: {  	_ = 	snop  }
0x242: {  	[tilespmem:s12], [sflag:$0x1] =	stream.indirect.gather [hbm4b:s4+s18], $0x8, s18, s18, $0xb8;
	[tilespmem:$0x14C40] =	vst v63  }
0x243: {  	_ =	swait.ge [sflag:s19], $0x7800  }
0x244: {  	[sflag:s19] =	ssyncset.done $0x0  }
0x245: {  	[sflag:s19] =	ssyncadd.s32 $0xFFFF8800  }
0x246: {  	_ =	swait.ge [sflag:s19], $0xF00  }
0x247: {  	[sflag:s19] =	ssyncset.done $0x0  }
0x248: {  	s31 =	rddreg [dreg:$0x10];
	[sflag:s19] =	ssyncadd.s32 $0xFFFFF100  }
0x249: {  	[hbm4b:s31+s20] =	stream.strided.scatter [tilespmem:s11], [sflag:$0x3], $0x7800, s15, s20, $0x38;
	[tilespmem:$0x14C40] =	vst v63  }
0x24a: {  	_ =	swait.ge [sflag:s6], $0x7800  }
0x24b: {  	[sflag:s6] =	ssyncset.done $0x0  }
0x24c: {  	s31 =	rddreg [dreg:$0x11];
	[sflag:s6] =	ssyncadd.s32 $0xFFFF8800  }
0x24d: {  	[hbm4b:s31+s16] =	stream.strided.scatter [tilespmem:s12], [sflag:$0x3], $0xF00, s15, s16, $0x38;
	[tilespmem:$0x14C40] =	vst v63  }
0x24e: {  	_ =	swait.ge [sflag:s6], $0xF00  }
0x24f: {  	[sflag:s6] =	ssyncset.done $0x0  }
0x250: {  	s31 =	rddreg [dreg:$0x12];
	[sflag:s6] =	ssyncadd.s32 $0xFFFFF100  }
0x251: {  	[tilespmem:s2], [sflag:$0x3] =	stream.linear.gather [hbm4b:s31+s2], $0x1E0, $0x38;
	[tilespmem:$0x14C40] =	vst v63  }
0x252: {  	_ =	swait.ge [sflag:s6], $0x1E0  }
0x253: {  	[sflag:s6] =	ssyncset.done $0x0  }
0x254: {  	s31 =	rddreg [dreg:$0x13];
	[sflag:s6] =	ssyncadd.s32 $0xFFFFFE20  }
0x255: {  	[tilespmem:s18], [sflag:$0x3] =	stream.linear.gather [hbm4b:s31+s2], $0x1E0, $0x38;
	[tilespmem:$0x14C40] =	vst v63  }
0x256: {  	_ =	swait.ge [sflag:s6], $0x1E0  }
0x257: {  	[sflag:s6] =	ssyncset.done $0x0  }
0x258: {  	[sflag:s6] =	ssyncadd.s32 $0xFFFFFE20  }
0x259: {  	[tilespmem:s11], [sflag:$0x1] =	stream.indirect.gather [hbm4b:s3+s18], $0x40, s2, s18, $0xb8;
	[tilespmem:$0x14C40] =	vst v63  }
0x25a: {  	_ = 	snop  }
0x25b: {  	[tilespmem:s12], [sflag:$0x1] =	stream.indirect.gather [hbm4b:s4+s18], $0x8, s18, s18, $0xb8;
	[tilespmem:$0x14C40] =	vst v63  }
0x25c: {  	_ =	swait.ge [sflag:s19], $0x7800  }
0x25d: {  	[sflag:s19] =	ssyncset.done $0x0  }
0x25e: {  	[sflag:s19] =	ssyncadd.s32 $0xFFFF8800  }
0x25f: {  	_ =	swait.ge [sflag:s19], $0xF00  }
0x260: {  	[sflag:s19] =	ssyncset.done $0x0  }
0x261: {  	s31 =	rddreg [dreg:$0x14];
	[sflag:s19] =	ssyncadd.s32 $0xFFFFF100  }
0x262: {  	[hbm4b:s31+s20] =	stream.strided.scatter [tilespmem:s11], [sflag:$0x3], $0x7800, s15, s20, $0x38;
	[tilespmem:$0x14C40] =	vst v63  }
0x263: {  	_ =	swait.ge [sflag:s6], $0x7800  }
0x264: {  	[sflag:s6] =	ssyncset.done $0x0  }
0x265: {  	s31 =	rddreg [dreg:$0x15];
	[sflag:s6] =	ssyncadd.s32 $0xFFFF8800  }
0x266: {  	[hbm4b:s31+s16] =	stream.strided.scatter [tilespmem:s12], [sflag:$0x3], $0xF00, s15, s16, $0x38;
	[tilespmem:$0x14C40] =	vst v63  }
0x267: {  	_ =	swait.ge [sflag:s6], $0xF00  }
0x268: {  	[sflag:s6] =	ssyncset.done $0x0  }
0x269: {  	s31 =	rddreg [dreg:$0x16];
	[sflag:s6] =	ssyncadd.s32 $0xFFFFF100  }
0x26a: {  	[tilespmem:s2], [sflag:$0x3] =	stream.linear.gather [hbm4b:s31+s2], $0x1E0, $0x38;
	[tilespmem:$0x14C40] =	vst v63  }
0x26b: {  	_ =	swait.ge [sflag:s6], $0x1E0  }
0x26c: {  	[sflag:s6] =	ssyncset.done $0x0  }
0x26d: {  	s31 =	rddreg [dreg:$0x17];
	[sflag:s6] =	ssyncadd.s32 $0xFFFFFE20  }
0x26e: {  	[tilespmem:s18], [sflag:$0x3] =	stream.linear.gather [hbm4b:s31+s2], $0x1E0, $0x38;
	[tilespmem:$0x14C40] =	vst v63  }
0x26f: {  	_ =	swait.ge [sflag:s6], $0x1E0  }
0x270: {  	[sflag:s6] =	ssyncset.done $0x0  }
0x271: {  	[sflag:s6] =	ssyncadd.s32 $0xFFFFFE20  }
0x272: {  	[tilespmem:s11], [sflag:$0x1] =	stream.indirect.gather [hbm4b:s3+s18], $0x40, s2, s18, $0xb8;
	[tilespmem:$0x14C40] =	vst v63  }
0x273: {  	_ = 	snop  }
0x274: {  	[tilespmem:s12], [sflag:$0x1] =	stream.indirect.gather [hbm4b:s4+s18], $0x8, s18, s18, $0xb8;
	[tilespmem:$0x14C40] =	vst v63  }
0x275: {  	_ =	swait.ge [sflag:s19], $0x7800  }
0x276: {  	[sflag:s19] =	ssyncset.done $0x0  }
0x277: {  	[sflag:s19] =	ssyncadd.s32 $0xFFFF8800  }
0x278: {  	_ =	swait.ge [sflag:s19], $0xF00  }
0x279: {  	[sflag:s19] =	ssyncset.done $0x0  }
0x27a: {  	s31 =	rddreg [dreg:$0x18];
	[sflag:s19] =	ssyncadd.s32 $0xFFFFF100  }
0x27b: {  	[hbm4b:s31+s20] =	stream.strided.scatter [tilespmem:s11], [sflag:$0x3], $0x7800, s15, s20, $0x38;
	[tilespmem:$0x14C40] =	vst v63  }
0x27c: {  	_ =	swait.ge [sflag:s6], $0x7800  }
0x27d: {  	[sflag:s6] =	ssyncset.done $0x0  }
0x27e: {  	s31 =	rddreg [dreg:$0x19];
	[sflag:s6] =	ssyncadd.s32 $0xFFFF8800  }
0x27f: {  	[hbm4b:s31+s16] =	stream.strided.scatter [tilespmem:s12], [sflag:$0x3], $0xF00, s15, s16, $0x38;
	[tilespmem:$0x14C40] =	vst v63  }
0x280: {  	_ =	swait.ge [sflag:s6], $0xF00  }
0x281: {  	[sflag:s6] =	ssyncset.done $0x0  }
0x282: {  	s31 =	rddreg [dreg:$0x1a];
	[sflag:s6] =	ssyncadd.s32 $0xFFFFF100  }
0x283: {  	[tilespmem:s2], [sflag:$0x3] =	stream.linear.gather [hbm4b:s31+s2], $0x1E0, $0x38;
	[tilespmem:$0x14C40] =	vst v63  }
0x284: {  	_ =	swait.ge [sflag:s6], $0x1E0  }
0x285: {  	[sflag:s6] =	ssyncset.done $0x0  }
0x286: {  	s31 =	rddreg [dreg:$0x1b];
	[sflag:s6] =	ssyncadd.s32 $0xFFFFFE20  }
0x287: {  	[tilespmem:s18], [sflag:$0x3] =	stream.linear.gather [hbm4b:s31+s2], $0x1E0, $0x38;
	[tilespmem:$0x14C40] =	vst v63  }
0x288: {  	_ =	swait.ge [sflag:s6], $0x1E0  }
0x289: {  	[sflag:s6] =	ssyncset.done $0x0  }
0x28a: {  	[sflag:s6] =	ssyncadd.s32 $0xFFFFFE20  }
0x28b: {  	[tilespmem:s11], [sflag:$0x1] =	stream.indirect.gather [hbm4b:s3+s18], $0x40, s2, s18, $0xb8;
	[tilespmem:$0x14C40] =	vst v63  }
0x28c: {  	_ = 	snop  }
0x28d: {  	[tilespmem:s12], [sflag:$0x1] =	stream.indirect.gather [hbm4b:s4+s18], $0x8, s18, s18, $0xb8;
	[tilespmem:$0x14C40] =	vst v63  }
0x28e: {  	_ =	swait.ge [sflag:s19], $0x7800  }
0x28f: {  	[sflag:s19] =	ssyncset.done $0x0  }
0x290: {  	[sflag:s19] =	ssyncadd.s32 $0xFFFF8800  }
0x291: {  	_ =	swait.ge [sflag:s19], $0xF00  }
0x292: {  	[sflag:s19] =	ssyncset.done $0x0  }
0x293: {  	s31 =	rddreg [dreg:$0x1c];
	[sflag:s19] =	ssyncadd.s32 $0xFFFFF100  }
0x294: {  	[hbm4b:s31+s20] =	stream.strided.scatter [tilespmem:s11], [sflag:$0x3], $0x7800, s15, s20, $0x38;
	[tilespmem:$0x14C40] =	vst v63  }
0x295: {  	_ =	swait.ge [sflag:s6], $0x7800  }
0x296: {  	[sflag:s6] =	ssyncset.done $0x0  }
0x297: {  	s31 =	rddreg [dreg:$0x1d];
	[sflag:s6] =	ssyncadd.s32 $0xFFFF8800  }
0x298: {  	[hbm4b:s31+s16] =	stream.strided.scatter [tilespmem:s12], [sflag:$0x3], $0xF00, s15, s16, $0x38;
	[tilespmem:$0x14C40] =	vst v63  }
0x299: {  	_ =	swait.ge [sflag:s6], $0xF00  }
0x29a: {  	[sflag:s6] =	ssyncset.done $0x0  }
0x29b: {  	s31 =	rddreg [dreg:$0x1e];
	[sflag:s6] =	ssyncadd.s32 $0xFFFFF100  }
0x29c: {  	[tilespmem:s2], [sflag:$0x3] =	stream.linear.gather [hbm4b:s31+s2], $0x1E0, $0x38;
	[tilespmem:$0x14C40] =	vst v63  }
0x29d: {  	_ =	swait.ge [sflag:s6], $0x1E0  }
0x29e: {  	[sflag:s6] =	ssyncset.done $0x0  }
0x29f: {  	s31 =	rddreg [dreg:$0x1f];
	[sflag:s6] =	ssyncadd.s32 $0xFFFFFE20  }
0x2a0: {  	[tilespmem:s18], [sflag:$0x3] =	stream.linear.gather [hbm4b:s31+s2], $0x1E0, $0x38;
	[tilespmem:$0x14C40] =	vst v63  }
0x2a1: {  	_ =	swait.ge [sflag:s6], $0x1E0  }
0x2a2: {  	[sflag:s6] =	ssyncset.done $0x0  }
0x2a3: {  	[sflag:s6] =	ssyncadd.s32 $0xFFFFFE20  }
0x2a4: {  	[tilespmem:s11], [sflag:$0x1] =	stream.indirect.gather [hbm4b:s3+s18], $0x40, s2, s18, $0xb8;
	[tilespmem:$0x14C40] =	vst v63  }
0x2a5: {  	_ = 	snop  }
0x2a6: {  	[tilespmem:s12], [sflag:$0x1] =	stream.indirect.gather [hbm4b:s4+s18], $0x8, s18, s18, $0xb8;
	[tilespmem:$0x14C40] =	vst v63  }
0x2a7: {  	_ =	swait.ge [sflag:s19], $0x7800  }
0x2a8: {  	[sflag:s19] =	ssyncset.done $0x0  }
0x2a9: {  	[sflag:s19] =	ssyncadd.s32 $0xFFFF8800  }
0x2aa: {  	_ =	swait.ge [sflag:s19], $0xF00  }
0x2ab: {  	s31 =	sld [smem:$0x7E5]  }
0x2ac: {  	[sflag:s19] =	ssyncset.done $0x0  }
0x2ad: {  	[sflag:s19] =	ssyncadd.s32 $0xFFFFF100  }
0x2ae: {  	[hbm4b:s31+s20] =	stream.strided.scatter [tilespmem:s11], [sflag:$0x3], $0x7800, s15, s20, $0x38;
	[tilespmem:$0x14C40] =	vst v63  }
0x2af: {  	_ =	swait.ge [sflag:s6], $0x7800  }
0x2b0: {  	s31 =	sld [smem:$0x7E6]  }
0x2b1: {  	[sflag:s6] =	ssyncset.done $0x0  }
0x2b2: {  	[sflag:s6] =	ssyncadd.s32 $0xFFFF8800  }
0x2b3: {  	[hbm4b:s31+s16] =	stream.strided.scatter [tilespmem:s12], [sflag:$0x3], $0xF00, s15, s16, $0x38;
	[tilespmem:$0x14C40] =	vst v63  }
0x2b4: {  	_ =	swait.ge [sflag:s6], $0xF00  }
0x2b5: {  	s31 =	sld [smem:$0x7E7]  }
0x2b6: {  	[sflag:s6] =	ssyncset.done $0x0  }
0x2b7: {  	[sflag:s6] =	ssyncadd.s32 $0xFFFFF100  }
0x2b8: {  	[tilespmem:s2], [sflag:$0x3] =	stream.linear.gather [hbm4b:s31+s2], $0x1E0, $0x38;
	[tilespmem:$0x14C40] =	vst v63  }
0x2b9: {  	_ =	swait.ge [sflag:s6], $0x1E0  }
0x2ba: {  	s31 =	sld [smem:$0x7E8]  }
0x2bb: {  	[sflag:s6] =	ssyncset.done $0x0  }
0x2bc: {  	[sflag:s6] =	ssyncadd.s32 $0xFFFFFE20  }
0x2bd: {  	[tilespmem:s18], [sflag:$0x3] =	stream.linear.gather [hbm4b:s31+s2], $0x1E0, $0x38;
	[tilespmem:$0x14C40] =	vst v63  }
0x2be: {  	_ =	swait.ge [sflag:s6], $0x1E0  }
0x2bf: {  	[sflag:s6] =	ssyncset.done $0x0  }
0x2c0: {  	[sflag:s6] =	ssyncadd.s32 $0xFFFFFE20  }
0x2c1: {  	[tilespmem:s11], [sflag:$0x1] =	stream.indirect.gather [hbm4b:s3+s18], $0x40, s2, s18, $0xb8;
	[tilespmem:$0x14C40] =	vst v63  }
0x2c2: {  	_ = 	snop  }
0x2c3: {  	[tilespmem:s12], [sflag:$0x1] =	stream.indirect.gather [hbm4b:s4+s18], $0x8, s18, s18, $0xb8;
	[tilespmem:$0x14C40] =	vst v63  }
0x2c4: {  	_ =	swait.ge [sflag:s19], $0x7800  }
0x2c5: {  	[sflag:s19] =	ssyncset.done $0x0  }
0x2c6: {  	[sflag:s19] =	ssyncadd.s32 $0xFFFF8800  }
0x2c7: {  	_ =	swait.ge [sflag:s19], $0xF00  }
0x2c8: {  	s31 =	sld [smem:$0x7E9]  }
0x2c9: {  	[sflag:s19] =	ssyncset.done $0x0  }
0x2ca: {  	[sflag:s19] =	ssyncadd.s32 $0xFFFFF100  }
0x2cb: {  	[hbm4b:s31+s20] =	stream.strided.scatter [tilespmem:s11], [sflag:$0x3], $0x7800, s15, s20, $0x38;
	[tilespmem:$0x14C40] =	vst v63  }
0x2cc: {  	_ =	swait.ge [sflag:s6], $0x7800  }
0x2cd: {  	s31 =	sld [smem:$0x7EA]  }
0x2ce: {  	[sflag:s6] =	ssyncset.done $0x0  }
0x2cf: {  	[sflag:s6] =	ssyncadd.s32 $0xFFFF8800  }
0x2d0: {  	[hbm4b:s31+s16] =	stream.strided.scatter [tilespmem:s12], [sflag:$0x3], $0xF00, s15, s16, $0x38;
	[tilespmem:$0x14C40] =	vst v63  }
0x2d1: {  	_ =	swait.ge [sflag:s6], $0xF00  }
0x2d2: {  	s31 =	sld [smem:$0x7EB]  }
0x2d3: {  	[sflag:s6] =	ssyncset.done $0x0  }
0x2d4: {  	[sflag:s6] =	ssyncadd.s32 $0xFFFFF100  }
0x2d5: {  	[tilespmem:s2], [sflag:$0x3] =	stream.linear.gather [hbm4b:s31+s2], $0x1E0, $0x38;
	[tilespmem:$0x14C40] =	vst v63  }
0x2d6: {  	_ =	swait.ge [sflag:s6], $0x1E0  }
0x2d7: {  	s31 =	sld [smem:$0x7EC]  }
0x2d8: {  	[sflag:s6] =	ssyncset.done $0x0  }
0x2d9: {  	[sflag:s6] =	ssyncadd.s32 $0xFFFFFE20  }
0x2da: {  	[tilespmem:s18], [sflag:$0x3] =	stream.linear.gather [hbm4b:s31+s2], $0x1E0, $0x38;
	[tilespmem:$0x14C40] =	vst v63  }
0x2db: {  	_ =	swait.ge [sflag:s6], $0x1E0  }
0x2dc: {  	[sflag:s6] =	ssyncset.done $0x0  }
0x2dd: {  	[sflag:s6] =	ssyncadd.s32 $0xFFFFFE20  }
0x2de: {  	[tilespmem:s11], [sflag:$0x1] =	stream.indirect.gather [hbm4b:s3+s18], $0x40, s2, s18, $0xb8;
	[tilespmem:$0x14C40] =	vst v63  }
0x2df: {  	_ = 	snop  }
0x2e0: {  	[tilespmem:s12], [sflag:$0x1] =	stream.indirect.gather [hbm4b:s4+s18], $0x8, s18, s18, $0xb8;
	[tilespmem:$0x14C40] =	vst v63  }
0x2e1: {  	_ =	swait.ge [sflag:s19], $0x7800  }
0x2e2: {  	[sflag:s19] =	ssyncset.done $0x0  }
0x2e3: {  	[sflag:s19] =	ssyncadd.s32 $0xFFFF8800  }
0x2e4: {  	_ =	swait.ge [sflag:s19], $0xF00  }
0x2e5: {  	s31 =	sld [smem:$0x7ED]  }
0x2e6: {  	[sflag:s19] =	ssyncset.done $0x0  }
0x2e7: {  	[sflag:s19] =	ssyncadd.s32 $0xFFFFF100  }
0x2e8: {  	[hbm4b:s31+s20] =	stream.strided.scatter [tilespmem:s11], [sflag:$0x3], $0x7800, s15, s20, $0x38;
	[tilespmem:$0x14C40] =	vst v63  }
0x2e9: {  	_ =	swait.ge [sflag:s6], $0x7800  }
0x2ea: {  	s31 =	sld [smem:$0x7EE]  }
0x2eb: {  	[sflag:s6] =	ssyncset.done $0x0  }
0x2ec: {  	[sflag:s6] =	ssyncadd.s32 $0xFFFF8800  }
0x2ed: {  	[hbm4b:s31+s16] =	stream.strided.scatter [tilespmem:s12], [sflag:$0x3], $0xF00, s15, s16, $0x38;
	[tilespmem:$0x14C40] =	vst v63  }
0x2ee: {  	_ =	swait.ge [sflag:s6], $0xF00  }
0x2ef: {  	s31 =	sld [smem:$0x7EF]  }
0x2f0: {  	[sflag:s6] =	ssyncset.done $0x0  }
0x2f1: {  	[sflag:s6] =	ssyncadd.s32 $0xFFFFF100  }
0x2f2: {  	[tilespmem:s2], [sflag:$0x3] =	stream.linear.gather [hbm4b:s31+s2], $0x1E0, $0x38;
	[tilespmem:$0x14C40] =	vst v63  }
0x2f3: {  	_ =	swait.ge [sflag:s6], $0x1E0  }
0x2f4: {  	s31 =	sld [smem:$0x7F0]  }
0x2f5: {  	[sflag:s6] =	ssyncset.done $0x0  }
0x2f6: {  	[sflag:s6] =	ssyncadd.s32 $0xFFFFFE20  }
0x2f7: {  	[tilespmem:s18], [sflag:$0x3] =	stream.linear.gather [hbm4b:s31+s2], $0x1E0, $0x38;
	[tilespmem:$0x14C40] =	vst v63  }
0x2f8: {  	_ =	swait.ge [sflag:s6], $0x1E0  }
0x2f9: {  	[sflag:s6] =	ssyncset.done $0x0  }
0x2fa: {  	[sflag:s6] =	ssyncadd.s32 $0xFFFFFE20  }
0x2fb: {  	[tilespmem:s11], [sflag:$0x1] =	stream.indirect.gather [hbm4b:s3+s18], $0x40, s2, s18, $0xb8;
	[tilespmem:$0x14C40] =	vst v63  }
0x2fc: {  	_ = 	snop  }
0x2fd: {  	[tilespmem:s12], [sflag:$0x1] =	stream.indirect.gather [hbm4b:s4+s18], $0x8, s18, s18, $0xb8;
	[tilespmem:$0x14C40] =	vst v63  }
0x2fe: {  	_ =	swait.ge [sflag:s19], $0x7800  }
0x2ff: {  	[sflag:s19] =	ssyncset.done $0x0  }
0x300: {  	[sflag:s19] =	ssyncadd.s32 $0xFFFF8800  }
0x301: {  	_ =	swait.ge [sflag:s19], $0xF00  }
0x302: {  	s31 =	sld [smem:$0x7F1]  }
0x303: {  	[sflag:s19] =	ssyncset.done $0x0  }
0x304: {  	[sflag:s19] =	ssyncadd.s32 $0xFFFFF100  }
0x305: {  	[hbm4b:s31+s20] =	stream.strided.scatter [tilespmem:s11], [sflag:$0x3], $0x7800, s15, s20, $0x38;
	[tilespmem:$0x14C40] =	vst v63  }
0x306: {  	_ =	swait.ge [sflag:s6], $0x7800  }
0x307: {  	s31 =	sld [smem:$0x7F2]  }
0x308: {  	[sflag:s6] =	ssyncset.done $0x0  }
0x309: {  	[sflag:s6] =	ssyncadd.s32 $0xFFFF8800  }
0x30a: {  	[hbm4b:s31+s16] =	stream.strided.scatter [tilespmem:s12], [sflag:$0x3], $0xF00, s15, s16, $0x38;
	[tilespmem:$0x14C40] =	vst v63  }
0x30b: {  	_ =	swait.ge [sflag:s6], $0xF00  }
0x30c: {  	s31 =	sld [smem:$0x7F3]  }
0x30d: {  	[sflag:s6] =	ssyncset.done $0x0  }
0x30e: {  	[sflag:s6] =	ssyncadd.s32 $0xFFFFF100  }
0x30f: {  	[tilespmem:s2], [sflag:$0x3] =	stream.linear.gather [hbm4b:s31+s2], $0x1E0, $0x38;
	[tilespmem:$0x14C40] =	vst v63  }
0x310: {  	_ =	swait.ge [sflag:s6], $0x1E0  }
0x311: {  	s31 =	sld [smem:$0x7F4]  }
0x312: {  	[sflag:s6] =	ssyncset.done $0x0  }
0x313: {  	[sflag:s6] =	ssyncadd.s32 $0xFFFFFE20  }
0x314: {  	[tilespmem:s18], [sflag:$0x3] =	stream.linear.gather [hbm4b:s31+s2], $0x1E0, $0x38;
	[tilespmem:$0x14C40] =	vst v63  }
0x315: {  	_ =	swait.ge [sflag:s6], $0x1E0  }
0x316: {  	[sflag:s6] =	ssyncset.done $0x0  }
0x317: {  	[sflag:s6] =	ssyncadd.s32 $0xFFFFFE20  }
0x318: {  	[tilespmem:s11], [sflag:$0x1] =	stream.indirect.gather [hbm4b:s3+s18], $0x40, s2, s18, $0xb8;
	[tilespmem:$0x14C40] =	vst v63  }
0x319: {  	_ = 	snop  }
0x31a: {  	[tilespmem:s12], [sflag:$0x1] =	stream.indirect.gather [hbm4b:s4+s18], $0x8, s18, s18, $0xb8;
	[tilespmem:$0x14C40] =	vst v63  }
0x31b: {  	_ =	swait.ge [sflag:s19], $0x7800  }
0x31c: {  	[sflag:s19] =	ssyncset.done $0x0  }
0x31d: {  	[sflag:s19] =	ssyncadd.s32 $0xFFFF8800  }
0x31e: {  	_ =	swait.ge [sflag:s19], $0xF00  }
0x31f: {  	s31 =	sld [smem:$0x7F5]  }
0x320: {  	[sflag:s19] =	ssyncset.done $0x0  }
0x321: {  	[sflag:s19] =	ssyncadd.s32 $0xFFFFF100  }
0x322: {  	[hbm4b:s31+s20] =	stream.strided.scatter [tilespmem:s11], [sflag:$0x3], $0x7800, s15, s20, $0x38;
	[tilespmem:$0x14C40] =	vst v63  }
0x323: {  	_ =	swait.ge [sflag:s6], $0x7800  }
0x324: {  	s31 =	sld [smem:$0x7F6]  }
0x325: {  	[sflag:s6] =	ssyncset.done $0x0  }
0x326: {  	[sflag:s6] =	ssyncadd.s32 $0xFFFF8800  }
0x327: {  	[hbm4b:s31+s16] =	stream.strided.scatter [tilespmem:s12], [sflag:$0x3], $0xF00, s15, s16, $0x38;
	[tilespmem:$0x14C40] =	vst v63  }
0x328: {  	_ =	swait.ge [sflag:s6], $0xF00  }
0x329: {  	s31 =	sld [smem:$0x7F7]  }
0x32a: {  	[sflag:s6] =	ssyncset.done $0x0  }
0x32b: {  	[sflag:s6] =	ssyncadd.s32 $0xFFFFF100  }
0x32c: {  	[tilespmem:s2], [sflag:$0x3] =	stream.linear.gather [hbm4b:s31+s2], $0x1E0, $0x38;
	[tilespmem:$0x14C40] =	vst v63  }
0x32d: {  	_ =	swait.ge [sflag:s6], $0x1E0  }
0x32e: {  	s31 =	sld [smem:$0x7F8]  }
0x32f: {  	[sflag:s6] =	ssyncset.done $0x0  }
0x330: {  	[sflag:s6] =	ssyncadd.s32 $0xFFFFFE20  }
0x331: {  	[tilespmem:s18], [sflag:$0x3] =	stream.linear.gather [hbm4b:s31+s2], $0x1E0, $0x38;
	[tilespmem:$0x14C40] =	vst v63  }
0x332: {  	_ =	swait.ge [sflag:s6], $0x1E0  }
0x333: {  	[sflag:s6] =	ssyncset.done $0x0  }
0x334: {  	[sflag:s6] =	ssyncadd.s32 $0xFFFFFE20  }
0x335: {  	[tilespmem:s11], [sflag:$0x1] =	stream.indirect.gather [hbm4b:s3+s18], $0x40, s2, s18, $0xb8;
	[tilespmem:$0x14C40] =	vst v63  }
0x336: {  	_ = 	snop  }
0x337: {  	[tilespmem:s12], [sflag:$0x1] =	stream.indirect.gather [hbm4b:s4+s18], $0x8, s18, s18, $0xb8;
	[tilespmem:$0x14C40] =	vst v63  }
0x338: {  	_ =	swait.ge [sflag:s19], $0x7800  }
0x339: {  	[sflag:s19] =	ssyncset.done $0x0  }
0x33a: {  	[sflag:s19] =	ssyncadd.s32 $0xFFFF8800  }
0x33b: {  	_ =	swait.ge [sflag:s19], $0xF00  }
0x33c: {  	s31 =	sld [smem:$0x7F9]  }
0x33d: {  	[sflag:s19] =	ssyncset.done $0x0  }
0x33e: {  	[sflag:s19] =	ssyncadd.s32 $0xFFFFF100  }
0x33f: {  	[hbm4b:s31+s20] =	stream.strided.scatter [tilespmem:s11], [sflag:$0x3], $0x7800, s15, s20, $0x38;
	[tilespmem:$0x14C40] =	vst v63  }
0x340: {  	_ =	swait.ge [sflag:s6], $0x7800  }
0x341: {  	s31 =	sld [smem:$0x7FA]  }
0x342: {  	[sflag:s6] =	ssyncset.done $0x0  }
0x343: {  	[sflag:s6] =	ssyncadd.s32 $0xFFFF8800  }
0x344: {  	[hbm4b:s31+s16] =	stream.strided.scatter [tilespmem:s12], [sflag:$0x3], $0xF00, s15, s16, $0x38;
	[tilespmem:$0x14C40] =	vst v63  }
0x345: {  	_ =	swait.ge [sflag:s6], $0xF00  }
0x346: {  	s31 =	sld [smem:$0x7FB]  }
0x347: {  	[sflag:s6] =	ssyncset.done $0x0  }
0x348: {  	[sflag:s6] =	ssyncadd.s32 $0xFFFFF100  }
0x349: {  	[tilespmem:s2], [sflag:$0x3] =	stream.linear.gather [hbm4b:s31+s2], $0x1E0, $0x38;
	[tilespmem:$0x14C40] =	vst v63  }
0x34a: {  	_ =	swait.ge [sflag:s6], $0x1E0  }
0x34b: {  	s31 =	sld [smem:$0x7FC]  }
0x34c: {  	[sflag:s6] =	ssyncset.done $0x0  }
0x34d: {  	[sflag:s6] =	ssyncadd.s32 $0xFFFFFE20  }
0x34e: {  	[tilespmem:s18], [sflag:$0x3] =	stream.linear.gather [hbm4b:s31+s2], $0x1E0, $0x38;
	[tilespmem:$0x14C40] =	vst v63  }
0x34f: {  	_ =	swait.ge [sflag:s6], $0x1E0  }
0x350: {  	[sflag:s6] =	ssyncset.done $0x0  }
0x351: {  	[sflag:s6] =	ssyncadd.s32 $0xFFFFFE20  }
0x352: {  	[tilespmem:s11], [sflag:$0x1] =	stream.indirect.gather [hbm4b:s3+s18], $0x40, s2, s18, $0xb8;
	[tilespmem:$0x14C40] =	vst v63  }
0x353: {  	_ = 	snop  }
0x354: {  	[tilespmem:s12], [sflag:$0x1] =	stream.indirect.gather [hbm4b:s4+s18], $0x8, s18, s18, $0xb8;
	[tilespmem:$0x14C40] =	vst v63  }
0x355: {  	_ =	swait.ge [sflag:s19], $0x7800  }
0x356: {  	[sflag:s19] =	ssyncset.done $0x0  }
0x357: {  	[sflag:s19] =	ssyncadd.s32 $0xFFFF8800  }
0x358: {  	_ =	swait.ge [sflag:s19], $0xF00  }
0x359: {  	s31 =	sld [smem:$0x7FD]  }
0x35a: {  	[sflag:s19] =	ssyncset.done $0x0  }
0x35b: {  	[sflag:s19] =	ssyncadd.s32 $0xFFFFF100  }
0x35c: {  	[hbm4b:s31+s20] =	stream.strided.scatter [tilespmem:s11], [sflag:$0x3], $0x7800, s15, s20, $0x38;
	[tilespmem:$0x14C40] =	vst v63  }
0x35d: {  	_ =	swait.ge [sflag:s6], $0x7800  }
0x35e: {  	[sflag:s6] =	ssyncset.done $0x0  }
0x35f: {  	[sflag:s6] =	ssyncadd.s32 $0xFFFF8800  }
0x360: {  	[hbm4b:s30+s16] =	stream.strided.scatter [tilespmem:s12], [sflag:$0x3], $0xF00, s15, s16, $0x38;
	[tilespmem:$0x14C40] =	vst v63  }
0x361: {  	_ =	swait.ge [sflag:s6], $0xF00  }
0x362: {  	[sflag:s6] =	ssyncset.done $0x0  }
0x363: {  	[sflag:s6] =	ssyncadd.s32 $0xFFFFF100  }
0x364: {  	[tilespmem:s2], [sflag:$0x3] =	stream.linear.gather [hbm4b:s29+s2], $0x1E0, $0x38;
	[tilespmem:$0x14C40] =	vst v63  }
0x365: {  	_ =	swait.ge [sflag:s6], $0x1E0  }
0x366: {  	[sflag:s6] =	ssyncset.done $0x0  }
0x367: {  	[sflag:s6] =	ssyncadd.s32 $0xFFFFFE20  }
0x368: {  	[tilespmem:s18], [sflag:$0x3] =	stream.linear.gather [hbm4b:s28+s2], $0x1E0, $0x38;
	[tilespmem:$0x14C40] =	vst v63  }
0x369: {  	_ =	swait.ge [sflag:s6], $0x1E0  }
0x36a: {  	[sflag:s6] =	ssyncset.done $0x0  }
0x36b: {  	[sflag:s6] =	ssyncadd.s32 $0xFFFFFE20  }
0x36c: {  	[tilespmem:s11], [sflag:$0x1] =	stream.indirect.gather [hbm4b:s3+s18], $0x40, s2, s18, $0xb8;
	[tilespmem:$0x14C40] =	vst v63  }
0x36d: {  	_ = 	snop  }
0x36e: {  	[tilespmem:s12], [sflag:$0x1] =	stream.indirect.gather [hbm4b:s4+s18], $0x8, s18, s18, $0xb8;
	[tilespmem:$0x14C40] =	vst v63  }
0x36f: {  	_ =	swait.ge [sflag:s19], $0x7800  }
0x370: {  	[sflag:s19] =	ssyncset.done $0x0  }
0x371: {  	[sflag:s19] =	ssyncadd.s32 $0xFFFF8800  }
0x372: {  	_ =	swait.ge [sflag:s19], $0xF00  }
0x373: {  	[sflag:s19] =	ssyncset.done $0x0  }
0x374: {  	[sflag:s19] =	ssyncadd.s32 $0xFFFFF100  }
0x375: {  	[hbm4b:s26+s20] =	stream.strided.scatter [tilespmem:s11], [sflag:$0x3], $0x7800, s15, s20, $0x38;
	[tilespmem:$0x14C40] =	vst v63  }
0x376: {  	_ =	swait.ge [sflag:s6], $0x7800  }
0x377: {  	[sflag:s6] =	ssyncset.done $0x0  }
0x378: {  	[sflag:s6] =	ssyncadd.s32 $0xFFFF8800  }
0x379: {  	[hbm4b:s25+s16] =	stream.strided.scatter [tilespmem:s12], [sflag:$0x3], $0xF00, s15, s16, $0x38;
	[tilespmem:$0x14C40] =	vst v63  }
0x37a: {  	_ =	swait.ge [sflag:s6], $0xF00  }
0x37b: {  	[sflag:s6] =	ssyncset.done $0x0  }
0x37c: {  	[sflag:s6] =	ssyncadd.s32 $0xFFFFF100  }
0x37d: {  	[tilespmem:s2], [sflag:$0x3] =	stream.linear.gather [hbm4b:s24+s2], $0x1E0, $0x38;
	[tilespmem:$0x14C40] =	vst v63  }
0x37e: {  	_ =	swait.ge [sflag:s6], $0x1E0  }
0x37f: {  	[sflag:s6] =	ssyncset.done $0x0  }
0x380: {  	[sflag:s6] =	ssyncadd.s32 $0xFFFFFE20  }
0x381: {  	[tilespmem:s18], [sflag:$0x3] =	stream.linear.gather [hbm4b:s23+s2], $0x1E0, $0x38;
	[tilespmem:$0x14C40] =	vst v63  }
0x382: {  	_ =	swait.ge [sflag:s6], $0x1E0  }
0x383: {  	[sflag:s6] =	ssyncset.done $0x0  }
0x384: {  	[sflag:s6] =	ssyncadd.s32 $0xFFFFFE20  }
0x385: {  	[tilespmem:s11], [sflag:$0x1] =	stream.indirect.gather [hbm4b:s3+s18], $0x40, s2, s18, $0xb8;
	[tilespmem:$0x14C40] =	vst v63  }
0x386: {  	_ = 	snop  }
0x387: {  	[tilespmem:s12], [sflag:$0x1] =	stream.indirect.gather [hbm4b:s4+s18], $0x8, s18, s18, $0xb8;
	[tilespmem:$0x14C40] =	vst v63  }
0x388: {  	_ =	swait.ge [sflag:s19], $0x7800  }
0x389: {  	[sflag:s19] =	ssyncset.done $0x0  }
0x38a: {  	[sflag:s19] =	ssyncadd.s32 $0xFFFF8800  }
0x38b: {  	_ =	swait.ge [sflag:s19], $0xF00  }
0x38c: {  	[sflag:s19] =	ssyncset.done $0x0  }
0x38d: {  	[sflag:s19] =	ssyncadd.s32 $0xFFFFF100  }
0x38e: {  	[hbm4b:s22+s20] =	stream.strided.scatter [tilespmem:s11], [sflag:$0x3], $0x7800, s15, s20, $0x38;
	[tilespmem:$0x14C40] =	vst v63  }
0x38f: {  	_ =	swait.ge [sflag:s6], $0x7800  }
0x390: {  	[sflag:s6] =	ssyncset.done $0x0  }
0x391: {  	[sflag:s6] =	ssyncadd.s32 $0xFFFF8800  }
0x392: {  	[hbm4b:s21+s16] =	stream.strided.scatter [tilespmem:s12], [sflag:$0x3], $0xF00, s15, s16, $0x38;
	[tilespmem:$0x14C40] =	vst v63  }
0x393: {  	_ =	swait.ge [sflag:s6], $0xF00  }
0x394: {  	[sflag:s6] =	ssyncset.done $0x0  }
0x395: {  	[sflag:s6] =	ssyncadd.s32 $0xFFFFF100  }
0x396: {  	[tilespmem:s2], [sflag:$0x3] =	stream.linear.gather [hbm4b:s17+s2], $0x1E0, $0x38;
	[tilespmem:$0x14C40] =	vst v63  }
0x397: {  	_ =	swait.ge [sflag:s6], $0x1E0  }
0x398: {  	[sflag:s6] =	ssyncset.done $0x0  }
0x399: {  	[sflag:s6] =	ssyncadd.s32 $0xFFFFFE20  }
0x39a: {  	[tilespmem:s18], [sflag:$0x3] =	stream.linear.gather [hbm4b:s14+s2], $0x1E0, $0x38;
	[tilespmem:$0x14C40] =	vst v63  }
0x39b: {  	_ =	swait.ge [sflag:s6], $0x1E0  }
0x39c: {  	[sflag:s6] =	ssyncset.done $0x0  }
0x39d: {  	[sflag:s6] =	ssyncadd.s32 $0xFFFFFE20  }
0x39e: {  	[tilespmem:s11], [sflag:$0x1] =	stream.indirect.gather [hbm4b:s3+s18], $0x40, s2, s18, $0xb8;
	[tilespmem:$0x14C40] =	vst v63  }
0x39f: {  	_ = 	snop  }
0x3a0: {  	[tilespmem:s12], [sflag:$0x1] =	stream.indirect.gather [hbm4b:s4+s18], $0x8, s18, s18, $0xb8;
	[tilespmem:$0x14C40] =	vst v63  }
0x3a1: {  	_ =	swait.ge [sflag:s19], $0x7800  }
0x3a2: {  	[sflag:s19] =	ssyncset.done $0x0  }
0x3a3: {  	[sflag:s19] =	ssyncadd.s32 $0xFFFF8800  }
0x3a4: {  	_ =	swait.ge [sflag:s19], $0xF00  }
0x3a5: {  	[sflag:s19] =	ssyncset.done $0x0  }
0x3a6: {  	[sflag:s19] =	ssyncadd.s32 $0xFFFFF100  }
0x3a7: {  	[hbm4b:s13+s20] =	stream.strided.scatter [tilespmem:s11], [sflag:$0x3], $0x7800, s15, s20, $0x38;
	[tilespmem:$0x14C40] =	vst v63  }
0x3a8: {  	_ =	swait.ge [sflag:s6], $0x7800  }
0x3a9: {  	[sflag:s6] =	ssyncset.done $0x0  }
0x3aa: {  	[sflag:s6] =	ssyncadd.s32 $0xFFFF8800  }
0x3ab: {  	[hbm4b:s9+s16] =	stream.strided.scatter [tilespmem:s12], [sflag:$0x3], $0xF00, s15, s16, $0x38;
	[tilespmem:$0x14C40] =	vst v63  }
0x3ac: {  	_ =	swait.ge [sflag:s6], $0xF00  }
0x3ad: {  	[sflag:s6] =	ssyncset.done $0x0  }
0x3ae: {  	[sflag:s6] =	ssyncadd.s32 $0xFFFFF100  }
0x3af: {  	p1 =	sne.s32 s1, $0x1;
	_ =	swait.ge [sflag:s10], $0xC000  }
.Ltmp2:
0x3b0: {  	[sflag:s10] =	ssyncset.done $0x0;
	(pc) =	sbr.rel @p1 .LBB2_4-.Ltmp2, $4  }
0x3b1: {  	[sflag:s10] =	ssyncadd.s32 $0xFFFF4000  }
0x3b2: {  	[hbm4b:s5+s2] =	stream.linear.scatter [tilespmem:s8], [sflag:$0x3], $0xC000, $0x38;
	[tilespmem:$0x14C40] =	vst v63  }
0x3b3: {  	_ =	swait.ge [sflag:s6], $0xC000  }
0x3b4: {  	s1 =	sadd.s32 $0xFFFFFFFF, s1;
	s0 =	rddreg [dreg:$0x5];
	[sflag:s6] =	ssyncset.done $0x0  }
0x3b5: {  	s31 =	simm.s32 $0x180;
	s7 =	simm.s32 $0x8C40;
	s8 =	simm.s32 $0x8AC0  }
.LBB2_6:
0x3b6: {  	[sflag:s6] =	ssyncadd.s32 @p0 $0xFFFF4000  }
0x3b7: {  	[tilespmem:s8], [sflag:$0x3] =	stream.linear.gather [hbm4b:s0+s2], $0x180, $0x38;
	[tilespmem:$0x14C40] =	vst v63  }
0x3b8: {  	_ =	swait.ge [sflag:s6], $0x180  }
0x3b9: {  	[sflag:s6] =	ssyncset.done $0x0  }
0x3ba: {  	s0 =	rddreg [dreg:$0x4];
	[sflag:s6] =	ssyncadd.s32 $0xFFFFFE80  }
0x3bb: {  	[tilespmem:s7], [sflag:$0x2] =	stream.indirect.gather [hbm4b:s0+s31], $0x80, s8, s31, $0xb8;
	[tilespmem:$0x14C40] =	vst v63  }
0x3bc: {  	s1 =	rddreg [dreg:$0x6]  }
0x3bd: {  	[tilespmem:s2], [sflag:$0x3] =	stream.linear.gather [hbm4b:s1+s2], $0x1E0, $0x38;
	[tilespmem:$0x14C40] =	vst v63  }
0x3be: {  	_ =	swait.ge [sflag:s6], $0x1E0  }
0x3bf: {  	[sflag:s6] =	ssyncset.done $0x0  }
0x3c0: {  	s1 =	rddreg [dreg:$0x7];
	[sflag:s6] =	ssyncadd.s32 $0xFFFFFE20  }
0x3c1: {  	[tilespmem:s18], [sflag:$0x3] =	stream.linear.gather [hbm4b:s1+s2], $0x1E0, $0x38;
	[tilespmem:$0x14C40] =	vst v63  }
0x3c2: {  	_ =	swait.ge [sflag:s6], $0x1E0  }
0x3c3: {  	[sflag:s6] =	ssyncset.done $0x0  }
0x3c4: {  	[sflag:s6] =	ssyncadd.s32 $0xFFFFFE20  }
0x3c5: {  	[tilespmem:s11], [sflag:$0x1] =	stream.indirect.gather [hbm4b:s3+s18], $0x40, s2, s18, $0xb8;
	[tilespmem:$0x14C40] =	vst v63  }
0x3c6: {  	_ = 	snop  }
0x3c7: {  	[tilespmem:s12], [sflag:$0x1] =	stream.indirect.gather [hbm4b:s4+s18], $0x8, s18, s18, $0xb8;
	[tilespmem:$0x14C40] =	vst v63  }
0x3c8: {  	_ =	swait.ge [sflag:s19], $0x7800  }
0x3c9: {  	[sflag:s19] =	ssyncset.done $0x0  }
0x3ca: {  	[sflag:s19] =	ssyncadd.s32 $0xFFFF8800  }
0x3cb: {  	_ =	swait.ge [sflag:s19], $0xF00  }
0x3cc: {  	[sflag:s19] =	ssyncset.done $0x0  }
0x3cd: {  	s8 =	rddreg [dreg:$0x8];
	[sflag:s19] =	ssyncadd.s32 $0xFFFFF100  }
0x3ce: {  	[hbm4b:s8+s20] =	stream.strided.scatter [tilespmem:s11], [sflag:$0x3], $0x7800, s15, s20, $0x38;
	[tilespmem:$0x14C40] =	vst v63  }
0x3cf: {  	_ =	swait.ge [sflag:s6], $0x7800  }
0x3d0: {  	[sflag:s6] =	ssyncset.done $0x0  }
0x3d1: {  	s31 =	rddreg [dreg:$0x9];
	[sflag:s6] =	ssyncadd.s32 $0xFFFF8800  }
0x3d2: {  	[hbm4b:s31+s16] =	stream.strided.scatter [tilespmem:s12], [sflag:$0x3], $0xF00, s15, s16, $0x38;
	[tilespmem:$0x14C40] =	vst v63  }
0x3d3: {  	_ =	swait.ge [sflag:s6], $0xF00  }
0x3d4: {  	[sflag:s6] =	ssyncset.done $0x0  }
0x3d5: {  	s1 =	rddreg [dreg:$0xa];
	[sflag:s6] =	ssyncadd.s32 $0xFFFFF100  }
0x3d6: {  	[tilespmem:s2], [sflag:$0x3] =	stream.linear.gather [hbm4b:s1+s2], $0x1E0, $0x38;
	[tilespmem:$0x14C40] =	vst v63  }
0x3d7: {  	_ =	swait.ge [sflag:s6], $0x1E0  }
0x3d8: {  	[sflag:s6] =	ssyncset.done $0x0  }
0x3d9: {  	s8 =	rddreg [dreg:$0xb];
	[sflag:s6] =	ssyncadd.s32 $0xFFFFFE20  }
0x3da: {  	[tilespmem:s18], [sflag:$0x3] =	stream.linear.gather [hbm4b:s8+s2], $0x1E0, $0x38;
	[tilespmem:$0x14C40] =	vst v63  }
0x3db: {  	_ =	swait.ge [sflag:s6], $0x1E0  }
0x3dc: {  	[sflag:s6] =	ssyncset.done $0x0  }
0x3dd: {  	[sflag:s6] =	ssyncadd.s32 $0xFFFFFE20  }
0x3de: {  	[tilespmem:s11], [sflag:$0x1] =	stream.indirect.gather [hbm4b:s3+s18], $0x40, s2, s18, $0xb8;
	[tilespmem:$0x14C40] =	vst v63  }
0x3df: {  	_ = 	snop  }
0x3e0: {  	[tilespmem:s12], [sflag:$0x1] =	stream.indirect.gather [hbm4b:s4+s18], $0x8, s18, s18, $0xb8;
	[tilespmem:$0x14C40] =	vst v63  }
0x3e1: {  	_ =	swait.ge [sflag:s19], $0x7800  }
0x3e2: {  	[sflag:s19] =	ssyncset.done $0x0  }
0x3e3: {  	[sflag:s19] =	ssyncadd.s32 $0xFFFF8800  }
0x3e4: {  	_ =	swait.ge [sflag:s19], $0xF00  }
0x3e5: {  	[sflag:s19] =	ssyncset.done $0x0  }
0x3e6: {  	s31 =	rddreg [dreg:$0xc];
	[sflag:s19] =	ssyncadd.s32 $0xFFFFF100  }
0x3e7: {  	[hbm4b:s31+s20] =	stream.strided.scatter [tilespmem:s11], [sflag:$0x3], $0x7800, s15, s20, $0x38;
	[tilespmem:$0x14C40] =	vst v63  }
0x3e8: {  	_ =	swait.ge [sflag:s6], $0x7800  }
0x3e9: {  	[sflag:s6] =	ssyncset.done $0x0  }
0x3ea: {  	s1 =	rddreg [dreg:$0xd];
	[sflag:s6] =	ssyncadd.s32 $0xFFFF8800  }
0x3eb: {  	[hbm4b:s1+s16] =	stream.strided.scatter [tilespmem:s12], [sflag:$0x3], $0xF00, s15, s16, $0x38;
	[tilespmem:$0x14C40] =	vst v63  }
0x3ec: {  	_ =	swait.ge [sflag:s6], $0xF00  }
0x3ed: {  	[sflag:s6] =	ssyncset.done $0x0  }
0x3ee: {  	s8 =	rddreg [dreg:$0xe];
	[sflag:s6] =	ssyncadd.s32 $0xFFFFF100  }
0x3ef: {  	[tilespmem:s2], [sflag:$0x3] =	stream.linear.gather [hbm4b:s8+s2], $0x1E0, $0x38;
	[tilespmem:$0x14C40] =	vst v63  }
0x3f0: {  	_ =	swait.ge [sflag:s6], $0x1E0  }
0x3f1: {  	[sflag:s6] =	ssyncset.done $0x0  }
0x3f2: {  	s31 =	rddreg [dreg:$0xf];
	[sflag:s6] =	ssyncadd.s32 $0xFFFFFE20  }
0x3f3: {  	[tilespmem:s18], [sflag:$0x3] =	stream.linear.gather [hbm4b:s31+s2], $0x1E0, $0x38;
	[tilespmem:$0x14C40] =	vst v63  }
0x3f4: {  	_ =	swait.ge [sflag:s6], $0x1E0  }
0x3f5: {  	[sflag:s6] =	ssyncset.done $0x0  }
0x3f6: {  	[sflag:s6] =	ssyncadd.s32 $0xFFFFFE20  }
0x3f7: {  	[tilespmem:s11], [sflag:$0x1] =	stream.indirect.gather [hbm4b:s3+s18], $0x40, s2, s18, $0xb8;
	[tilespmem:$0x14C40] =	vst v63  }
0x3f8: {  	_ = 	snop  }
0x3f9: {  	[tilespmem:s12], [sflag:$0x1] =	stream.indirect.gather [hbm4b:s4+s18], $0x8, s18, s18, $0xb8;
	[tilespmem:$0x14C40] =	vst v63  }
0x3fa: {  	_ =	swait.ge [sflag:s19], $0x7800  }
0x3fb: {  	[sflag:s19] =	ssyncset.done $0x0  }
0x3fc: {  	[sflag:s19] =	ssyncadd.s32 $0xFFFF8800  }
0x3fd: {  	_ =	swait.ge [sflag:s19], $0xF00  }
0x3fe: {  	[sflag:s19] =	ssyncset.done $0x0  }
0x3ff: {  	s1 =	rddreg [dreg:$0x10];
	[sflag:s19] =	ssyncadd.s32 $0xFFFFF100  }
0x400: {  	[hbm4b:s1+s20] =	stream.strided.scatter [tilespmem:s11], [sflag:$0x3], $0x7800, s15, s20, $0x38;
	[tilespmem:$0x14C40] =	vst v63  }
0x401: {  	_ =	swait.ge [sflag:s6], $0x7800  }
0x402: {  	[sflag:s6] =	ssyncset.done $0x0  }
0x403: {  	s8 =	rddreg [dreg:$0x11];
	[sflag:s6] =	ssyncadd.s32 $0xFFFF8800  }
0x404: {  	[hbm4b:s8+s16] =	stream.strided.scatter [tilespmem:s12], [sflag:$0x3], $0xF00, s15, s16, $0x38;
	[tilespmem:$0x14C40] =	vst v63  }
0x405: {  	_ =	swait.ge [sflag:s6], $0xF00  }
0x406: {  	[sflag:s6] =	ssyncset.done $0x0  }
0x407: {  	s31 =	rddreg [dreg:$0x12];
	[sflag:s6] =	ssyncadd.s32 $0xFFFFF100  }
0x408: {  	[tilespmem:s2], [sflag:$0x3] =	stream.linear.gather [hbm4b:s31+s2], $0x1E0, $0x38;
	[tilespmem:$0x14C40] =	vst v63  }
0x409: {  	_ =	swait.ge [sflag:s6], $0x1E0  }
0x40a: {  	[sflag:s6] =	ssyncset.done $0x0  }
0x40b: {  	s1 =	rddreg [dreg:$0x13];
	[sflag:s6] =	ssyncadd.s32 $0xFFFFFE20  }
0x40c: {  	[tilespmem:s18], [sflag:$0x3] =	stream.linear.gather [hbm4b:s1+s2], $0x1E0, $0x38;
	[tilespmem:$0x14C40] =	vst v63  }
0x40d: {  	_ =	swait.ge [sflag:s6], $0x1E0  }
0x40e: {  	[sflag:s6] =	ssyncset.done $0x0  }
0x40f: {  	[sflag:s6] =	ssyncadd.s32 $0xFFFFFE20  }
0x410: {  	[tilespmem:s11], [sflag:$0x1] =	stream.indirect.gather [hbm4b:s3+s18], $0x40, s2, s18, $0xb8;
	[tilespmem:$0x14C40] =	vst v63  }
0x411: {  	_ = 	snop  }
0x412: {  	[tilespmem:s12], [sflag:$0x1] =	stream.indirect.gather [hbm4b:s4+s18], $0x8, s18, s18, $0xb8;
	[tilespmem:$0x14C40] =	vst v63  }
0x413: {  	_ =	swait.ge [sflag:s19], $0x7800  }
0x414: {  	[sflag:s19] =	ssyncset.done $0x0  }
0x415: {  	[sflag:s19] =	ssyncadd.s32 $0xFFFF8800  }
0x416: {  	_ =	swait.ge [sflag:s19], $0xF00  }
0x417: {  	[sflag:s19] =	ssyncset.done $0x0  }
0x418: {  	s8 =	rddreg [dreg:$0x14];
	[sflag:s19] =	ssyncadd.s32 $0xFFFFF100  }
0x419: {  	[hbm4b:s8+s20] =	stream.strided.scatter [tilespmem:s11], [sflag:$0x3], $0x7800, s15, s20, $0x38;
	[tilespmem:$0x14C40] =	vst v63  }
0x41a: {  	_ =	swait.ge [sflag:s6], $0x7800  }
0x41b: {  	[sflag:s6] =	ssyncset.done $0x0  }
0x41c: {  	s31 =	rddreg [dreg:$0x15];
	[sflag:s6] =	ssyncadd.s32 $0xFFFF8800  }
0x41d: {  	[hbm4b:s31+s16] =	stream.strided.scatter [tilespmem:s12], [sflag:$0x3], $0xF00, s15, s16, $0x38;
	[tilespmem:$0x14C40] =	vst v63  }
0x41e: {  	_ =	swait.ge [sflag:s6], $0xF00  }
0x41f: {  	[sflag:s6] =	ssyncset.done $0x0  }
0x420: {  	s1 =	rddreg [dreg:$0x16];
	[sflag:s6] =	ssyncadd.s32 $0xFFFFF100  }
0x421: {  	[tilespmem:s2], [sflag:$0x3] =	stream.linear.gather [hbm4b:s1+s2], $0x1E0, $0x38;
	[tilespmem:$0x14C40] =	vst v63  }
0x422: {  	_ =	swait.ge [sflag:s6], $0x1E0  }
0x423: {  	[sflag:s6] =	ssyncset.done $0x0  }
0x424: {  	s8 =	rddreg [dreg:$0x17];
	[sflag:s6] =	ssyncadd.s32 $0xFFFFFE20  }
0x425: {  	[tilespmem:s18], [sflag:$0x3] =	stream.linear.gather [hbm4b:s8+s2], $0x1E0, $0x38;
	[tilespmem:$0x14C40] =	vst v63  }
0x426: {  	_ =	swait.ge [sflag:s6], $0x1E0  }
0x427: {  	[sflag:s6] =	ssyncset.done $0x0  }
0x428: {  	[sflag:s6] =	ssyncadd.s32 $0xFFFFFE20  }
0x429: {  	[tilespmem:s11], [sflag:$0x1] =	stream.indirect.gather [hbm4b:s3+s18], $0x40, s2, s18, $0xb8;
	[tilespmem:$0x14C40] =	vst v63  }
0x42a: {  	_ = 	snop  }
0x42b: {  	[tilespmem:s12], [sflag:$0x1] =	stream.indirect.gather [hbm4b:s4+s18], $0x8, s18, s18, $0xb8;
	[tilespmem:$0x14C40] =	vst v63  }
0x42c: {  	_ =	swait.ge [sflag:s19], $0x7800  }
0x42d: {  	[sflag:s19] =	ssyncset.done $0x0  }
0x42e: {  	[sflag:s19] =	ssyncadd.s32 $0xFFFF8800  }
0x42f: {  	_ =	swait.ge [sflag:s19], $0xF00  }
0x430: {  	[sflag:s19] =	ssyncset.done $0x0  }
0x431: {  	s31 =	rddreg [dreg:$0x18];
	[sflag:s19] =	ssyncadd.s32 $0xFFFFF100  }
0x432: {  	[hbm4b:s31+s20] =	stream.strided.scatter [tilespmem:s11], [sflag:$0x3], $0x7800, s15, s20, $0x38;
	[tilespmem:$0x14C40] =	vst v63  }
0x433: {  	_ =	swait.ge [sflag:s6], $0x7800  }
0x434: {  	[sflag:s6] =	ssyncset.done $0x0  }
0x435: {  	s1 =	rddreg [dreg:$0x19];
	[sflag:s6] =	ssyncadd.s32 $0xFFFF8800  }
0x436: {  	[hbm4b:s1+s16] =	stream.strided.scatter [tilespmem:s12], [sflag:$0x3], $0xF00, s15, s16, $0x38;
	[tilespmem:$0x14C40] =	vst v63  }
0x437: {  	_ =	swait.ge [sflag:s6], $0xF00  }
0x438: {  	[sflag:s6] =	ssyncset.done $0x0  }
0x439: {  	s8 =	rddreg [dreg:$0x1a];
	[sflag:s6] =	ssyncadd.s32 $0xFFFFF100  }
0x43a: {  	[tilespmem:s2], [sflag:$0x3] =	stream.linear.gather [hbm4b:s8+s2], $0x1E0, $0x38;
	[tilespmem:$0x14C40] =	vst v63  }
0x43b: {  	_ =	swait.ge [sflag:s6], $0x1E0  }
0x43c: {  	[sflag:s6] =	ssyncset.done $0x0  }
0x43d: {  	s31 =	rddreg [dreg:$0x1b];
	[sflag:s6] =	ssyncadd.s32 $0xFFFFFE20  }
0x43e: {  	[tilespmem:s18], [sflag:$0x3] =	stream.linear.gather [hbm4b:s31+s2], $0x1E0, $0x38;
	[tilespmem:$0x14C40] =	vst v63  }
0x43f: {  	_ =	swait.ge [sflag:s6], $0x1E0  }
0x440: {  	[sflag:s6] =	ssyncset.done $0x0  }
0x441: {  	[sflag:s6] =	ssyncadd.s32 $0xFFFFFE20  }
0x442: {  	[tilespmem:s11], [sflag:$0x1] =	stream.indirect.gather [hbm4b:s3+s18], $0x40, s2, s18, $0xb8;
	[tilespmem:$0x14C40] =	vst v63  }
0x443: {  	_ = 	snop  }
0x444: {  	[tilespmem:s12], [sflag:$0x1] =	stream.indirect.gather [hbm4b:s4+s18], $0x8, s18, s18, $0xb8;
	[tilespmem:$0x14C40] =	vst v63  }
0x445: {  	_ =	swait.ge [sflag:s19], $0x7800  }
0x446: {  	[sflag:s19] =	ssyncset.done $0x0  }
0x447: {  	[sflag:s19] =	ssyncadd.s32 $0xFFFF8800  }
0x448: {  	_ =	swait.ge [sflag:s19], $0xF00  }
0x449: {  	[sflag:s19] =	ssyncset.done $0x0  }
0x44a: {  	s1 =	rddreg [dreg:$0x1c];
	[sflag:s19] =	ssyncadd.s32 $0xFFFFF100  }
0x44b: {  	[hbm4b:s1+s20] =	stream.strided.scatter [tilespmem:s11], [sflag:$0x3], $0x7800, s15, s20, $0x38;
	[tilespmem:$0x14C40] =	vst v63  }
0x44c: {  	_ =	swait.ge [sflag:s6], $0x7800  }
0x44d: {  	[sflag:s6] =	ssyncset.done $0x0  }
0x44e: {  	s8 =	rddreg [dreg:$0x1d];
	[sflag:s6] =	ssyncadd.s32 $0xFFFF8800  }
0x44f: {  	[hbm4b:s8+s16] =	stream.strided.scatter [tilespmem:s12], [sflag:$0x3], $0xF00, s15, s16, $0x38;
	[tilespmem:$0x14C40] =	vst v63  }
0x450: {  	_ =	swait.ge [sflag:s6], $0xF00  }
0x451: {  	[sflag:s6] =	ssyncset.done $0x0  }
0x452: {  	s31 =	rddreg [dreg:$0x1e];
	[sflag:s6] =	ssyncadd.s32 $0xFFFFF100  }
0x453: {  	[tilespmem:s2], [sflag:$0x3] =	stream.linear.gather [hbm4b:s31+s2], $0x1E0, $0x38;
	[tilespmem:$0x14C40] =	vst v63  }
0x454: {  	_ =	swait.ge [sflag:s6], $0x1E0  }
0x455: {  	[sflag:s6] =	ssyncset.done $0x0  }
0x456: {  	s1 =	rddreg [dreg:$0x1f];
	[sflag:s6] =	ssyncadd.s32 $0xFFFFFE20  }
0x457: {  	[tilespmem:s18], [sflag:$0x3] =	stream.linear.gather [hbm4b:s1+s2], $0x1E0, $0x38;
	[tilespmem:$0x14C40] =	vst v63  }
0x458: {  	_ =	swait.ge [sflag:s6], $0x1E0  }
0x459: {  	[sflag:s6] =	ssyncset.done $0x0  }
0x45a: {  	[sflag:s6] =	ssyncadd.s32 $0xFFFFFE20  }
0x45b: {  	[tilespmem:s11], [sflag:$0x1] =	stream.indirect.gather [hbm4b:s3+s18], $0x40, s2, s18, $0xb8;
	[tilespmem:$0x14C40] =	vst v63  }
0x45c: {  	_ = 	snop  }
0x45d: {  	[tilespmem:s12], [sflag:$0x1] =	stream.indirect.gather [hbm4b:s4+s18], $0x8, s18, s18, $0xb8;
	[tilespmem:$0x14C40] =	vst v63  }
0x45e: {  	_ =	swait.ge [sflag:s19], $0x7800  }
0x45f: {  	[sflag:s19] =	ssyncset.done $0x0  }
0x460: {  	[sflag:s19] =	ssyncadd.s32 $0xFFFF8800  }
0x461: {  	_ =	swait.ge [sflag:s19], $0xF00  }
0x462: {  	s8 =	sld [smem:$0x7E5]  }
0x463: {  	[sflag:s19] =	ssyncset.done $0x0  }
0x464: {  	[sflag:s19] =	ssyncadd.s32 $0xFFFFF100  }
0x465: {  	[hbm4b:s8+s20] =	stream.strided.scatter [tilespmem:s11], [sflag:$0x3], $0x7800, s15, s20, $0x38;
	[tilespmem:$0x14C40] =	vst v63  }
0x466: {  	_ =	swait.ge [sflag:s6], $0x7800  }
0x467: {  	s31 =	sld [smem:$0x7E6]  }
0x468: {  	[sflag:s6] =	ssyncset.done $0x0  }
0x469: {  	[sflag:s6] =	ssyncadd.s32 $0xFFFF8800  }
0x46a: {  	[hbm4b:s31+s16] =	stream.strided.scatter [tilespmem:s12], [sflag:$0x3], $0xF00, s15, s16, $0x38;
	[tilespmem:$0x14C40] =	vst v63  }
0x46b: {  	_ =	swait.ge [sflag:s6], $0xF00  }
0x46c: {  	s1 =	sld [smem:$0x7E7]  }
0x46d: {  	[sflag:s6] =	ssyncset.done $0x0  }
0x46e: {  	[sflag:s6] =	ssyncadd.s32 $0xFFFFF100  }
0x46f: {  	[tilespmem:s2], [sflag:$0x3] =	stream.linear.gather [hbm4b:s1+s2], $0x1E0, $0x38;
	[tilespmem:$0x14C40] =	vst v63  }
0x470: {  	_ =	swait.ge [sflag:s6], $0x1E0  }
0x471: {  	s8 =	sld [smem:$0x7E8]  }
0x472: {  	[sflag:s6] =	ssyncset.done $0x0  }
0x473: {  	[sflag:s6] =	ssyncadd.s32 $0xFFFFFE20  }
0x474: {  	[tilespmem:s18], [sflag:$0x3] =	stream.linear.gather [hbm4b:s8+s2], $0x1E0, $0x38;
	[tilespmem:$0x14C40] =	vst v63  }
0x475: {  	_ =	swait.ge [sflag:s6], $0x1E0  }
0x476: {  	[sflag:s6] =	ssyncset.done $0x0  }
0x477: {  	[sflag:s6] =	ssyncadd.s32 $0xFFFFFE20  }
0x478: {  	[tilespmem:s11], [sflag:$0x1] =	stream.indirect.gather [hbm4b:s3+s18], $0x40, s2, s18, $0xb8;
	[tilespmem:$0x14C40] =	vst v63  }
0x479: {  	_ = 	snop  }
0x47a: {  	[tilespmem:s12], [sflag:$0x1] =	stream.indirect.gather [hbm4b:s4+s18], $0x8, s18, s18, $0xb8;
	[tilespmem:$0x14C40] =	vst v63  }
0x47b: {  	_ =	swait.ge [sflag:s19], $0x7800  }
0x47c: {  	[sflag:s19] =	ssyncset.done $0x0  }
0x47d: {  	[sflag:s19] =	ssyncadd.s32 $0xFFFF8800  }
0x47e: {  	_ =	swait.ge [sflag:s19], $0xF00  }
0x47f: {  	s31 =	sld [smem:$0x7E9]  }
0x480: {  	[sflag:s19] =	ssyncset.done $0x0  }
0x481: {  	[sflag:s19] =	ssyncadd.s32 $0xFFFFF100  }
0x482: {  	[hbm4b:s31+s20] =	stream.strided.scatter [tilespmem:s11], [sflag:$0x3], $0x7800, s15, s20, $0x38;
	[tilespmem:$0x14C40] =	vst v63  }
0x483: {  	_ =	swait.ge [sflag:s6], $0x7800  }
0x484: {  	s1 =	sld [smem:$0x7EA]  }
0x485: {  	[sflag:s6] =	ssyncset.done $0x0  }
0x486: {  	[sflag:s6] =	ssyncadd.s32 $0xFFFF8800  }
0x487: {  	[hbm4b:s1+s16] =	stream.strided.scatter [tilespmem:s12], [sflag:$0x3], $0xF00, s15, s16, $0x38;
	[tilespmem:$0x14C40] =	vst v63  }
0x488: {  	_ =	swait.ge [sflag:s6], $0xF00  }
0x489: {  	s8 =	sld [smem:$0x7EB]  }
0x48a: {  	[sflag:s6] =	ssyncset.done $0x0  }
0x48b: {  	[sflag:s6] =	ssyncadd.s32 $0xFFFFF100  }
0x48c: {  	[tilespmem:s2], [sflag:$0x3] =	stream.linear.gather [hbm4b:s8+s2], $0x1E0, $0x38;
	[tilespmem:$0x14C40] =	vst v63  }
0x48d: {  	_ =	swait.ge [sflag:s6], $0x1E0  }
0x48e: {  	s31 =	sld [smem:$0x7EC]  }
0x48f: {  	[sflag:s6] =	ssyncset.done $0x0  }
0x490: {  	[sflag:s6] =	ssyncadd.s32 $0xFFFFFE20  }
0x491: {  	[tilespmem:s18], [sflag:$0x3] =	stream.linear.gather [hbm4b:s31+s2], $0x1E0, $0x38;
	[tilespmem:$0x14C40] =	vst v63  }
0x492: {  	_ =	swait.ge [sflag:s6], $0x1E0  }
0x493: {  	[sflag:s6] =	ssyncset.done $0x0  }
0x494: {  	[sflag:s6] =	ssyncadd.s32 $0xFFFFFE20  }
0x495: {  	[tilespmem:s11], [sflag:$0x1] =	stream.indirect.gather [hbm4b:s3+s18], $0x40, s2, s18, $0xb8;
	[tilespmem:$0x14C40] =	vst v63  }
0x496: {  	_ = 	snop  }
0x497: {  	[tilespmem:s12], [sflag:$0x1] =	stream.indirect.gather [hbm4b:s4+s18], $0x8, s18, s18, $0xb8;
	[tilespmem:$0x14C40] =	vst v63  }
0x498: {  	_ =	swait.ge [sflag:s19], $0x7800  }
0x499: {  	[sflag:s19] =	ssyncset.done $0x0  }
0x49a: {  	[sflag:s19] =	ssyncadd.s32 $0xFFFF8800  }
0x49b: {  	_ =	swait.ge [sflag:s19], $0xF00  }
0x49c: {  	s1 =	sld [smem:$0x7ED]  }
0x49d: {  	[sflag:s19] =	ssyncset.done $0x0  }
0x49e: {  	[sflag:s19] =	ssyncadd.s32 $0xFFFFF100  }
0x49f: {  	[hbm4b:s1+s20] =	stream.strided.scatter [tilespmem:s11], [sflag:$0x3], $0x7800, s15, s20, $0x38;
	[tilespmem:$0x14C40] =	vst v63  }
0x4a0: {  	_ =	swait.ge [sflag:s6], $0x7800  }
0x4a1: {  	s8 =	sld [smem:$0x7EE]  }
0x4a2: {  	[sflag:s6] =	ssyncset.done $0x0  }
0x4a3: {  	[sflag:s6] =	ssyncadd.s32 $0xFFFF8800  }
0x4a4: {  	[hbm4b:s8+s16] =	stream.strided.scatter [tilespmem:s12], [sflag:$0x3], $0xF00, s15, s16, $0x38;
	[tilespmem:$0x14C40] =	vst v63  }
0x4a5: {  	_ =	swait.ge [sflag:s6], $0xF00  }
0x4a6: {  	s31 =	sld [smem:$0x7EF]  }
0x4a7: {  	[sflag:s6] =	ssyncset.done $0x0  }
0x4a8: {  	[sflag:s6] =	ssyncadd.s32 $0xFFFFF100  }
0x4a9: {  	[tilespmem:s2], [sflag:$0x3] =	stream.linear.gather [hbm4b:s31+s2], $0x1E0, $0x38;
	[tilespmem:$0x14C40] =	vst v63  }
0x4aa: {  	_ =	swait.ge [sflag:s6], $0x1E0  }
0x4ab: {  	s1 =	sld [smem:$0x7F0]  }
0x4ac: {  	[sflag:s6] =	ssyncset.done $0x0  }
0x4ad: {  	[sflag:s6] =	ssyncadd.s32 $0xFFFFFE20  }
0x4ae: {  	[tilespmem:s18], [sflag:$0x3] =	stream.linear.gather [hbm4b:s1+s2], $0x1E0, $0x38;
	[tilespmem:$0x14C40] =	vst v63  }
0x4af: {  	_ =	swait.ge [sflag:s6], $0x1E0  }
0x4b0: {  	[sflag:s6] =	ssyncset.done $0x0  }
0x4b1: {  	[sflag:s6] =	ssyncadd.s32 $0xFFFFFE20  }
0x4b2: {  	[tilespmem:s11], [sflag:$0x1] =	stream.indirect.gather [hbm4b:s3+s18], $0x40, s2, s18, $0xb8;
	[tilespmem:$0x14C40] =	vst v63  }
0x4b3: {  	_ = 	snop  }
0x4b4: {  	[tilespmem:s12], [sflag:$0x1] =	stream.indirect.gather [hbm4b:s4+s18], $0x8, s18, s18, $0xb8;
	[tilespmem:$0x14C40] =	vst v63  }
0x4b5: {  	_ =	swait.ge [sflag:s19], $0x7800  }
0x4b6: {  	[sflag:s19] =	ssyncset.done $0x0  }
0x4b7: {  	[sflag:s19] =	ssyncadd.s32 $0xFFFF8800  }
0x4b8: {  	_ =	swait.ge [sflag:s19], $0xF00  }
0x4b9: {  	s8 =	sld [smem:$0x7F1]  }
0x4ba: {  	[sflag:s19] =	ssyncset.done $0x0  }
0x4bb: {  	[sflag:s19] =	ssyncadd.s32 $0xFFFFF100  }
0x4bc: {  	[hbm4b:s8+s20] =	stream.strided.scatter [tilespmem:s11], [sflag:$0x3], $0x7800, s15, s20, $0x38;
	[tilespmem:$0x14C40] =	vst v63  }
0x4bd: {  	_ =	swait.ge [sflag:s6], $0x7800  }
0x4be: {  	s31 =	sld [smem:$0x7F2]  }
0x4bf: {  	[sflag:s6] =	ssyncset.done $0x0  }
0x4c0: {  	[sflag:s6] =	ssyncadd.s32 $0xFFFF8800  }
0x4c1: {  	[hbm4b:s31+s16] =	stream.strided.scatter [tilespmem:s12], [sflag:$0x3], $0xF00, s15, s16, $0x38;
	[tilespmem:$0x14C40] =	vst v63  }
0x4c2: {  	_ =	swait.ge [sflag:s6], $0xF00  }
0x4c3: {  	s1 =	sld [smem:$0x7F3]  }
0x4c4: {  	[sflag:s6] =	ssyncset.done $0x0  }
0x4c5: {  	[sflag:s6] =	ssyncadd.s32 $0xFFFFF100  }
0x4c6: {  	[tilespmem:s2], [sflag:$0x3] =	stream.linear.gather [hbm4b:s1+s2], $0x1E0, $0x38;
	[tilespmem:$0x14C40] =	vst v63  }
0x4c7: {  	_ =	swait.ge [sflag:s6], $0x1E0  }
0x4c8: {  	s8 =	sld [smem:$0x7F4]  }
0x4c9: {  	[sflag:s6] =	ssyncset.done $0x0  }
0x4ca: {  	[sflag:s6] =	ssyncadd.s32 $0xFFFFFE20  }
0x4cb: {  	[tilespmem:s18], [sflag:$0x3] =	stream.linear.gather [hbm4b:s8+s2], $0x1E0, $0x38;
	[tilespmem:$0x14C40] =	vst v63  }
0x4cc: {  	_ =	swait.ge [sflag:s6], $0x1E0  }
0x4cd: {  	[sflag:s6] =	ssyncset.done $0x0  }
0x4ce: {  	[sflag:s6] =	ssyncadd.s32 $0xFFFFFE20  }
0x4cf: {  	[tilespmem:s11], [sflag:$0x1] =	stream.indirect.gather [hbm4b:s3+s18], $0x40, s2, s18, $0xb8;
	[tilespmem:$0x14C40] =	vst v63  }
0x4d0: {  	_ = 	snop  }
0x4d1: {  	[tilespmem:s12], [sflag:$0x1] =	stream.indirect.gather [hbm4b:s4+s18], $0x8, s18, s18, $0xb8;
	[tilespmem:$0x14C40] =	vst v63  }
0x4d2: {  	_ =	swait.ge [sflag:s19], $0x7800  }
0x4d3: {  	[sflag:s19] =	ssyncset.done $0x0  }
0x4d4: {  	[sflag:s19] =	ssyncadd.s32 $0xFFFF8800  }
0x4d5: {  	_ =	swait.ge [sflag:s19], $0xF00  }
0x4d6: {  	s31 =	sld [smem:$0x7F5]  }
0x4d7: {  	[sflag:s19] =	ssyncset.done $0x0  }
0x4d8: {  	[sflag:s19] =	ssyncadd.s32 $0xFFFFF100  }
0x4d9: {  	[hbm4b:s31+s20] =	stream.strided.scatter [tilespmem:s11], [sflag:$0x3], $0x7800, s15, s20, $0x38;
	[tilespmem:$0x14C40] =	vst v63  }
0x4da: {  	_ =	swait.ge [sflag:s6], $0x7800  }
0x4db: {  	s1 =	sld [smem:$0x7F6]  }
0x4dc: {  	[sflag:s6] =	ssyncset.done $0x0  }
0x4dd: {  	[sflag:s6] =	ssyncadd.s32 $0xFFFF8800  }
0x4de: {  	[hbm4b:s1+s16] =	stream.strided.scatter [tilespmem:s12], [sflag:$0x3], $0xF00, s15, s16, $0x38;
	[tilespmem:$0x14C40] =	vst v63  }
0x4df: {  	_ =	swait.ge [sflag:s6], $0xF00  }
0x4e0: {  	s8 =	sld [smem:$0x7F7]  }
0x4e1: {  	[sflag:s6] =	ssyncset.done $0x0  }
0x4e2: {  	[sflag:s6] =	ssyncadd.s32 $0xFFFFF100  }
0x4e3: {  	[tilespmem:s2], [sflag:$0x3] =	stream.linear.gather [hbm4b:s8+s2], $0x1E0, $0x38;
	[tilespmem:$0x14C40] =	vst v63  }
0x4e4: {  	_ =	swait.ge [sflag:s6], $0x1E0  }
0x4e5: {  	s31 =	sld [smem:$0x7F8]  }
0x4e6: {  	[sflag:s6] =	ssyncset.done $0x0  }
0x4e7: {  	[sflag:s6] =	ssyncadd.s32 $0xFFFFFE20  }
0x4e8: {  	[tilespmem:s18], [sflag:$0x3] =	stream.linear.gather [hbm4b:s31+s2], $0x1E0, $0x38;
	[tilespmem:$0x14C40] =	vst v63  }
0x4e9: {  	_ =	swait.ge [sflag:s6], $0x1E0  }
0x4ea: {  	[sflag:s6] =	ssyncset.done $0x0  }
0x4eb: {  	[sflag:s6] =	ssyncadd.s32 $0xFFFFFE20  }
0x4ec: {  	[tilespmem:s11], [sflag:$0x1] =	stream.indirect.gather [hbm4b:s3+s18], $0x40, s2, s18, $0xb8;
	[tilespmem:$0x14C40] =	vst v63  }
0x4ed: {  	_ = 	snop  }
0x4ee: {  	[tilespmem:s12], [sflag:$0x1] =	stream.indirect.gather [hbm4b:s4+s18], $0x8, s18, s18, $0xb8;
	[tilespmem:$0x14C40] =	vst v63  }
0x4ef: {  	_ =	swait.ge [sflag:s19], $0x7800  }
0x4f0: {  	[sflag:s19] =	ssyncset.done $0x0  }
0x4f1: {  	[sflag:s19] =	ssyncadd.s32 $0xFFFF8800  }
0x4f2: {  	_ =	swait.ge [sflag:s19], $0xF00  }
0x4f3: {  	s1 =	sld [smem:$0x7F9]  }
0x4f4: {  	[sflag:s19] =	ssyncset.done $0x0  }
0x4f5: {  	[sflag:s19] =	ssyncadd.s32 $0xFFFFF100  }
0x4f6: {  	[hbm4b:s1+s20] =	stream.strided.scatter [tilespmem:s11], [sflag:$0x3], $0x7800, s15, s20, $0x38;
	[tilespmem:$0x14C40] =	vst v63  }
0x4f7: {  	_ =	swait.ge [sflag:s6], $0x7800  }
0x4f8: {  	s8 =	sld [smem:$0x7FA]  }
0x4f9: {  	[sflag:s6] =	ssyncset.done $0x0  }
0x4fa: {  	[sflag:s6] =	ssyncadd.s32 $0xFFFF8800  }
0x4fb: {  	[hbm4b:s8+s16] =	stream.strided.scatter [tilespmem:s12], [sflag:$0x3], $0xF00, s15, s16, $0x38;
	[tilespmem:$0x14C40] =	vst v63  }
0x4fc: {  	_ =	swait.ge [sflag:s6], $0xF00  }
0x4fd: {  	s31 =	sld [smem:$0x7FB]  }
0x4fe: {  	[sflag:s6] =	ssyncset.done $0x0  }
0x4ff: {  	[sflag:s6] =	ssyncadd.s32 $0xFFFFF100  }
0x500: {  	[tilespmem:s2], [sflag:$0x3] =	stream.linear.gather [hbm4b:s31+s2], $0x1E0, $0x38;
	[tilespmem:$0x14C40] =	vst v63  }
0x501: {  	_ =	swait.ge [sflag:s6], $0x1E0  }
0x502: {  	s1 =	sld [smem:$0x7FC]  }
0x503: {  	[sflag:s6] =	ssyncset.done $0x0  }
0x504: {  	[sflag:s6] =	ssyncadd.s32 $0xFFFFFE20  }
0x505: {  	[tilespmem:s18], [sflag:$0x3] =	stream.linear.gather [hbm4b:s1+s2], $0x1E0, $0x38;
	[tilespmem:$0x14C40] =	vst v63  }
0x506: {  	_ =	swait.ge [sflag:s6], $0x1E0  }
0x507: {  	[sflag:s6] =	ssyncset.done $0x0  }
0x508: {  	[sflag:s6] =	ssyncadd.s32 $0xFFFFFE20  }
0x509: {  	[tilespmem:s11], [sflag:$0x1] =	stream.indirect.gather [hbm4b:s3+s18], $0x40, s2, s18, $0xb8;
	[tilespmem:$0x14C40] =	vst v63  }
0x50a: {  	_ = 	snop  }
0x50b: {  	[tilespmem:s12], [sflag:$0x1] =	stream.indirect.gather [hbm4b:s4+s18], $0x8, s18, s18, $0xb8;
	[tilespmem:$0x14C40] =	vst v63  }
0x50c: {  	_ =	swait.ge [sflag:s19], $0x7800  }
0x50d: {  	[sflag:s19] =	ssyncset.done $0x0  }
0x50e: {  	[sflag:s19] =	ssyncadd.s32 $0xFFFF8800  }
0x50f: {  	_ =	swait.ge [sflag:s19], $0xF00  }
0x510: {  	s8 =	sld [smem:$0x7FD]  }
0x511: {  	[sflag:s19] =	ssyncset.done $0x0  }
0x512: {  	[sflag:s19] =	ssyncadd.s32 $0xFFFFF100  }
0x513: {  	[hbm4b:s8+s20] =	stream.strided.scatter [tilespmem:s11], [sflag:$0x3], $0x7800, s15, s20, $0x38;
	[tilespmem:$0x14C40] =	vst v63  }
0x514: {  	_ =	swait.ge [sflag:s6], $0x7800  }
0x515: {  	[sflag:s6] =	ssyncset.done $0x0  }
0x516: {  	[sflag:s6] =	ssyncadd.s32 $0xFFFF8800  }
0x517: {  	[hbm4b:s30+s16] =	stream.strided.scatter [tilespmem:s12], [sflag:$0x3], $0xF00, s15, s16, $0x38;
	[tilespmem:$0x14C40] =	vst v63  }
0x518: {  	_ =	swait.ge [sflag:s6], $0xF00  }
0x519: {  	[sflag:s6] =	ssyncset.done $0x0  }
0x51a: {  	[sflag:s6] =	ssyncadd.s32 $0xFFFFF100  }
0x51b: {  	[tilespmem:s2], [sflag:$0x3] =	stream.linear.gather [hbm4b:s29+s2], $0x1E0, $0x38;
	[tilespmem:$0x14C40] =	vst v63  }
0x51c: {  	_ =	swait.ge [sflag:s6], $0x1E0  }
0x51d: {  	[sflag:s6] =	ssyncset.done $0x0  }
0x51e: {  	[sflag:s6] =	ssyncadd.s32 $0xFFFFFE20  }
0x51f: {  	[tilespmem:s18], [sflag:$0x3] =	stream.linear.gather [hbm4b:s28+s2], $0x1E0, $0x38;
	[tilespmem:$0x14C40] =	vst v63  }
0x520: {  	_ =	swait.ge [sflag:s6], $0x1E0  }
0x521: {  	[sflag:s6] =	ssyncset.done $0x0  }
0x522: {  	[sflag:s6] =	ssyncadd.s32 $0xFFFFFE20  }
0x523: {  	[tilespmem:s11], [sflag:$0x1] =	stream.indirect.gather [hbm4b:s3+s18], $0x40, s2, s18, $0xb8;
	[tilespmem:$0x14C40] =	vst v63  }
0x524: {  	_ = 	snop  }
0x525: {  	[tilespmem:s12], [sflag:$0x1] =	stream.indirect.gather [hbm4b:s4+s18], $0x8, s18, s18, $0xb8;
	[tilespmem:$0x14C40] =	vst v63  }
0x526: {  	_ =	swait.ge [sflag:s19], $0x7800  }
0x527: {  	[sflag:s19] =	ssyncset.done $0x0  }
0x528: {  	[sflag:s19] =	ssyncadd.s32 $0xFFFF8800  }
0x529: {  	_ =	swait.ge [sflag:s19], $0xF00  }
0x52a: {  	[sflag:s19] =	ssyncset.done $0x0  }
0x52b: {  	[sflag:s19] =	ssyncadd.s32 $0xFFFFF100  }
0x52c: {  	[hbm4b:s26+s20] =	stream.strided.scatter [tilespmem:s11], [sflag:$0x3], $0x7800, s15, s20, $0x38;
	[tilespmem:$0x14C40] =	vst v63  }
0x52d: {  	_ =	swait.ge [sflag:s6], $0x7800  }
0x52e: {  	[sflag:s6] =	ssyncset.done $0x0  }
0x52f: {  	[sflag:s6] =	ssyncadd.s32 $0xFFFF8800  }
0x530: {  	[hbm4b:s25+s16] =	stream.strided.scatter [tilespmem:s12], [sflag:$0x3], $0xF00, s15, s16, $0x38;
	[tilespmem:$0x14C40] =	vst v63  }
0x531: {  	_ =	swait.ge [sflag:s6], $0xF00  }
0x532: {  	[sflag:s6] =	ssyncset.done $0x0  }
0x533: {  	[sflag:s6] =	ssyncadd.s32 $0xFFFFF100  }
0x534: {  	[tilespmem:s2], [sflag:$0x3] =	stream.linear.gather [hbm4b:s24+s2], $0x1E0, $0x38;
	[tilespmem:$0x14C40] =	vst v63  }
0x535: {  	_ =	swait.ge [sflag:s6], $0x1E0  }
0x536: {  	[sflag:s6] =	ssyncset.done $0x0  }
0x537: {  	[sflag:s6] =	ssyncadd.s32 $0xFFFFFE20  }
0x538: {  	[tilespmem:s18], [sflag:$0x3] =	stream.linear.gather [hbm4b:s23+s2], $0x1E0, $0x38;
	[tilespmem:$0x14C40] =	vst v63  }
0x539: {  	_ =	swait.ge [sflag:s6], $0x1E0  }
0x53a: {  	[sflag:s6] =	ssyncset.done $0x0  }
0x53b: {  	[sflag:s6] =	ssyncadd.s32 $0xFFFFFE20  }
0x53c: {  	[tilespmem:s11], [sflag:$0x1] =	stream.indirect.gather [hbm4b:s3+s18], $0x40, s2, s18, $0xb8;
	[tilespmem:$0x14C40] =	vst v63  }
0x53d: {  	_ = 	snop  }
0x53e: {  	[tilespmem:s12], [sflag:$0x1] =	stream.indirect.gather [hbm4b:s4+s18], $0x8, s18, s18, $0xb8;
	[tilespmem:$0x14C40] =	vst v63  }
0x53f: {  	_ =	swait.ge [sflag:s19], $0x7800  }
0x540: {  	[sflag:s19] =	ssyncset.done $0x0  }
0x541: {  	[sflag:s19] =	ssyncadd.s32 $0xFFFF8800  }
0x542: {  	_ =	swait.ge [sflag:s19], $0xF00  }
0x543: {  	[sflag:s19] =	ssyncset.done $0x0  }
0x544: {  	[sflag:s19] =	ssyncadd.s32 $0xFFFFF100  }
0x545: {  	[hbm4b:s22+s20] =	stream.strided.scatter [tilespmem:s11], [sflag:$0x3], $0x7800, s15, s20, $0x38;
	[tilespmem:$0x14C40] =	vst v63  }
0x546: {  	_ =	swait.ge [sflag:s6], $0x7800  }
0x547: {  	[sflag:s6] =	ssyncset.done $0x0  }
0x548: {  	[sflag:s6] =	ssyncadd.s32 $0xFFFF8800  }
0x549: {  	[hbm4b:s21+s16] =	stream.strided.scatter [tilespmem:s12], [sflag:$0x3], $0xF00, s15, s16, $0x38;
	[tilespmem:$0x14C40] =	vst v63  }
0x54a: {  	_ =	swait.ge [sflag:s6], $0xF00  }
0x54b: {  	[sflag:s6] =	ssyncset.done $0x0  }
0x54c: {  	[sflag:s6] =	ssyncadd.s32 $0xFFFFF100  }
0x54d: {  	[tilespmem:s2], [sflag:$0x3] =	stream.linear.gather [hbm4b:s17+s2], $0x1E0, $0x38;
	[tilespmem:$0x14C40] =	vst v63  }
0x54e: {  	_ =	swait.ge [sflag:s6], $0x1E0  }
0x54f: {  	[sflag:s6] =	ssyncset.done $0x0  }
0x550: {  	[sflag:s6] =	ssyncadd.s32 $0xFFFFFE20  }
0x551: {  	[tilespmem:s18], [sflag:$0x3] =	stream.linear.gather [hbm4b:s14+s2], $0x1E0, $0x38;
	[tilespmem:$0x14C40] =	vst v63  }
0x552: {  	_ =	swait.ge [sflag:s6], $0x1E0  }
0x553: {  	[sflag:s6] =	ssyncset.done $0x0  }
0x554: {  	[sflag:s6] =	ssyncadd.s32 $0xFFFFFE20  }
0x555: {  	[tilespmem:s11], [sflag:$0x1] =	stream.indirect.gather [hbm4b:s3+s18], $0x40, s2, s18, $0xb8;
	[tilespmem:$0x14C40] =	vst v63  }
0x556: {  	_ = 	snop  }
0x557: {  	[tilespmem:s12], [sflag:$0x1] =	stream.indirect.gather [hbm4b:s4+s18], $0x8, s18, s18, $0xb8;
	[tilespmem:$0x14C40] =	vst v63  }
0x558: {  	_ =	swait.ge [sflag:s19], $0x7800  }
0x559: {  	[sflag:s19] =	ssyncset.done $0x0  }
0x55a: {  	[sflag:s19] =	ssyncadd.s32 $0xFFFF8800  }
0x55b: {  	_ =	swait.ge [sflag:s19], $0xF00  }
0x55c: {  	[sflag:s19] =	ssyncset.done $0x0  }
0x55d: {  	[sflag:s19] =	ssyncadd.s32 $0xFFFFF100  }
0x55e: {  	[hbm4b:s13+s20] =	stream.strided.scatter [tilespmem:s11], [sflag:$0x3], $0x7800, s15, s20, $0x38;
	[tilespmem:$0x14C40] =	vst v63  }
0x55f: {  	_ =	swait.ge [sflag:s6], $0x7800  }
0x560: {  	[sflag:s6] =	ssyncset.done $0x0  }
0x561: {  	[sflag:s6] =	ssyncadd.s32 $0xFFFF8800  }
0x562: {  	[hbm4b:s9+s16] =	stream.strided.scatter [tilespmem:s12], [sflag:$0x3], $0xF00, s15, s16, $0x38;
	[tilespmem:$0x14C40] =	vst v63  }
0x563: {  	_ =	swait.ge [sflag:s6], $0xF00  }
0x564: {  	[sflag:s6] =	ssyncset.done $0x0  }
0x565: {  	[sflag:s6] =	ssyncadd.s32 $0xFFFFF100  }
0x566: {  	_ =	swait.ge [sflag:s10], $0xC000  }
0x567: {  	[sflag:s10] =	ssyncset.done $0x0  }
0x568: {  	[sflag:s10] =	ssyncadd.s32 $0xFFFF4000  }
0x569: {  	[hbm4b:s5+s2] =	stream.linear.scatter [tilespmem:s7], [sflag:$0x3], $0xC000, $0x38;
	[tilespmem:$0x14C40] =	vst v63  }
0x56a: {  	_ =	swait.ge [sflag:s6], $0xC000  }
0x56b: {  	[sflag:s6] =	ssyncset.done $0x0  }
0x56c: {  	[sflag:s6] =	ssyncadd.s32 $0xFFFF4000  }
0x56d: {  	_ =	sfence.sel $0x180000  }
0x56e: {  	[bflag:$0x0] =	sbarrier.arrive $0xFFFF  }
0x56f: {  	_ =	strace $0x90000047  }
0x570: {  	s31 =	stileid.u32;
	[bflag:$0x2] =	sbarrier.arrive $0xFFFF  }
0x571: {  	p0 =	sne.s32 s31, $0x0;
	s0 =	rddreg [dreg:$0x3]  }
0x572: {  	s0 =	sadd.s32 @!p0 $0x100000, s0  }
0x573: {  	[sflag:s0] =	ssyncadd.tile.s32 @!p0 $0x1;
	_ =	shalt  }
.LBB2_1:
.Ltmp3:
0x574: {  	(pc) =	sbr.rel .LBB2_6-.Ltmp3, $2  }
0x575: {  	_ =	sdelay $0x2  }
0x576: {  	s31 =	simm.s32 $0x180  }
.LBB2_7:
.Ltmp4:
0x577: {  	(pc) =	sbr.rel .LBB2_6-.Ltmp4, $2  }
0x578: {  	_ =	sdelay $0x2  }
0x579: {  	s31 =	simm.s32 $0x180;
	s7 =	simm.s32 $0x8C40;
	s8 =	simm.s32 $0x8AC0  }
.Lfunc_end2:
_tile_overlayer_lowered:
.L_overlay_start_2:
0x57a: {  	(tag) =	ssettag $0x2  }
0x57b: {  	s0 =	rddreg [dreg:$0x0];
	s2 =	stileid.u32  }
0x57c: {  	s1 =	rddreg [dreg:$0x1];
	p0 =	sne.s32 s2, $0x0  }
0x57d: {  	s3 =	rddreg [dreg:$0x2];
	[bflag:$0x3] =	sbarrier.arrive $0xFFFF;
	s2 =	simm.s32 @!p0 $0x1C03  }
0x57e: {  	[timem:s3], [sflag:s2] =	dma.local @!p0 [hbm:s0], s1  }
0x57f: {  	s0 =	simm.s32 @!p0 $0x3  }
0x580: {  	_ =	swait.ge @!p0 [sflag:s0], s1  }
0x581: {  	s1 =	ssub.s32 @!p0 $0x0, s1;
	[sflag:s0] =	ssyncset.done @!p0 $0x0  }
0x582: {  	[sflag:s0] =	ssyncadd.s32 @!p0 s1  }
0x583: {  	[bflag:$0x3] =	sbarrier.arrive $0xFFFF  }
0x584: {  	_ =	shalt  }

</sc_bundles>
